<compile_context>
chip_gen: v7x
topology: tpu7x:2x2x1
jax: 0.10.2.dev20260603
libtpu: 0.0.44.dev20260713+nightly
codegen_flags: <defaults>
</compile_context>

<pallas_src>
import functools

import jax
import jax.numpy as jnp
from jax import lax
from jax.experimental import pallas as pl
from jax.experimental.pallas import tpu as pltpu
from jax.experimental.pallas import tpu_sc as plsc

B = 16384
IN = 118
K = 1024
D = 64
NG = 2
COMMIT = 0.25

H = B // 2
BBE = 4096
NBE = H // BBE
BBD = 4096
NBD = B // BBD

NC = 2
NS = 16
NW = NC * NS
BPW = B // NW
L = 16


def _encode_body(xt_ref, w1, w2, w3, w4t, et_ref, cst_ref,
                 zet_ref, idx_ref):
    cst = cst_ref[...]
    esq = cst[0:K]
    b1 = cst[K:K + 60]
    b2 = cst[K + 64:K + 64 + 30]
    b3 = cst[K + 128:K + 128 + 10]
    b4 = cst[K + 192:K + 192 + D]
    xt = xt_ref[...]
    h = jnp.tanh(jnp.dot(w1[...], xt) + b1)
    h = jnp.tanh(jnp.dot(w2[...], h) + b2)
    h = jnp.tanh(jnp.dot(w3[...], h) + b3)
    zet = lax.dot_general(w4t[...], h, (((0,), (0,)), ((), ()))) + b4
    zet_ref[...] = zet
    m2 = lax.dot_general(et_ref[...], -2.0 * zet,
                         (((0,), (0,)), ((), ())))
    zsq = jnp.sum(zet * zet, axis=0, keepdims=True)
    dist = (zsq + esq) + m2
    dmin = jnp.min(dist, axis=0, keepdims=True)
    iota = lax.broadcasted_iota(jnp.int32, (K, 1), 0)
    idx = jnp.min(jnp.where(dist == dmin, iota, jnp.int32(K)), axis=0,
                  keepdims=True)
    idx_ref[...] = idx


def _encode(xt, w1, w2, w3, w4, et, cst, half):
    full = lambda *s: pl.BlockSpec(s, lambda i: (0,) * len(s))
    off = half * (H // BBE)
    return pl.pallas_call(
        _encode_body,
        grid=(NBE,),
        in_specs=[
            pl.BlockSpec((IN, BBE), lambda i: (0, i + off)),
            full(60, IN),
            full(30, 60),
            full(10, 30),
            full(10, D),
            full(D, K), full(K + 256, 1),
        ],
        out_specs=[
            pl.BlockSpec((D, BBE), lambda i: (0, i)),
            pl.BlockSpec((1, BBE), lambda i: (0, i)),
        ],
        out_shape=[
            jax.ShapeDtypeStruct((D, H), jnp.float32),
            jax.ShapeDtypeStruct((1, H), jnp.int32),
        ],
    )(xt, w1, w2, w3, w4, et, cst)


_sc_gather_impl = None


def _build_sc_gather():
    mesh = plsc.VectorSubcoreMesh(core_axis_name="c", subcore_axis_name="s",
                                  num_cores=NC, num_subcores=NS)
    DGN = 4
    BGN = NW // DGN
    DPG = D // DGN
    BPG = H // BGN
    NGRP = BPG // L

    @functools.partial(
        pl.kernel,
        mesh=mesh,
        compiler_params=pltpu.CompilerParams(needs_layout_passes=False,
                                             skip_device_barrier=True),
        out_type=jax.ShapeDtypeStruct((D, H), jnp.float32),
        scratch_types=[
            pltpu.VMEM((DPG, K), jnp.float32),
            pltpu.VMEM((BPG,), jnp.int32),
            pltpu.VMEM((DPG, BPG), jnp.float32),
        ],
    )
    def body(et_hbm, idx_hbm, out_hbm, et_v, idx_v, zqt_v):
        wid = lax.axis_index("s") * NC + lax.axis_index("c")
        dg = wid // BGN
        bg = wid % BGN
        pltpu.sync_copy(et_hbm.at[pl.ds(dg * DPG, DPG)], et_v)
        pltpu.sync_copy(idx_hbm.at[pl.ds(bg * BPG, BPG)], idx_v)

        def grp_body(g, carry):
            idxv = idx_v[pl.ds(g * L, L)]
            for dl in range(DPG):
                dsplat = jnp.full((L,), dl, jnp.int32)
                col = plsc.load_gather(et_v, [dsplat, idxv])
                zqt_v[dl, pl.ds(g * L, L)] = col
            return carry

        lax.fori_loop(0, NGRP, grp_body, 0, unroll=4)
        pltpu.sync_copy(
            zqt_v, out_hbm.at[pl.ds(dg * DPG, DPG), pl.ds(bg * BPG, BPG)])

    return body


def _sc_gather(et_flat, idx):
    global _sc_gather_impl
    if _sc_gather_impl is None:
        _sc_gather_impl = _build_sc_gather()
    return _sc_gather_impl(et_flat, idx)


def _decode_body(xt_ref, zet0_ref, zet1_ref, zqt0_ref, zqt1_ref,
                 w5, w6t, w7t, w8t, w9, w10,
                 cst_ref, zet_ref, zqt_ref, xht_ref, zaugt_ref, gt_ref,
                 vq_ref):
    cst = cst_ref[...]
    b5 = cst[0:10]
    b6 = cst[64:64 + 30]
    b7 = cst[128:128 + 60]
    b8 = cst[192:192 + IN]
    b9 = cst[320:320 + 10]
    b10 = cst[384:384 + NG]
    half0 = pl.program_id(0) < (NBD // 2)
    zet_v = jnp.where(half0, zet0_ref[...], zet1_ref[...])
    zqt = jnp.where(half0, zqt0_ref[...], zqt1_ref[...])
    zet_ref[...] = zet_v
    zqt_ref[...] = zqt
    tdot = lambda a, b: lax.dot_general(a, b, (((0,), (0,)), ((), ())))
    h = jnp.tanh(jnp.dot(w5[...], zqt) + b5)
    h = jnp.tanh(tdot(w6t[...], h) + b6)
    h = jnp.tanh(tdot(w7t[...], h) + b7)
    xht = tdot(w8t[...], h) + b8
    xht_ref[...] = xht
    xt = xt_ref[...]
    diff = xt - xht
    dn = jnp.sqrt(jnp.sum(diff * diff, axis=0, keepdims=True))
    xn = jnp.sqrt(jnp.sum(xt * xt, axis=0, keepdims=True))
    xhn = jnp.sqrt(jnp.sum(xht * xht, axis=0, keepdims=True))
    rec1 = dn / (xn + 1e-12)
    rec2 = jnp.sum(xt * xht, axis=0, keepdims=True) / (
        jnp.maximum(xn, 1e-8) * jnp.maximum(xhn, 1e-8))
    zaugt = jnp.concatenate([zqt, rec1, rec2], axis=0)
    zaugt_ref[...] = zaugt
    h9 = jnp.tanh(jnp.dot(w9[...], zaugt) + b9)
    logits = jnp.dot(w10[...], h9) + b10
    lmax = jnp.max(logits, axis=0, keepdims=True)
    e = jnp.exp(logits - lmax)
    gt_ref[...] = e / jnp.sum(e, axis=0, keepdims=True)
    d = zqt - zet_v
    s = jnp.sum(d * d)
    i = pl.program_id(0)

    @pl.when(i == 0)
    def _():
        vq_ref[0, 0, 0] = s

    @pl.when(i > 0)
    def _():
        vq_ref[0, 0, 0] += s

    @pl.when(i == NBD - 1)
    def _():
        m = vq_ref[0, 0, 0] / (B * D)
        vq_ref[0, 0, 0] = m + COMMIT * m


def _decode(xt, zet0, zet1, zqt0, zqt1, w5, w6, w7, w8, w9, w10, cst):
    full = lambda *s: pl.BlockSpec(s, lambda i: (0,) * len(s))
    nh = NBD // 2
    lo = lambda i: (0, jnp.where(i < nh, i, 0))
    hi = lambda i: (0, jnp.where(i < nh, 0, i - nh))
    return pl.pallas_call(
        _decode_body,
        grid=(NBD,),
        in_specs=[
            pl.BlockSpec((IN, BBD), lambda i: (0, i)),
            pl.BlockSpec((D, BBD), lo),
            pl.BlockSpec((D, BBD), hi),
            pl.BlockSpec((D, BBD), lo),
            pl.BlockSpec((D, BBD), hi),
            full(10, D),
            full(10, 30),
            full(30, 60),
            full(60, IN),
            full(10, D + 2),
            full(NG, 10),
            full(386, 1),
        ],
        out_specs=[
            pl.BlockSpec((D, BBD), lambda i: (0, i)),
            pl.BlockSpec((D, BBD), lambda i: (0, i)),
            pl.BlockSpec((IN, BBD), lambda i: (0, i)),
            pl.BlockSpec((D + 2, BBD), lambda i: (0, i)),
            pl.BlockSpec((NG, BBD), lambda i: (0, i)),
            pl.BlockSpec((1, 1, 1), lambda i: (0, 0, 0),
                         memory_space=pltpu.SMEM),
        ],
        out_shape=[
            jax.ShapeDtypeStruct((D, B), jnp.float32),
            jax.ShapeDtypeStruct((D, B), jnp.float32),
            jax.ShapeDtypeStruct((IN, B), jnp.float32),
            jax.ShapeDtypeStruct((D + 2, B), jnp.float32),
            jax.ShapeDtypeStruct((NG, B), jnp.float32),
            jax.ShapeDtypeStruct((1, 1, 1), jnp.float32),
        ],
    )(xt, zet0, zet1, zqt0, zqt1, w5, w6, w7, w8, w9, w10, cst)


def kernel(x, params):
    p = params
    xt = x.T
    et = p['codebook'].T
    esq = jnp.sum(p['codebook'] ** 2, axis=1)

    enc_cst = jnp.concatenate([
        esq,
        jnp.pad(p['b1'], (0, 4)), jnp.pad(p['b2'], (0, 34)),
        jnp.pad(p['b3'], (0, 54)), p['b4'],
    ]).reshape(K + 256, 1)
    dec_cst = jnp.concatenate([
        jnp.pad(p['b5'], (0, 54)), jnp.pad(p['b6'], (0, 34)),
        jnp.pad(p['b7'], (0, 4)), jnp.pad(p['b8'], (0, 10)),
        jnp.pad(p['b9'], (0, 54)), p['b10'],
    ]).reshape(386, 1)

    zet0, idxh0 = _encode(xt, p['W1'], p['W2'], p['W3'], p['W4'].T, et,
                          enc_cst, 0)
    zqt0 = _sc_gather(et, idxh0.reshape(H))
    zet1, idxh1 = _encode(xt, p['W1'], p['W2'], p['W3'], p['W4'].T, et,
                          enc_cst, 1)
    zqt1 = _sc_gather(et, idxh1.reshape(H))

    zet, zqt, xht, zaugt, gt, vq_out = _decode(
        xt, zet0, zet1, zqt0, zqt1, p['W5'], p['W6'].T, p['W7'].T,
        p['W8'].T, p['W9'], p['W10'], dec_cst)

    vq_loss = vq_out.reshape(())
    return (zet.T, zqt.T, vq_loss, xht.T, zaugt.T, gt.T)

# --- scband reference (transcript-rebuilt; emitter-appended) ---
"""Pipeline reference for scband-dagmm-vqvae-36223754175112 (READ-ONLY COPY).

The authoritative reference and input builder live on the scoring server;
editing this copy changes nothing except your own understanding.
"""

import jax, jax.numpy as jnp
import numpy as np

B = 16384
IN = 118
K = 1024
D = 64  # embedding_dim / z_dim
NG = 2
COMMIT = 0.25

def _lin_params(key, out_f, in_f):
    k1, k2 = jax.random.split(key)
    W = jax.random.normal(k1, (out_f, in_f), dtype=jnp.float32) * 0.05
    b = jax.random.normal(k2, (out_f,), dtype=jnp.float32) * 0.05
    return W, b

def setup_inputs(seed: int = 0) -> dict:
    key = jax.random.key(seed)
    ks = jax.random.split(key, 12)
    x = jax.random.normal(ks[0], (B, IN), dtype=jnp.float32)
    params = {}
    dims = [(60, IN), (30, 60), (10, 30), (D, 10), (10, D), (30, 10), (60, 30), (IN, 60), (10, D + 2), (NG, 10)]
    for i, (o, ii) in enumerate(dims):
        W, b = _lin_params(ks[i + 1], o, ii)
        params['W%d' % (i + 1)] = W
        params['b%d' % (i + 1)] = b
    params['codebook'] = jax.random.uniform(ks[11], (K, D), dtype=jnp.float32, minval=-1.0 / K, maxval=1.0 / K)
    return {'x': x, 'params': params}

def _forward(x, p):
    # encode
    h = jnp.tanh(x @ p['W1'].T + p['b1'])
    h = jnp.tanh(h @ p['W2'].T + p['b2'])
    h = jnp.tanh(h @ p['W3'].T + p['b3'])
    z_e = h @ p['W4'].T + p['b4']
    # vector quantizer
    E = p['codebook']
    distances = jnp.sum(z_e ** 2, axis=1, keepdims=True) + jnp.sum(E ** 2, axis=1) - 2.0 * (z_e @ E.T)
    encoding_indices = jnp.argmin(distances, axis=1)
    z_q = jnp.take(E, encoding_indices, axis=0)
    e_latent_loss = jnp.mean((jax.lax.stop_gradient(z_q) - z_e) ** 2)
    q_latent_loss = jnp.mean((z_q - jax.lax.stop_gradient(z_e)) ** 2)
    vq_loss = q_latent_loss + COMMIT * e_latent_loss
    z_q_st = z_e + jax.lax.stop_gradient(z_q - z_e)
    # decode
    h = jnp.tanh(z_q_st @ p['W5'].T + p['b5'])
    h = jnp.tanh(h @ p['W6'].T + p['b6'])
    h = jnp.tanh(h @ p['W7'].T + p['b7'])
    x_hat = h @ p['W8'].T + p['b8']
    # reconstruction features
    diff_norm = jnp.linalg.norm(x - x_hat, axis=1)
    x_norm = jnp.linalg.norm(x, axis=1)
    xh_norm = jnp.linalg.norm(x_hat, axis=1)
    rec1 = diff_norm / (x_norm + 1e-12)
    rec2 = jnp.sum(x * x_hat, axis=1) / (jnp.maximum(x_norm, 1e-8) * jnp.maximum(xh_norm, 1e-8))
    z_aug = jnp.concatenate([z_q_st, rec1[:, None], rec2[:, None]], axis=1)
    # estimate (eval mode: dropout is identity)
    h = jnp.tanh(z_aug @ p['W9'].T + p['b9'])
    gamma = jax.nn.softmax(h @ p['W10'].T + p['b10'], axis=1)
    return (z_e, z_q_st, vq_loss, x_hat, z_aug, gamma)

def reference(x, params):
    return _forward(x, params)

if __name__ == "__main__":
    import jax
    _d = setup_inputs()
    print(jax.jit(kernel)(*tuple(_d.values())))

</pallas_src>

<mosaic_0001>
#map = affine_map<(d0, d1) -> (0, 0)>
#map1 = affine_map<(d0, d1) -> (0)>
module attributes {stable_mosaic.version = 14 : i64} {
  func.func @body(%arg0: i32, %arg1: i32, %arg2: memref<64x1024xf32, #tpu.memory_space<hbm>>, %arg3: memref<8192xi32, #tpu.memory_space<hbm>>, %arg4: memref<64x8192xf32, #tpu.memory_space<hbm>>, %arg5: memref<16x1024xf32, #tpu.memory_space<vmem>>, %arg6: memref<1024xi32, #tpu.memory_space<vmem>>, %arg7: memref<16x1024xf32, #tpu.memory_space<vmem>>) attributes {dimension_semantics = [#tpu.dimension_semantics<core_parallel>, #tpu.dimension_semantics<subcore_parallel>], iteration_bounds = array<i64: 2, 16>, scalar_prefetch = 0 : i64, scratch_operands = 3 : i64, tpu.core_type = #tpu.core_type<sc_vector_subcore>, window_params = [{transform_indices = #map}, {transform_indices = #map1}, {transform_indices = #map}]} {
    %mul3A = arith.constant 2 : i32
    %mul3A_0 = arith.muli %arg1, %mul3A : i32
    %add3A = arith.addi %mul3A_0, %arg0 : i32
    %jit3A = arith.constant 8 : i32
    %div3A = arith.divsi %add3A, %jit3A : i32
    %sign3A = arith.constant 0 : i32
    %sign3A_1 = arith.cmpi sgt, %add3A, %sign3A : i32
    %sign3A_2 = arith.extui %sign3A_1 : i1 to i32
    %sign3A_3 = arith.constant 0 : i32
    %sign3A_4 = arith.cmpi slt, %add3A, %sign3A_3 : i32
    %sign3A_5 = arith.extui %sign3A_4 : i1 to i32
    %sign3A_6 = arith.subi %sign3A_2, %sign3A_5 : i32
    %sign3A_7 = arith.constant 0 : i32
    %sign3A_8 = arith.cmpi sgt, %jit3A, %sign3A_7 : i32
    %sign3A_9 = arith.extui %sign3A_8 : i1 to i32
    %sign3A_10 = arith.constant 0 : i32
    %sign3A_11 = arith.cmpi slt, %jit3A, %sign3A_10 : i32
    %sign3A_12 = arith.extui %sign3A_11 : i1 to i32
    %sign3A_13 = arith.subi %sign3A_9, %sign3A_12 : i32
    %ne3A = arith.cmpi ne, %sign3A_6, %sign3A_13 : i32
    %rem3A = arith.remsi %add3A, %jit3A : i32
    %ne3A_14 = arith.constant 0 : i32
    %ne3A_15 = arith.cmpi ne, %rem3A, %ne3A_14 : i32
    %and3A = arith.andi %ne3A, %ne3A_15 : i1
    %sub3A = arith.constant 1 : i32
    %sub3A_16 = arith.subi %div3A, %sub3A : i32
    %select_n3A = arith.select %and3A, %sub3A_16, %div3A : i32
    %jit3A_17 = arith.constant 8 : i32
    %eq3A = arith.constant 0 : i32
    %eq3A_18 = arith.cmpi eq, %jit3A_17, %eq3A : i32
    %jit3A_19 = arith.constant 1 : i32
    %select_n3A_20 = arith.select %eq3A_18, %jit3A_19, %jit3A_17 : i32
    %rem3A_21 = arith.remsi %add3A, %select_n3A_20 : i32
    %ne3A_22 = arith.constant 0 : i32
    %ne3A_23 = arith.cmpi ne, %rem3A_21, %ne3A_22 : i32
    %lt3A = arith.constant 0 : i32
    %lt3A_24 = arith.cmpi slt, %rem3A_21, %lt3A : i32
    %lt3A_25 = arith.constant 0 : i32
    %lt3A_26 = arith.cmpi slt, %select_n3A_20, %lt3A_25 : i32
    %ne3A_27 = arith.xori %lt3A_24, %lt3A_26 : i1
    %and3A_28 = arith.andi %ne3A_27, %ne3A_23 : i1
    %add3A_29 = arith.addi %rem3A_21, %select_n3A_20 : i32
    %select_n3A_30 = arith.select %and3A_28, %add3A_29, %rem3A_21 : i32
    %mul3A_31 = arith.constant 16 : i32
    %mul3A_32 = arith.muli %select_n3A, %mul3A_31 : i32
    "tpu.region"() ({
      %run_scoped3A = tpu.sem_alloc : memref<!tpu.dma_semaphore, #tpu.memory_space<semaphore_mem>>
      %dma_start3A = arith.constant 0 : i32
      %dma_start3A_44 = tpu.memref_slice %arg2[%mul3A_32, %dma_start3A] : memref<64x1024xf32, #tpu.memory_space<hbm>> -> memref<16x1024xf32, #tpu.memory_space<hbm>>
      %dma_start3A_45 = arith.constant 0 : i32
      %dma_start3A_46 = tpu.memref_slice %arg2[%mul3A_32, %dma_start3A_45] : memref<64x1024xf32, #tpu.memory_space<hbm>> -> memref<16x1024xf32, #tpu.memory_space<hbm>>
      tpu.enqueue_dma source(%dma_start3A_46 : memref<16x1024xf32, #tpu.memory_space<hbm>>) target(%arg5 : memref<16x1024xf32, #tpu.memory_space<vmem>>) target_semaphore(%run_scoped3A : memref<!tpu.dma_semaphore, #tpu.memory_space<semaphore_mem>>)
      %dma_wait3A = arith.constant 0 : i32
      %dma_wait3A_47 = tpu.memref_slice %arg2[%mul3A_32, %dma_wait3A] : memref<64x1024xf32, #tpu.memory_space<hbm>> -> memref<16x1024xf32, #tpu.memory_space<hbm>>
      %dma_wait3A_48 = arith.constant 0 : i32
      %dma_wait3A_49 = tpu.memref_slice %arg2[%mul3A_32, %dma_wait3A_48] : memref<64x1024xf32, #tpu.memory_space<hbm>> -> memref<16x1024xf32, #tpu.memory_space<hbm>>
      tpu.wait_dma2 semaphore(%run_scoped3A : memref<!tpu.dma_semaphore, #tpu.memory_space<semaphore_mem>>) src(%dma_wait3A_49 : memref<16x1024xf32, #tpu.memory_space<hbm>>) dst(%arg5 : memref<16x1024xf32, #tpu.memory_space<vmem>>)
      tpu.yield
    }) : () -> ()
    %mul3A_33 = arith.constant 1024 : i32
    %mul3A_34 = arith.muli %select_n3A_30, %mul3A_33 : i32
    "tpu.region"() ({
      %run_scoped3A = tpu.sem_alloc : memref<!tpu.dma_semaphore, #tpu.memory_space<semaphore_mem>>
      %dma_start3A = tpu.memref_slice %arg3[%mul3A_34] : memref<8192xi32, #tpu.memory_space<hbm>> -> memref<1024xi32, #tpu.memory_space<hbm>>
      %dma_start3A_44 = tpu.memref_slice %arg3[%mul3A_34] : memref<8192xi32, #tpu.memory_space<hbm>> -> memref<1024xi32, #tpu.memory_space<hbm>>
      tpu.enqueue_dma source(%dma_start3A_44 : memref<1024xi32, #tpu.memory_space<hbm>>) target(%arg6 : memref<1024xi32, #tpu.memory_space<vmem>>) target_semaphore(%run_scoped3A : memref<!tpu.dma_semaphore, #tpu.memory_space<semaphore_mem>>)
      %dma_wait3A = tpu.memref_slice %arg3[%mul3A_34] : memref<8192xi32, #tpu.memory_space<hbm>> -> memref<1024xi32, #tpu.memory_space<hbm>>
      %dma_wait3A_45 = tpu.memref_slice %arg3[%mul3A_34] : memref<8192xi32, #tpu.memory_space<hbm>> -> memref<1024xi32, #tpu.memory_space<hbm>>
      tpu.wait_dma2 semaphore(%run_scoped3A : memref<!tpu.dma_semaphore, #tpu.memory_space<semaphore_mem>>) src(%dma_wait3A_45 : memref<1024xi32, #tpu.memory_space<hbm>>) dst(%arg6 : memref<1024xi32, #tpu.memory_space<vmem>>)
      tpu.yield
    }) : () -> ()
    %scan3A = arith.constant 0 : i32
    %scan3A_35 = arith.constant 0 : i32
    %scan3A_36 = arith.constant 64 : i32
    %scan3A_37 = arith.addi %scan3A_35, %scan3A_36 : i32
    %scan3A_38 = arith.constant 4 : i32
    scf.for %scan3A_44 = %scan3A_35 to %scan3A_37 step %scan3A_38  : i32 {
      %mul3A_45 = arith.constant 16 : i32
      %mul3A_46 = arith.muli %scan3A_44, %mul3A_45 : i32
      %get3A = arith.index_cast %mul3A_46 : i32 to index
      %get3A_47 = tpu.vector_load %arg6[%get3A] {strides = array<i32>} : memref<1024xi32, #tpu.memory_space<vmem>>, vector<16xi32>,
      %broadcast_in_dim3A = arith.constant 0 : i32
      %broadcast_in_dim3A_48 = vector.broadcast %broadcast_in_dim3A : i32 to vector<16xi32>
      %gather3A = tpu.vector_load_idx %arg5[%broadcast_in_dim3A_48, %get3A_47] : memref<16x1024xf32, #tpu.memory_space<vmem>>[vector<16xi32>, vector<16xi32>], vector<16xf32>,
      %mul3A_49 = arith.constant 16 : i32
      %mul3A_50 = arith.muli %scan3A_44, %mul3A_49 : i32
      %swap3A = arith.constant 0 : i32
      %swap3A_51 = arith.index_cast %swap3A : i32 to index
      %swap3A_52 = arith.index_cast %mul3A_50 : i32 to index
      %swap3A_53 = tpu.vector_load %arg7[%swap3A_51, %swap3A_52] {strides = array<i32>} : memref<16x1024xf32, #tpu.memory_space<vmem>>, vector<16xf32>,
      tpu.vector_store %arg7[%swap3A_51, %swap3A_52], %gather3A {strides = array<i32>} : memref<16x1024xf32, #tpu.memory_space<vmem>>, vector<16xf32>,
      %broadcast_in_dim3A_54 = arith.constant 1 : i32
      %broadcast_in_dim3A_55 = vector.broadcast %broadcast_in_dim3A_54 : i32 to vector<16xi32>
      %gather3A_56 = tpu.vector_load_idx %arg5[%broadcast_in_dim3A_55, %get3A_47] : memref<16x1024xf32, #tpu.memory_space<vmem>>[vector<16xi32>, vector<16xi32>], vector<16xf32>,
      %mul3A_57 = arith.constant 16 : i32
      %mul3A_58 = arith.muli %scan3A_44, %mul3A_57 : i32
      %swap3A_59 = arith.constant 1 : i32
      %swap3A_60 = arith.index_cast %swap3A_59 : i32 to index
      %swap3A_61 = arith.index_cast %mul3A_58 : i32 to index
      %swap3A_62 = tpu.vector_load %arg7[%swap3A_60, %swap3A_61] {strides = array<i32>} : memref<16x1024xf32, #tpu.memory_space<vmem>>, vector<16xf32>,
      tpu.vector_store %arg7[%swap3A_60, %swap3A_61], %gather3A_56 {strides = array<i32>} : memref<16x1024xf32, #tpu.memory_space<vmem>>, vector<16xf32>,
      %broadcast_in_dim3A_63 = arith.constant 2 : i32
      %broadcast_in_dim3A_64 = vector.broadcast %broadcast_in_dim3A_63 : i32 to vector<16xi32>
      %gather3A_65 = tpu.vector_load_idx %arg5[%broadcast_in_dim3A_64, %get3A_47] : memref<16x1024xf32, #tpu.memory_space<vmem>>[vector<16xi32>, vector<16xi32>], vector<16xf32>,
      %mul3A_66 = arith.constant 16 : i32
      %mul3A_67 = arith.muli %scan3A_44, %mul3A_66 : i32
      %swap3A_68 = arith.constant 2 : i32
      %swap3A_69 = arith.index_cast %swap3A_68 : i32 to index
      %swap3A_70 = arith.index_cast %mul3A_67 : i32 to index
      %swap3A_71 = tpu.vector_load %arg7[%swap3A_69, %swap3A_70] {strides = array<i32>} : memref<16x1024xf32, #tpu.memory_space<vmem>>, vector<16xf32>,
      tpu.vector_store %arg7[%swap3A_69, %swap3A_70], %gather3A_65 {strides = array<i32>} : memref<16x1024xf32, #tpu.memory_space<vmem>>, vector<16xf32>,
      %broadcast_in_dim3A_72 = arith.constant 3 : i32
      %broadcast_in_dim3A_73 = vector.broadcast %broadcast_in_dim3A_72 : i32 to vector<16xi32>
      %gather3A_74 = tpu.vector_load_idx %arg5[%broadcast_in_dim3A_73, %get3A_47] : memref<16x1024xf32, #tpu.memory_space<vmem>>[vector<16xi32>, vector<16xi32>], vector<16xf32>,
      %mul3A_75 = arith.constant 16 : i32
      %mul3A_76 = arith.muli %scan3A_44, %mul3A_75 : i32
      %swap3A_77 = arith.constant 3 : i32
      %swap3A_78 = arith.index_cast %swap3A_77 : i32 to index
      %swap3A_79 = arith.index_cast %mul3A_76 : i32 to index
      %swap3A_80 = tpu.vector_load %arg7[%swap3A_78, %swap3A_79] {strides = array<i32>} : memref<16x1024xf32, #tpu.memory_space<vmem>>, vector<16xf32>,
      tpu.vector_store %arg7[%swap3A_78, %swap3A_79], %gather3A_74 {strides = array<i32>} : memref<16x1024xf32, #tpu.memory_space<vmem>>, vector<16xf32>,
      %broadcast_in_dim3A_81 = arith.constant 4 : i32
      %broadcast_in_dim3A_82 = vector.broadcast %broadcast_in_dim3A_81 : i32 to vector<16xi32>
      %gather3A_83 = tpu.vector_load_idx %arg5[%broadcast_in_dim3A_82, %get3A_47] : memref<16x1024xf32, #tpu.memory_space<vmem>>[vector<16xi32>, vector<16xi32>], vector<16xf32>,
      %mul3A_84 = arith.constant 16 : i32
      %mul3A_85 = arith.muli %scan3A_44, %mul3A_84 : i32
      %swap3A_86 = arith.constant 4 : i32
      %swap3A_87 = arith.index_cast %swap3A_86 : i32 to index
      %swap3A_88 = arith.index_cast %mul3A_85 : i32 to index
      %swap3A_89 = tpu.vector_load %arg7[%swap3A_87, %swap3A_88] {strides = array<i32>} : memref<16x1024xf32, #tpu.memory_space<vmem>>, vector<16xf32>,
      tpu.vector_store %arg7[%swap3A_87, %swap3A_88], %gather3A_83 {strides = array<i32>} : memref<16x1024xf32, #tpu.memory_space<vmem>>, vector<16xf32>,
      %broadcast_in_dim3A_90 = arith.constant 5 : i32
      %broadcast_in_dim3A_91 = vector.broadcast %broadcast_in_dim3A_90 : i32 to vector<16xi32>
      %gather3A_92 = tpu.vector_load_idx %arg5[%broadcast_in_dim3A_91, %get3A_47] : memref<16x1024xf32, #tpu.memory_space<vmem>>[vector<16xi32>, vector<16xi32>], vector<16xf32>,
      %mul3A_93 = arith.constant 16 : i32
      %mul3A_94 = arith.muli %scan3A_44, %mul3A_93 : i32
      %swap3A_95 = arith.constant 5 : i32
      %swap3A_96 = arith.index_cast %swap3A_95 : i32 to index
      %swap3A_97 = arith.index_cast %mul3A_94 : i32 to index
      %swap3A_98 = tpu.vector_load %arg7[%swap3A_96, %swap3A_97] {strides = array<i32>} : memref<16x1024xf32, #tpu.memory_space<vmem>>, vector<16xf32>,
      tpu.vector_store %arg7[%swap3A_96, %swap3A_97], %gather3A_92 {strides = array<i32>} : memref<16x1024xf32, #tpu.memory_space<vmem>>, vector<16xf32>,
      %broadcast_in_dim3A_99 = arith.constant 6 : i32
      %broadcast_in_dim3A_100 = vector.broadcast %broadcast_in_dim3A_99 : i32 to vector<16xi32>
      %gather3A_101 = tpu.vector_load_idx %arg5[%broadcast_in_dim3A_100, %get3A_47] : memref<16x1024xf32, #tpu.memory_space<vmem>>[vector<16xi32>, vector<16xi32>], vector<16xf32>,
      %mul3A_102 = arith.constant 16 : i32
      %mul3A_103 = arith.muli %scan3A_44, %mul3A_102 : i32
      %swap3A_104 = arith.constant 6 : i32
      %swap3A_105 = arith.index_cast %swap3A_104 : i32 to index
      %swap3A_106 = arith.index_cast %mul3A_103 : i32 to index
      %swap3A_107 = tpu.vector_load %arg7[%swap3A_105, %swap3A_106] {strides = array<i32>} : memref<16x1024xf32, #tpu.memory_space<vmem>>, vector<16xf32>,
      tpu.vector_store %arg7[%swap3A_105, %swap3A_106], %gather3A_101 {strides = array<i32>} : memref<16x1024xf32, #tpu.memory_space<vmem>>, vector<16xf32>,
      %broadcast_in_dim3A_108 = arith.constant 7 : i32
      %broadcast_in_dim3A_109 = vector.broadcast %broadcast_in_dim3A_108 : i32 to vector<16xi32>
      %gather3A_110 = tpu.vector_load_idx %arg5[%broadcast_in_dim3A_109, %get3A_47] : memref<16x1024xf32, #tpu.memory_space<vmem>>[vector<16xi32>, vector<16xi32>], vector<16xf32>,
      %mul3A_111 = arith.constant 16 : i32
      %mul3A_112 = arith.muli %scan3A_44, %mul3A_111 : i32
      %swap3A_113 = arith.constant 7 : i32
      %swap3A_114 = arith.index_cast %swap3A_113 : i32 to index
      %swap3A_115 = arith.index_cast %mul3A_112 : i32 to index
      %swap3A_116 = tpu.vector_load %arg7[%swap3A_114, %swap3A_115] {strides = array<i32>} : memref<16x1024xf32, #tpu.memory_space<vmem>>, vector<16xf32>,
      tpu.vector_store %arg7[%swap3A_114, %swap3A_115], %gather3A_110 {strides = array<i32>} : memref<16x1024xf32, #tpu.memory_space<vmem>>, vector<16xf32>,
      %broadcast_in_dim3A_117 = arith.constant 8 : i32
      %broadcast_in_dim3A_118 = vector.broadcast %broadcast_in_dim3A_117 : i32 to vector<16xi32>
      %gather3A_119 = tpu.vector_load_idx %arg5[%broadcast_in_dim3A_118, %get3A_47] : memref<16x1024xf32, #tpu.memory_space<vmem>>[vector<16xi32>, vector<16xi32>], vector<16xf32>,
      %mul3A_120 = arith.constant 16 : i32
      %mul3A_121 = arith.muli %scan3A_44, %mul3A_120 : i32
      %swap3A_122 = arith.constant 8 : i32
      %swap3A_123 = arith.index_cast %swap3A_122 : i32 to index
      %swap3A_124 = arith.index_cast %mul3A_121 : i32 to index
      %swap3A_125 = tpu.vector_load %arg7[%swap3A_123, %swap3A_124] {strides = array<i32>} : memref<16x1024xf32, #tpu.memory_space<vmem>>, vector<16xf32>,
      tpu.vector_store %arg7[%swap3A_123, %swap3A_124], %gather3A_119 {strides = array<i32>} : memref<16x1024xf32, #tpu.memory_space<vmem>>, vector<16xf32>,
      %broadcast_in_dim3A_126 = arith.constant 9 : i32
      %broadcast_in_dim3A_127 = vector.broadcast %broadcast_in_dim3A_126 : i32 to vector<16xi32>
      %gather3A_128 = tpu.vector_load_idx %arg5[%broadcast_in_dim3A_127, %get3A_47] : memref<16x1024xf32, #tpu.memory_space<vmem>>[vector<16xi32>, vector<16xi32>], vector<16xf32>,
      %mul3A_129 = arith.constant 16 : i32
      %mul3A_130 = arith.muli %scan3A_44, %mul3A_129 : i32
      %swap3A_131 = arith.constant 9 : i32
      %swap3A_132 = arith.index_cast %swap3A_131 : i32 to index
      %swap3A_133 = arith.index_cast %mul3A_130 : i32 to index
      %swap3A_134 = tpu.vector_load %arg7[%swap3A_132, %swap3A_133] {strides = array<i32>} : memref<16x1024xf32, #tpu.memory_space<vmem>>, vector<16xf32>,
      tpu.vector_store %arg7[%swap3A_132, %swap3A_133], %gather3A_128 {strides = array<i32>} : memref<16x1024xf32, #tpu.memory_space<vmem>>, vector<16xf32>,
      %broadcast_in_dim3A_135 = arith.constant 10 : i32
      %broadcast_in_dim3A_136 = vector.broadcast %broadcast_in_dim3A_135 : i32 to vector<16xi32>
      %gather3A_137 = tpu.vector_load_idx %arg5[%broadcast_in_dim3A_136, %get3A_47] : memref<16x1024xf32, #tpu.memory_space<vmem>>[vector<16xi32>, vector<16xi32>], vector<16xf32>,
      %mul3A_138 = arith.constant 16 : i32
      %mul3A_139 = arith.muli %scan3A_44, %mul3A_138 : i32
      %swap3A_140 = arith.constant 10 : i32
      %swap3A_141 = arith.index_cast %swap3A_140 : i32 to index
      %swap3A_142 = arith.index_cast %mul3A_139 : i32 to index
      %swap3A_143 = tpu.vector_load %arg7[%swap3A_141, %swap3A_142] {strides = array<i32>} : memref<16x1024xf32, #tpu.memory_space<vmem>>, vector<16xf32>,
      tpu.vector_store %arg7[%swap3A_141, %swap3A_142], %gather3A_137 {strides = array<i32>} : memref<16x1024xf32, #tpu.memory_space<vmem>>, vector<16xf32>,
      %broadcast_in_dim3A_144 = arith.constant 11 : i32
      %broadcast_in_dim3A_145 = vector.broadcast %broadcast_in_dim3A_144 : i32 to vector<16xi32>
      %gather3A_146 = tpu.vector_load_idx %arg5[%broadcast_in_dim3A_145, %get3A_47] : memref<16x1024xf32, #tpu.memory_space<vmem>>[vector<16xi32>, vector<16xi32>], vector<16xf32>,
      %mul3A_147 = arith.constant 16 : i32
      %mul3A_148 = arith.muli %scan3A_44, %mul3A_147 : i32
      %swap3A_149 = arith.constant 11 : i32
      %swap3A_150 = arith.index_cast %swap3A_149 : i32 to index
      %swap3A_151 = arith.index_cast %mul3A_148 : i32 to index
      %swap3A_152 = tpu.vector_load %arg7[%swap3A_150, %swap3A_151] {strides = array<i32>} : memref<16x1024xf32, #tpu.memory_space<vmem>>, vector<16xf32>,
      tpu.vector_store %arg7[%swap3A_150, %swap3A_151], %gather3A_146 {strides = array<i32>} : memref<16x1024xf32, #tpu.memory_space<vmem>>, vector<16xf32>,
      %broadcast_in_dim3A_153 = arith.constant 12 : i32
      %broadcast_in_dim3A_154 = vector.broadcast %broadcast_in_dim3A_153 : i32 to vector<16xi32>
      %gather3A_155 = tpu.vector_load_idx %arg5[%broadcast_in_dim3A_154, %get3A_47] : memref<16x1024xf32, #tpu.memory_space<vmem>>[vector<16xi32>, vector<16xi32>], vector<16xf32>,
      %mul3A_156 = arith.constant 16 : i32
      %mul3A_157 = arith.muli %scan3A_44, %mul3A_156 : i32
      %swap3A_158 = arith.constant 12 : i32
      %swap3A_159 = arith.index_cast %swap3A_158 : i32 to index
      %swap3A_160 = arith.index_cast %mul3A_157 : i32 to index
      %swap3A_161 = tpu.vector_load %arg7[%swap3A_159, %swap3A_160] {strides = array<i32>} : memref<16x1024xf32, #tpu.memory_space<vmem>>, vector<16xf32>,
      tpu.vector_store %arg7[%swap3A_159, %swap3A_160], %gather3A_155 {strides = array<i32>} : memref<16x1024xf32, #tpu.memory_space<vmem>>, vector<16xf32>,
      %broadcast_in_dim3A_162 = arith.constant 13 : i32
      %broadcast_in_dim3A_163 = vector.broadcast %broadcast_in_dim3A_162 : i32 to vector<16xi32>
      %gather3A_164 = tpu.vector_load_idx %arg5[%broadcast_in_dim3A_163, %get3A_47] : memref<16x1024xf32, #tpu.memory_space<vmem>>[vector<16xi32>, vector<16xi32>], vector<16xf32>,
      %mul3A_165 = arith.constant 16 : i32
      %mul3A_166 = arith.muli %scan3A_44, %mul3A_165 : i32
      %swap3A_167 = arith.constant 13 : i32
      %swap3A_168 = arith.index_cast %swap3A_167 : i32 to index
      %swap3A_169 = arith.index_cast %mul3A_166 : i32 to index
      %swap3A_170 = tpu.vector_load %arg7[%swap3A_168, %swap3A_169] {strides = array<i32>} : memref<16x1024xf32, #tpu.memory_space<vmem>>, vector<16xf32>,
      tpu.vector_store %arg7[%swap3A_168, %swap3A_169], %gather3A_164 {strides = array<i32>} : memref<16x1024xf32, #tpu.memory_space<vmem>>, vector<16xf32>,
      %broadcast_in_dim3A_171 = arith.constant 14 : i32
      %broadcast_in_dim3A_172 = vector.broadcast %broadcast_in_dim3A_171 : i32 to vector<16xi32>
      %gather3A_173 = tpu.vector_load_idx %arg5[%broadcast_in_dim3A_172, %get3A_47] : memref<16x1024xf32, #tpu.memory_space<vmem>>[vector<16xi32>, vector<16xi32>], vector<16xf32>,
      %mul3A_174 = arith.constant 16 : i32
      %mul3A_175 = arith.muli %scan3A_44, %mul3A_174 : i32
      %swap3A_176 = arith.constant 14 : i32
      %swap3A_177 = arith.index_cast %swap3A_176 : i32 to index
      %swap3A_178 = arith.index_cast %mul3A_175 : i32 to index
      %swap3A_179 = tpu.vector_load %arg7[%swap3A_177, %swap3A_178] {strides = array<i32>} : memref<16x1024xf32, #tpu.memory_space<vmem>>, vector<16xf32>,
      tpu.vector_store %arg7[%swap3A_177, %swap3A_178], %gather3A_173 {strides = array<i32>} : memref<16x1024xf32, #tpu.memory_space<vmem>>, vector<16xf32>,
      %broadcast_in_dim3A_180 = arith.constant 15 : i32
      %broadcast_in_dim3A_181 = vector.broadcast %broadcast_in_dim3A_180 : i32 to vector<16xi32>
      %gather3A_182 = tpu.vector_load_idx %arg5[%broadcast_in_dim3A_181, %get3A_47] : memref<16x1024xf32, #tpu.memory_space<vmem>>[vector<16xi32>, vector<16xi32>], vector<16xf32>,
      %mul3A_183 = arith.constant 16 : i32
      %mul3A_184 = arith.muli %scan3A_44, %mul3A_183 : i32
      %swap3A_185 = arith.constant 15 : i32
      %swap3A_186 = arith.index_cast %swap3A_185 : i32 to index
      %swap3A_187 = arith.index_cast %mul3A_184 : i32 to index
      %swap3A_188 = tpu.vector_load %arg7[%swap3A_186, %swap3A_187] {strides = array<i32>} : memref<16x1024xf32, #tpu.memory_space<vmem>>, vector<16xf32>,
      tpu.vector_store %arg7[%swap3A_186, %swap3A_187], %gather3A_182 {strides = array<i32>} : memref<16x1024xf32, #tpu.memory_space<vmem>>, vector<16xf32>,
      %scan3A_189 = arith.constant 1 : i32
      %scan3A_190 = arith.addi %scan3A_44, %scan3A_189 : i32
      %mul3A_191 = arith.constant 16 : i32
      %mul3A_192 = arith.muli %scan3A_190, %mul3A_191 : i32
      %get3A_193 = arith.index_cast %mul3A_192 : i32 to index
      %get3A_194 = tpu.vector_load %arg6[%get3A_193] {strides = array<i32>} : memref<1024xi32, #tpu.memory_space<vmem>>, vector<16xi32>,
      %broadcast_in_dim3A_195 = arith.constant 0 : i32
      %broadcast_in_dim3A_196 = vector.broadcast %broadcast_in_dim3A_195 : i32 to vector<16xi32>
      %gather3A_197 = tpu.vector_load_idx %arg5[%broadcast_in_dim3A_196, %get3A_194] : memref<16x1024xf32, #tpu.memory_space<vmem>>[vector<16xi32>, vector<16xi32>], vector<16xf32>,
      %mul3A_198 = arith.constant 16 : i32
      %mul3A_199 = arith.muli %scan3A_190, %mul3A_198 : i32
      %swap3A_200 = arith.constant 0 : i32
      %swap3A_201 = arith.index_cast %swap3A_200 : i32 to index
      %swap3A_202 = arith.index_cast %mul3A_199 : i32 to index
      %swap3A_203 = tpu.vector_load %arg7[%swap3A_201, %swap3A_202] {strides = array<i32>} : memref<16x1024xf32, #tpu.memory_space<vmem>>, vector<16xf32>,
      tpu.vector_store %arg7[%swap3A_201, %swap3A_202], %gather3A_197 {strides = array<i32>} : memref<16x1024xf32, #tpu.memory_space<vmem>>, vector<16xf32>,
      %broadcast_in_dim3A_204 = arith.constant 1 : i32
      %broadcast_in_dim3A_205 = vector.broadcast %broadcast_in_dim3A_204 : i32 to vector<16xi32>
      %gather3A_206 = tpu.vector_load_idx %arg5[%broadcast_in_dim3A_205, %get3A_194] : memref<16x1024xf32, #tpu.memory_space<vmem>>[vector<16xi32>, vector<16xi32>], vector<16xf32>,
      %mul3A_207 = arith.constant 16 : i32
      %mul3A_208 = arith.muli %scan3A_190, %mul3A_207 : i32
      %swap3A_209 = arith.constant 1 : i32
      %swap3A_210 = arith.index_cast %swap3A_209 : i32 to index
      %swap3A_211 = arith.index_cast %mul3A_208 : i32 to index
      %swap3A_212 = tpu.vector_load %arg7[%swap3A_210, %swap3A_211] {strides = array<i32>} : memref<16x1024xf32, #tpu.memory_space<vmem>>, vector<16xf32>,
      tpu.vector_store %arg7[%swap3A_210, %swap3A_211], %gather3A_206 {strides = array<i32>} : memref<16x1024xf32, #tpu.memory_space<vmem>>, vector<16xf32>,
      %broadcast_in_dim3A_213 = arith.constant 2 : i32
      %broadcast_in_dim3A_214 = vector.broadcast %broadcast_in_dim3A_213 : i32 to vector<16xi32>
      %gather3A_215 = tpu.vector_load_idx %arg5[%broadcast_in_dim3A_214, %get3A_194] : memref<16x1024xf32, #tpu.memory_space<vmem>>[vector<16xi32>, vector<16xi32>], vector<16xf32>,
      %mul3A_216 = arith.constant 16 : i32
      %mul3A_217 = arith.muli %scan3A_190, %mul3A_216 : i32
      %swap3A_218 = arith.constant 2 : i32
      %swap3A_219 = arith.index_cast %swap3A_218 : i32 to index
      %swap3A_220 = arith.index_cast %mul3A_217 : i32 to index
      %swap3A_221 = tpu.vector_load %arg7[%swap3A_219, %swap3A_220] {strides = array<i32>} : memref<16x1024xf32, #tpu.memory_space<vmem>>, vector<16xf32>,
      tpu.vector_store %arg7[%swap3A_219, %swap3A_220], %gather3A_215 {strides = array<i32>} : memref<16x1024xf32, #tpu.memory_space<vmem>>, vector<16xf32>,
      %broadcast_in_dim3A_222 = arith.constant 3 : i32
      %broadcast_in_dim3A_223 = vector.broadcast %broadcast_in_dim3A_222 : i32 to vector<16xi32>
      %gather3A_224 = tpu.vector_load_idx %arg5[%broadcast_in_dim3A_223, %get3A_194] : memref<16x1024xf32, #tpu.memory_space<vmem>>[vector<16xi32>, vector<16xi32>], vector<16xf32>,
      %mul3A_225 = arith.constant 16 : i32
      %mul3A_226 = arith.muli %scan3A_190, %mul3A_225 : i32
      %swap3A_227 = arith.constant 3 : i32
      %swap3A_228 = arith.index_cast %swap3A_227 : i32 to index
      %swap3A_229 = arith.index_cast %mul3A_226 : i32 to index
      %swap3A_230 = tpu.vector_load %arg7[%swap3A_228, %swap3A_229] {strides = array<i32>} : memref<16x1024xf32, #tpu.memory_space<vmem>>, vector<16xf32>,
      tpu.vector_store %arg7[%swap3A_228, %swap3A_229], %gather3A_224 {strides = array<i32>} : memref<16x1024xf32, #tpu.memory_space<vmem>>, vector<16xf32>,
      %broadcast_in_dim3A_231 = arith.constant 4 : i32
      %broadcast_in_dim3A_232 = vector.broadcast %broadcast_in_dim3A_231 : i32 to vector<16xi32>
      %gather3A_233 = tpu.vector_load_idx %arg5[%broadcast_in_dim3A_232, %get3A_194] : memref<16x1024xf32, #tpu.memory_space<vmem>>[vector<16xi32>, vector<16xi32>], vector<16xf32>,
      %mul3A_234 = arith.constant 16 : i32
      %mul3A_235 = arith.muli %scan3A_190, %mul3A_234 : i32
      %swap3A_236 = arith.constant 4 : i32
      %swap3A_237 = arith.index_cast %swap3A_236 : i32 to index
      %swap3A_238 = arith.index_cast %mul3A_235 : i32 to index
      %swap3A_239 = tpu.vector_load %arg7[%swap3A_237, %swap3A_238] {strides = array<i32>} : memref<16x1024xf32, #tpu.memory_space<vmem>>, vector<16xf32>,
      tpu.vector_store %arg7[%swap3A_237, %swap3A_238], %gather3A_233 {strides = array<i32>} : memref<16x1024xf32, #tpu.memory_space<vmem>>, vector<16xf32>,
      %broadcast_in_dim3A_240 = arith.constant 5 : i32
      %broadcast_in_dim3A_241 = vector.broadcast %broadcast_in_dim3A_240 : i32 to vector<16xi32>
      %gather3A_242 = tpu.vector_load_idx %arg5[%broadcast_in_dim3A_241, %get3A_194] : memref<16x1024xf32, #tpu.memory_space<vmem>>[vector<16xi32>, vector<16xi32>], vector<16xf32>,
      %mul3A_243 = arith.constant 16 : i32
      %mul3A_244 = arith.muli %scan3A_190, %mul3A_243 : i32
      %swap3A_245 = arith.constant 5 : i32
      %swap3A_246 = arith.index_cast %swap3A_245 : i32 to index
      %swap3A_247 = arith.index_cast %mul3A_244 : i32 to index
      %swap3A_248 = tpu.vector_load %arg7[%swap3A_246, %swap3A_247] {strides = array<i32>} : memref<16x1024xf32, #tpu.memory_space<vmem>>, vector<16xf32>,
      tpu.vector_store %arg7[%swap3A_246, %swap3A_247], %gather3A_242 {strides = array<i32>} : memref<16x1024xf32, #tpu.memory_space<vmem>>, vector<16xf32>,
      %broadcast_in_dim3A_249 = arith.constant 6 : i32
      %broadcast_in_dim3A_250 = vector.broadcast %broadcast_in_dim3A_249 : i32 to vector<16xi32>
      %gather3A_251 = tpu.vector_load_idx %arg5[%broadcast_in_dim3A_250, %get3A_194] : memref<16x1024xf32, #tpu.memory_space<vmem>>[vector<16xi32>, vector<16xi32>], vector<16xf32>,
      %mul3A_252 = arith.constant 16 : i32
      %mul3A_253 = arith.muli %scan3A_190, %mul3A_252 : i32
      %swap3A_254 = arith.constant 6 : i32
      %swap3A_255 = arith.index_cast %swap3A_254 : i32 to index
      %swap3A_256 = arith.index_cast %mul3A_253 : i32 to index
      %swap3A_257 = tpu.vector_load %arg7[%swap3A_255, %swap3A_256] {strides = array<i32>} : memref<16x1024xf32, #tpu.memory_space<vmem>>, vector<16xf32>,
      tpu.vector_store %arg7[%swap3A_255, %swap3A_256], %gather3A_251 {strides = array<i32>} : memref<16x1024xf32, #tpu.memory_space<vmem>>, vector<16xf32>,
      %broadcast_in_dim3A_258 = arith.constant 7 : i32
      %broadcast_in_dim3A_259 = vector.broadcast %broadcast_in_dim3A_258 : i32 to vector<16xi32>
      %gather3A_260 = tpu.vector_load_idx %arg5[%broadcast_in_dim3A_259, %get3A_194] : memref<16x1024xf32, #tpu.memory_space<vmem>>[vector<16xi32>, vector<16xi32>], vector<16xf32>,
      %mul3A_261 = arith.constant 16 : i32
      %mul3A_262 = arith.muli %scan3A_190, %mul3A_261 : i32
      %swap3A_263 = arith.constant 7 : i32
      %swap3A_264 = arith.index_cast %swap3A_263 : i32 to index
      %swap3A_265 = arith.index_cast %mul3A_262 : i32 to index
      %swap3A_266 = tpu.vector_load %arg7[%swap3A_264, %swap3A_265] {strides = array<i32>} : memref<16x1024xf32, #tpu.memory_space<vmem>>, vector<16xf32>,
      tpu.vector_store %arg7[%swap3A_264, %swap3A_265], %gather3A_260 {strides = array<i32>} : memref<16x1024xf32, #tpu.memory_space<vmem>>, vector<16xf32>,
      %broadcast_in_dim3A_267 = arith.constant 8 : i32
      %broadcast_in_dim3A_268 = vector.broadcast %broadcast_in_dim3A_267 : i32 to vector<16xi32>
      %gather3A_269 = tpu.vector_load_idx %arg5[%broadcast_in_dim3A_268, %get3A_194] : memref<16x1024xf32, #tpu.memory_space<vmem>>[vector<16xi32>, vector<16xi32>], vector<16xf32>,
      %mul3A_270 = arith.constant 16 : i32
      %mul3A_271 = arith.muli %scan3A_190, %mul3A_270 : i32
      %swap3A_272 = arith.constant 8 : i32
      %swap3A_273 = arith.index_cast %swap3A_272 : i32 to index
      %swap3A_274 = arith.index_cast %mul3A_271 : i32 to index
      %swap3A_275 = tpu.vector_load %arg7[%swap3A_273, %swap3A_274] {strides = array<i32>} : memref<16x1024xf32, #tpu.memory_space<vmem>>, vector<16xf32>,
      tpu.vector_store %arg7[%swap3A_273, %swap3A_274], %gather3A_269 {strides = array<i32>} : memref<16x1024xf32, #tpu.memory_space<vmem>>, vector<16xf32>,
      %broadcast_in_dim3A_276 = arith.constant 9 : i32
      %broadcast_in_dim3A_277 = vector.broadcast %broadcast_in_dim3A_276 : i32 to vector<16xi32>
      %gather3A_278 = tpu.vector_load_idx %arg5[%broadcast_in_dim3A_277, %get3A_194] : memref<16x1024xf32, #tpu.memory_space<vmem>>[vector<16xi32>, vector<16xi32>], vector<16xf32>,
      %mul3A_279 = arith.constant 16 : i32
      %mul3A_280 = arith.muli %scan3A_190, %mul3A_279 : i32
      %swap3A_281 = arith.constant 9 : i32
      %swap3A_282 = arith.index_cast %swap3A_281 : i32 to index
      %swap3A_283 = arith.index_cast %mul3A_280 : i32 to index
      %swap3A_284 = tpu.vector_load %arg7[%swap3A_282, %swap3A_283] {strides = array<i32>} : memref<16x1024xf32, #tpu.memory_space<vmem>>, vector<16xf32>,
      tpu.vector_store %arg7[%swap3A_282, %swap3A_283], %gather3A_278 {strides = array<i32>} : memref<16x1024xf32, #tpu.memory_space<vmem>>, vector<16xf32>,
      %broadcast_in_dim3A_285 = arith.constant 10 : i32
      %broadcast_in_dim3A_286 = vector.broadcast %broadcast_in_dim3A_285 : i32 to vector<16xi32>
      %gather3A_287 = tpu.vector_load_idx %arg5[%broadcast_in_dim3A_286, %get3A_194] : memref<16x1024xf32, #tpu.memory_space<vmem>>[vector<16xi32>, vector<16xi32>], vector<16xf32>,
      %mul3A_288 = arith.constant 16 : i32
      %mul3A_289 = arith.muli %scan3A_190, %mul3A_288 : i32
      %swap3A_290 = arith.constant 10 : i32
      %swap3A_291 = arith.index_cast %swap3A_290 : i32 to index
      %swap3A_292 = arith.index_cast %mul3A_289 : i32 to index
      %swap3A_293 = tpu.vector_load %arg7[%swap3A_291, %swap3A_292] {strides = array<i32>} : memref<16x1024xf32, #tpu.memory_space<vmem>>, vector<16xf32>,
      tpu.vector_store %arg7[%swap3A_291, %swap3A_292], %gather3A_287 {strides = array<i32>} : memref<16x1024xf32, #tpu.memory_space<vmem>>, vector<16xf32>,
      %broadcast_in_dim3A_294 = arith.constant 11 : i32
      %broadcast_in_dim3A_295 = vector.broadcast %broadcast_in_dim3A_294 : i32 to vector<16xi32>
      %gather3A_296 = tpu.vector_load_idx %arg5[%broadcast_in_dim3A_295, %get3A_194] : memref<16x1024xf32, #tpu.memory_space<vmem>>[vector<16xi32>, vector<16xi32>], vector<16xf32>,
      %mul3A_297 = arith.constant 16 : i32
      %mul3A_298 = arith.muli %scan3A_190, %mul3A_297 : i32
      %swap3A_299 = arith.constant 11 : i32
      %swap3A_300 = arith.index_cast %swap3A_299 : i32 to index
      %swap3A_301 = arith.index_cast %mul3A_298 : i32 to index
      %swap3A_302 = tpu.vector_load %arg7[%swap3A_300, %swap3A_301] {strides = array<i32>} : memref<16x1024xf32, #tpu.memory_space<vmem>>, vector<16xf32>,
      tpu.vector_store %arg7[%swap3A_300, %swap3A_301], %gather3A_296 {strides = array<i32>} : memref<16x1024xf32, #tpu.memory_space<vmem>>, vector<16xf32>,
      %broadcast_in_dim3A_303 = arith.constant 12 : i32
      %broadcast_in_dim3A_304 = vector.broadcast %broadcast_in_dim3A_303 : i32 to vector<16xi32>
      %gather3A_305 = tpu.vector_load_idx %arg5[%broadcast_in_dim3A_304, %get3A_194] : memref<16x1024xf32, #tpu.memory_space<vmem>>[vector<16xi32>, vector<16xi32>], vector<16xf32>,
      %mul3A_306 = arith.constant 16 : i32
      %mul3A_307 = arith.muli %scan3A_190, %mul3A_306 : i32
      %swap3A_308 = arith.constant 12 : i32
      %swap3A_309 = arith.index_cast %swap3A_308 : i32 to index
      %swap3A_310 = arith.index_cast %mul3A_307 : i32 to index
      %swap3A_311 = tpu.vector_load %arg7[%swap3A_309, %swap3A_310] {strides = array<i32>} : memref<16x1024xf32, #tpu.memory_space<vmem>>, vector<16xf32>,
      tpu.vector_store %arg7[%swap3A_309, %swap3A_310], %gather3A_305 {strides = array<i32>} : memref<16x1024xf32, #tpu.memory_space<vmem>>, vector<16xf32>,
      %broadcast_in_dim3A_312 = arith.constant 13 : i32
      %broadcast_in_dim3A_313 = vector.broadcast %broadcast_in_dim3A_312 : i32 to vector<16xi32>
      %gather3A_314 = tpu.vector_load_idx %arg5[%broadcast_in_dim3A_313, %get3A_194] : memref<16x1024xf32, #tpu.memory_space<vmem>>[vector<16xi32>, vector<16xi32>], vector<16xf32>,
      %mul3A_315 = arith.constant 16 : i32
      %mul3A_316 = arith.muli %scan3A_190, %mul3A_315 : i32
      %swap3A_317 = arith.constant 13 : i32
      %swap3A_318 = arith.index_cast %swap3A_317 : i32 to index
      %swap3A_319 = arith.index_cast %mul3A_316 : i32 to index
      %swap3A_320 = tpu.vector_load %arg7[%swap3A_318, %swap3A_319] {strides = array<i32>} : memref<16x1024xf32, #tpu.memory_space<vmem>>, vector<16xf32>,
      tpu.vector_store %arg7[%swap3A_318, %swap3A_319], %gather3A_314 {strides = array<i32>} : memref<16x1024xf32, #tpu.memory_space<vmem>>, vector<16xf32>,
      %broadcast_in_dim3A_321 = arith.constant 14 : i32
      %broadcast_in_dim3A_322 = vector.broadcast %broadcast_in_dim3A_321 : i32 to vector<16xi32>
      %gather3A_323 = tpu.vector_load_idx %arg5[%broadcast_in_dim3A_322, %get3A_194] : memref<16x1024xf32, #tpu.memory_space<vmem>>[vector<16xi32>, vector<16xi32>], vector<16xf32>,
      %mul3A_324 = arith.constant 16 : i32
      %mul3A_325 = arith.muli %scan3A_190, %mul3A_324 : i32
      %swap3A_326 = arith.constant 14 : i32
      %swap3A_327 = arith.index_cast %swap3A_326 : i32 to index
      %swap3A_328 = arith.index_cast %mul3A_325 : i32 to index
      %swap3A_329 = tpu.vector_load %arg7[%swap3A_327, %swap3A_328] {strides = array<i32>} : memref<16x1024xf32, #tpu.memory_space<vmem>>, vector<16xf32>,
      tpu.vector_store %arg7[%swap3A_327, %swap3A_328], %gather3A_323 {strides = array<i32>} : memref<16x1024xf32, #tpu.memory_space<vmem>>, vector<16xf32>,
      %broadcast_in_dim3A_330 = arith.constant 15 : i32
      %broadcast_in_dim3A_331 = vector.broadcast %broadcast_in_dim3A_330 : i32 to vector<16xi32>
      %gather3A_332 = tpu.vector_load_idx %arg5[%broadcast_in_dim3A_331, %get3A_194] : memref<16x1024xf32, #tpu.memory_space<vmem>>[vector<16xi32>, vector<16xi32>], vector<16xf32>,
      %mul3A_333 = arith.constant 16 : i32
      %mul3A_334 = arith.muli %scan3A_190, %mul3A_333 : i32
      %swap3A_335 = arith.constant 15 : i32
      %swap3A_336 = arith.index_cast %swap3A_335 : i32 to index
      %swap3A_337 = arith.index_cast %mul3A_334 : i32 to index
      %swap3A_338 = tpu.vector_load %arg7[%swap3A_336, %swap3A_337] {strides = array<i32>} : memref<16x1024xf32, #tpu.memory_space<vmem>>, vector<16xf32>,
      tpu.vector_store %arg7[%swap3A_336, %swap3A_337], %gather3A_332 {strides = array<i32>} : memref<16x1024xf32, #tpu.memory_space<vmem>>, vector<16xf32>,
      %scan3A_339 = arith.constant 2 : i32
      %scan3A_340 = arith.addi %scan3A_44, %scan3A_339 : i32
      %mul3A_341 = arith.constant 16 : i32
      %mul3A_342 = arith.muli %scan3A_340, %mul3A_341 : i32
      %get3A_343 = arith.index_cast %mul3A_342 : i32 to index
      %get3A_344 = tpu.vector_load %arg6[%get3A_343] {strides = array<i32>} : memref<1024xi32, #tpu.memory_space<vmem>>, vector<16xi32>,
      %broadcast_in_dim3A_345 = arith.constant 0 : i32
      %broadcast_in_dim3A_346 = vector.broadcast %broadcast_in_dim3A_345 : i32 to vector<16xi32>
      %gather3A_347 = tpu.vector_load_idx %arg5[%broadcast_in_dim3A_346, %get3A_344] : memref<16x1024xf32, #tpu.memory_space<vmem>>[vector<16xi32>, vector<16xi32>], vector<16xf32>,
      %mul3A_348 = arith.constant 16 : i32
      %mul3A_349 = arith.muli %scan3A_340, %mul3A_348 : i32
      %swap3A_350 = arith.constant 0 : i32
      %swap3A_351 = arith.index_cast %swap3A_350 : i32 to index
      %swap3A_352 = arith.index_cast %mul3A_349 : i32 to index
      %swap3A_353 = tpu.vector_load %arg7[%swap3A_351, %swap3A_352] {strides = array<i32>} : memref<16x1024xf32, #tpu.memory_space<vmem>>, vector<16xf32>,
      tpu.vector_store %arg7[%swap3A_351, %swap3A_352], %gather3A_347 {strides = array<i32>} : memref<16x1024xf32, #tpu.memory_space<vmem>>, vector<16xf32>,
      %broadcast_in_dim3A_354 = arith.constant 1 : i32
      %broadcast_in_dim3A_355 = vector.broadcast %broadcast_in_dim3A_354 : i32 to vector<16xi32>
      %gather3A_356 = tpu.vector_load_idx %arg5[%broadcast_in_dim3A_355, %get3A_344] : memref<16x1024xf32, #tpu.memory_space<vmem>>[vector<16xi32>, vector<16xi32>], vector<16xf32>,
      %mul3A_357 = arith.constant 16 : i32
      %mul3A_358 = arith.muli %scan3A_340, %mul3A_357 : i32
      %swap3A_359 = arith.constant 1 : i32
      %swap3A_360 = arith.index_cast %swap3A_359 : i32 to index
      %swap3A_361 = arith.index_cast %mul3A_358 : i32 to index
      %swap3A_362 = tpu.vector_load %arg7[%swap3A_360, %swap3A_361] {strides = array<i32>} : memref<16x1024xf32, #tpu.memory_space<vmem>>, vector<16xf32>,
      tpu.vector_store %arg7[%swap3A_360, %swap3A_361], %gather3A_356 {strides = array<i32>} : memref<16x1024xf32, #tpu.memory_space<vmem>>, vector<16xf32>,
      %broadcast_in_dim3A_363 = arith.constant 2 : i32
      %broadcast_in_dim3A_364 = vector.broadcast %broadcast_in_dim3A_363 : i32 to vector<16xi32>
      %gather3A_365 = tpu.vector_load_idx %arg5[%broadcast_in_dim3A_364, %get3A_344] : memref<16x1024xf32, #tpu.memory_space<vmem>>[vector<16xi32>, vector<16xi32>], vector<16xf32>,
      %mul3A_366 = arith.constant 16 : i32
      %mul3A_367 = arith.muli %scan3A_340, %mul3A_366 : i32
      %swap3A_368 = arith.constant 2 : i32
      %swap3A_369 = arith.index_cast %swap3A_368 : i32 to index
      %swap3A_370 = arith.index_cast %mul3A_367 : i32 to index
      %swap3A_371 = tpu.vector_load %arg7[%swap3A_369, %swap3A_370] {strides = array<i32>} : memref<16x1024xf32, #tpu.memory_space<vmem>>, vector<16xf32>,
      tpu.vector_store %arg7[%swap3A_369, %swap3A_370], %gather3A_365 {strides = array<i32>} : memref<16x1024xf32, #tpu.memory_space<vmem>>, vector<16xf32>,
      %broadcast_in_dim3A_372 = arith.constant 3 : i32
      %broadcast_in_dim3A_373 = vector.broadcast %broadcast_in_dim3A_372 : i32 to vector<16xi32>
      %gather3A_374 = tpu.vector_load_idx %arg5[%broadcast_in_dim3A_373, %get3A_344] : memref<16x1024xf32, #tpu.memory_space<vmem>>[vector<16xi32>, vector<16xi32>], vector<16xf32>,
      %mul3A_375 = arith.constant 16 : i32
      %mul3A_376 = arith.muli %scan3A_340, %mul3A_375 : i32
      %swap3A_377 = arith.constant 3 : i32
      %swap3A_378 = arith.index_cast %swap3A_377 : i32 to index
      %swap3A_379 = arith.index_cast %mul3A_376 : i32 to index
      %swap3A_380 = tpu.vector_load %arg7[%swap3A_378, %swap3A_379] {strides = array<i32>} : memref<16x1024xf32, #tpu.memory_space<vmem>>, vector<16xf32>,
      tpu.vector_store %arg7[%swap3A_378, %swap3A_379], %gather3A_374 {strides = array<i32>} : memref<16x1024xf32, #tpu.memory_space<vmem>>, vector<16xf32>,
      %broadcast_in_dim3A_381 = arith.constant 4 : i32
      %broadcast_in_dim3A_382 = vector.broadcast %broadcast_in_dim3A_381 : i32 to vector<16xi32>
      %gather3A_383 = tpu.vector_load_idx %arg5[%broadcast_in_dim3A_382, %get3A_344] : memref<16x1024xf32, #tpu.memory_space<vmem>>[vector<16xi32>, vector<16xi32>], vector<16xf32>,
      %mul3A_384 = arith.constant 16 : i32
      %mul3A_385 = arith.muli %scan3A_340, %mul3A_384 : i32
      %swap3A_386 = arith.constant 4 : i32
      %swap3A_387 = arith.index_cast %swap3A_386 : i32 to index
      %swap3A_388 = arith.index_cast %mul3A_385 : i32 to index
      %swap3A_389 = tpu.vector_load %arg7[%swap3A_387, %swap3A_388] {strides = array<i32>} : memref<16x1024xf32, #tpu.memory_space<vmem>>, vector<16xf32>,
      tpu.vector_store %arg7[%swap3A_387, %swap3A_388], %gather3A_383 {strides = array<i32>} : memref<16x1024xf32, #tpu.memory_space<vmem>>, vector<16xf32>,
      %broadcast_in_dim3A_390 = arith.constant 5 : i32
      %broadcast_in_dim3A_391 = vector.broadcast %broadcast_in_dim3A_390 : i32 to vector<16xi32>
      %gather3A_392 = tpu.vector_load_idx %arg5[%broadcast_in_dim3A_391, %get3A_344] : memref<16x1024xf32, #tpu.memory_space<vmem>>[vector<16xi32>, vector<16xi32>], vector<16xf32>,
      %mul3A_393 = arith.constant 16 : i32
      %mul3A_394 = arith.muli %scan3A_340, %mul3A_393 : i32
      %swap3A_395 = arith.constant 5 : i32
      %swap3A_396 = arith.index_cast %swap3A_395 : i32 to index
      %swap3A_397 = arith.index_cast %mul3A_394 : i32 to index
      %swap3A_398 = tpu.vector_load %arg7[%swap3A_396, %swap3A_397] {strides = array<i32>} : memref<16x1024xf32, #tpu.memory_space<vmem>>, vector<16xf32>,
      tpu.vector_store %arg7[%swap3A_396, %swap3A_397], %gather3A_392 {strides = array<i32>} : memref<16x1024xf32, #tpu.memory_space<vmem>>, vector<16xf32>,
      %broadcast_in_dim3A_399 = arith.constant 6 : i32
      %broadcast_in_dim3A_400 = vector.broadcast %broadcast_in_dim3A_399 : i32 to vector<16xi32>
      %gather3A_401 = tpu.vector_load_idx %arg5[%broadcast_in_dim3A_400, %get3A_344] : memref<16x1024xf32, #tpu.memory_space<vmem>>[vector<16xi32>, vector<16xi32>], vector<16xf32>,
      %mul3A_402 = arith.constant 16 : i32
      %mul3A_403 = arith.muli %scan3A_340, %mul3A_402 : i32
      %swap3A_404 = arith.constant 6 : i32
      %swap3A_405 = arith.index_cast %swap3A_404 : i32 to index
      %swap3A_406 = arith.index_cast %mul3A_403 : i32 to index
      %swap3A_407 = tpu.vector_load %arg7[%swap3A_405, %swap3A_406] {strides = array<i32>} : memref<16x1024xf32, #tpu.memory_space<vmem>>, vector<16xf32>,
      tpu.vector_store %arg7[%swap3A_405, %swap3A_406], %gather3A_401 {strides = array<i32>} : memref<16x1024xf32, #tpu.memory_space<vmem>>, vector<16xf32>,
      %broadcast_in_dim3A_408 = arith.constant 7 : i32
      %broadcast_in_dim3A_409 = vector.broadcast %broadcast_in_dim3A_408 : i32 to vector<16xi32>
      %gather3A_410 = tpu.vector_load_idx %arg5[%broadcast_in_dim3A_409, %get3A_344] : memref<16x1024xf32, #tpu.memory_space<vmem>>[vector<16xi32>, vector<16xi32>], vector<16xf32>,
      %mul3A_411 = arith.constant 16 : i32
      %mul3A_412 = arith.muli %scan3A_340, %mul3A_411 : i32
      %swap3A_413 = arith.constant 7 : i32
      %swap3A_414 = arith.index_cast %swap3A_413 : i32 to index
      %swap3A_415 = arith.index_cast %mul3A_412 : i32 to index
      %swap3A_416 = tpu.vector_load %arg7[%swap3A_414, %swap3A_415] {strides = array<i32>} : memref<16x1024xf32, #tpu.memory_space<vmem>>, vector<16xf32>,
      tpu.vector_store %arg7[%swap3A_414, %swap3A_415], %gather3A_410 {strides = array<i32>} : memref<16x1024xf32, #tpu.memory_space<vmem>>, vector<16xf32>,
      %broadcast_in_dim3A_417 = arith.constant 8 : i32
      %broadcast_in_dim3A_418 = vector.broadcast %broadcast_in_dim3A_417 : i32 to vector<16xi32>
      %gather3A_419 = tpu.vector_load_idx %arg5[%broadcast_in_dim3A_418, %get3A_344] : memref<16x1024xf32, #tpu.memory_space<vmem>>[vector<16xi32>, vector<16xi32>], vector<16xf32>,
      %mul3A_420 = arith.constant 16 : i32
      %mul3A_421 = arith.muli %scan3A_340, %mul3A_420 : i32
      %swap3A_422 = arith.constant 8 : i32
      %swap3A_423 = arith.index_cast %swap3A_422 : i32 to index
      %swap3A_424 = arith.index_cast %mul3A_421 : i32 to index
      %swap3A_425 = tpu.vector_load %arg7[%swap3A_423, %swap3A_424] {strides = array<i32>} : memref<16x1024xf32, #tpu.memory_space<vmem>>, vector<16xf32>,
      tpu.vector_store %arg7[%swap3A_423, %swap3A_424], %gather3A_419 {strides = array<i32>} : memref<16x1024xf32, #tpu.memory_space<vmem>>, vector<16xf32>,
      %broadcast_in_dim3A_426 = arith.constant 9 : i32
      %broadcast_in_dim3A_427 = vector.broadcast %broadcast_in_dim3A_426 : i32 to vector<16xi32>
      %gather3A_428 = tpu.vector_load_idx %arg5[%broadcast_in_dim3A_427, %get3A_344] : memref<16x1024xf32, #tpu.memory_space<vmem>>[vector<16xi32>, vector<16xi32>], vector<16xf32>,
      %mul3A_429 = arith.constant 16 : i32
      %mul3A_430 = arith.muli %scan3A_340, %mul3A_429 : i32
      %swap3A_431 = arith.constant 9 : i32
      %swap3A_432 = arith.index_cast %swap3A_431 : i32 to index
      %swap3A_433 = arith.index_cast %mul3A_430 : i32 to index
      %swap3A_434 = tpu.vector_load %arg7[%swap3A_432, %swap3A_433] {strides = array<i32>} : memref<16x1024xf32, #tpu.memory_space<vmem>>, vector<16xf32>,
      tpu.vector_store %arg7[%swap3A_432, %swap3A_433], %gather3A_428 {strides = array<i32>} : memref<16x1024xf32, #tpu.memory_space<vmem>>, vector<16xf32>,
      %broadcast_in_dim3A_435 = arith.constant 10 : i32
      %broadcast_in_dim3A_436 = vector.broadcast %broadcast_in_dim3A_435 : i32 to vector<16xi32>
      %gather3A_437 = tpu.vector_load_idx %arg5[%broadcast_in_dim3A_436, %get3A_344] : memref<16x1024xf32, #tpu.memory_space<vmem>>[vector<16xi32>, vector<16xi32>], vector<16xf32>,
      %mul3A_438 = arith.constant 16 : i32
      %mul3A_439 = arith.muli %scan3A_340, %mul3A_438 : i32
      %swap3A_440 = arith.constant 10 : i32
      %swap3A_441 = arith.index_cast %swap3A_440 : i32 to index
      %swap3A_442 = arith.index_cast %mul3A_439 : i32 to index
      %swap3A_443 = tpu.vector_load %arg7[%swap3A_441, %swap3A_442] {strides = array<i32>} : memref<16x1024xf32, #tpu.memory_space<vmem>>, vector<16xf32>,
      tpu.vector_store %arg7[%swap3A_441, %swap3A_442], %gather3A_437 {strides = array<i32>} : memref<16x1024xf32, #tpu.memory_space<vmem>>, vector<16xf32>,
      %broadcast_in_dim3A_444 = arith.constant 11 : i32
      %broadcast_in_dim3A_445 = vector.broadcast %broadcast_in_dim3A_444 : i32 to vector<16xi32>
      %gather3A_446 = tpu.vector_load_idx %arg5[%broadcast_in_dim3A_445, %get3A_344] : memref<16x1024xf32, #tpu.memory_space<vmem>>[vector<16xi32>, vector<16xi32>], vector<16xf32>,
      %mul3A_447 = arith.constant 16 : i32
      %mul3A_448 = arith.muli %scan3A_340, %mul3A_447 : i32
      %swap3A_449 = arith.constant 11 : i32
      %swap3A_450 = arith.index_cast %swap3A_449 : i32 to index
      %swap3A_451 = arith.index_cast %mul3A_448 : i32 to index
      %swap3A_452 = tpu.vector_load %arg7[%swap3A_450, %swap3A_451] {strides = array<i32>} : memref<16x1024xf32, #tpu.memory_space<vmem>>, vector<16xf32>,
      tpu.vector_store %arg7[%swap3A_450, %swap3A_451], %gather3A_446 {strides = array<i32>} : memref<16x1024xf32, #tpu.memory_space<vmem>>, vector<16xf32>,
      %broadcast_in_dim3A_453 = arith.constant 12 : i32
      %broadcast_in_dim3A_454 = vector.broadcast %broadcast_in_dim3A_453 : i32 to vector<16xi32>
      %gather3A_455 = tpu.vector_load_idx %arg5[%broadcast_in_dim3A_454, %get3A_344] : memref<16x1024xf32, #tpu.memory_space<vmem>>[vector<16xi32>, vector<16xi32>], vector<16xf32>,
      %mul3A_456 = arith.constant 16 : i32
      %mul3A_457 = arith.muli %scan3A_340, %mul3A_456 : i32
      %swap3A_458 = arith.constant 12 : i32
      %swap3A_459 = arith.index_cast %swap3A_458 : i32 to index
      %swap3A_460 = arith.index_cast %mul3A_457 : i32 to index
      %swap3A_461 = tpu.vector_load %arg7[%swap3A_459, %swap3A_460] {strides = array<i32>} : memref<16x1024xf32, #tpu.memory_space<vmem>>, vector<16xf32>,
      tpu.vector_store %arg7[%swap3A_459, %swap3A_460], %gather3A_455 {strides = array<i32>} : memref<16x1024xf32, #tpu.memory_space<vmem>>, vector<16xf32>,
      %broadcast_in_dim3A_462 = arith.constant 13 : i32
      %broadcast_in_dim3A_463 = vector.broadcast %broadcast_in_dim3A_462 : i32 to vector<16xi32>
      %gather3A_464 = tpu.vector_load_idx %arg5[%broadcast_in_dim3A_463, %get3A_344] : memref<16x1024xf32, #tpu.memory_space<vmem>>[vector<16xi32>, vector<16xi32>], vector<16xf32>,
      %mul3A_465 = arith.constant 16 : i32
      %mul3A_466 = arith.muli %scan3A_340, %mul3A_465 : i32
      %swap3A_467 = arith.constant 13 : i32
      %swap3A_468 = arith.index_cast %swap3A_467 : i32 to index
      %swap3A_469 = arith.index_cast %mul3A_466 : i32 to index
      %swap3A_470 = tpu.vector_load %arg7[%swap3A_468, %swap3A_469] {strides = array<i32>} : memref<16x1024xf32, #tpu.memory_space<vmem>>, vector<16xf32>,
      tpu.vector_store %arg7[%swap3A_468, %swap3A_469], %gather3A_464 {strides = array<i32>} : memref<16x1024xf32, #tpu.memory_space<vmem>>, vector<16xf32>,
      %broadcast_in_dim3A_471 = arith.constant 14 : i32
      %broadcast_in_dim3A_472 = vector.broadcast %broadcast_in_dim3A_471 : i32 to vector<16xi32>
      %gather3A_473 = tpu.vector_load_idx %arg5[%broadcast_in_dim3A_472, %get3A_344] : memref<16x1024xf32, #tpu.memory_space<vmem>>[vector<16xi32>, vector<16xi32>], vector<16xf32>,
      %mul3A_474 = arith.constant 16 : i32
      %mul3A_475 = arith.muli %scan3A_340, %mul3A_474 : i32
      %swap3A_476 = arith.constant 14 : i32
      %swap3A_477 = arith.index_cast %swap3A_476 : i32 to index
      %swap3A_478 = arith.index_cast %mul3A_475 : i32 to index
      %swap3A_479 = tpu.vector_load %arg7[%swap3A_477, %swap3A_478] {strides = array<i32>} : memref<16x1024xf32, #tpu.memory_space<vmem>>, vector<16xf32>,
      tpu.vector_store %arg7[%swap3A_477, %swap3A_478], %gather3A_473 {strides = array<i32>} : memref<16x1024xf32, #tpu.memory_space<vmem>>, vector<16xf32>,
      %broadcast_in_dim3A_480 = arith.constant 15 : i32
      %broadcast_in_dim3A_481 = vector.broadcast %broadcast_in_dim3A_480 : i32 to vector<16xi32>
      %gather3A_482 = tpu.vector_load_idx %arg5[%broadcast_in_dim3A_481, %get3A_344] : memref<16x1024xf32, #tpu.memory_space<vmem>>[vector<16xi32>, vector<16xi32>], vector<16xf32>,
      %mul3A_483 = arith.constant 16 : i32
      %mul3A_484 = arith.muli %scan3A_340, %mul3A_483 : i32
      %swap3A_485 = arith.constant 15 : i32
      %swap3A_486 = arith.index_cast %swap3A_485 : i32 to index
      %swap3A_487 = arith.index_cast %mul3A_484 : i32 to index
      %swap3A_488 = tpu.vector_load %arg7[%swap3A_486, %swap3A_487] {strides = array<i32>} : memref<16x1024xf32, #tpu.memory_space<vmem>>, vector<16xf32>,
      tpu.vector_store %arg7[%swap3A_486, %swap3A_487], %gather3A_482 {strides = array<i32>} : memref<16x1024xf32, #tpu.memory_space<vmem>>, vector<16xf32>,
      %scan3A_489 = arith.constant 3 : i32
      %scan3A_490 = arith.addi %scan3A_44, %scan3A_489 : i32
      %mul3A_491 = arith.constant 16 : i32
      %mul3A_492 = arith.muli %scan3A_490, %mul3A_491 : i32
      %get3A_493 = arith.index_cast %mul3A_492 : i32 to index
      %get3A_494 = tpu.vector_load %arg6[%get3A_493] {strides = array<i32>} : memref<1024xi32, #tpu.memory_space<vmem>>, vector<16xi32>,
      %broadcast_in_dim3A_495 = arith.constant 0 : i32
      %broadcast_in_dim3A_496 = vector.broadcast %broadcast_in_dim3A_495 : i32 to vector<16xi32>
      %gather3A_497 = tpu.vector_load_idx %arg5[%broadcast_in_dim3A_496, %get3A_494] : memref<16x1024xf32, #tpu.memory_space<vmem>>[vector<16xi32>, vector<16xi32>], vector<16xf32>,
      %mul3A_498 = arith.constant 16 : i32
      %mul3A_499 = arith.muli %scan3A_490, %mul3A_498 : i32
      %swap3A_500 = arith.constant 0 : i32
      %swap3A_501 = arith.index_cast %swap3A_500 : i32 to index
      %swap3A_502 = arith.index_cast %mul3A_499 : i32 to index
      %swap3A_503 = tpu.vector_load %arg7[%swap3A_501, %swap3A_502] {strides = array<i32>} : memref<16x1024xf32, #tpu.memory_space<vmem>>, vector<16xf32>,
      tpu.vector_store %arg7[%swap3A_501, %swap3A_502], %gather3A_497 {strides = array<i32>} : memref<16x1024xf32, #tpu.memory_space<vmem>>, vector<16xf32>,
      %broadcast_in_dim3A_504 = arith.constant 1 : i32
      %broadcast_in_dim3A_505 = vector.broadcast %broadcast_in_dim3A_504 : i32 to vector<16xi32>
      %gather3A_506 = tpu.vector_load_idx %arg5[%broadcast_in_dim3A_505, %get3A_494] : memref<16x1024xf32, #tpu.memory_space<vmem>>[vector<16xi32>, vector<16xi32>], vector<16xf32>,
      %mul3A_507 = arith.constant 16 : i32
      %mul3A_508 = arith.muli %scan3A_490, %mul3A_507 : i32
      %swap3A_509 = arith.constant 1 : i32
      %swap3A_510 = arith.index_cast %swap3A_509 : i32 to index
      %swap3A_511 = arith.index_cast %mul3A_508 : i32 to index
      %swap3A_512 = tpu.vector_load %arg7[%swap3A_510, %swap3A_511] {strides = array<i32>} : memref<16x1024xf32, #tpu.memory_space<vmem>>, vector<16xf32>,
      tpu.vector_store %arg7[%swap3A_510, %swap3A_511], %gather3A_506 {strides = array<i32>} : memref<16x1024xf32, #tpu.memory_space<vmem>>, vector<16xf32>,
      %broadcast_in_dim3A_513 = arith.constant 2 : i32
      %broadcast_in_dim3A_514 = vector.broadcast %broadcast_in_dim3A_513 : i32 to vector<16xi32>
      %gather3A_515 = tpu.vector_load_idx %arg5[%broadcast_in_dim3A_514, %get3A_494] : memref<16x1024xf32, #tpu.memory_space<vmem>>[vector<16xi32>, vector<16xi32>], vector<16xf32>,
      %mul3A_516 = arith.constant 16 : i32
      %mul3A_517 = arith.muli %scan3A_490, %mul3A_516 : i32
      %swap3A_518 = arith.constant 2 : i32
      %swap3A_519 = arith.index_cast %swap3A_518 : i32 to index
      %swap3A_520 = arith.index_cast %mul3A_517 : i32 to index
      %swap3A_521 = tpu.vector_load %arg7[%swap3A_519, %swap3A_520] {strides = array<i32>} : memref<16x1024xf32, #tpu.memory_space<vmem>>, vector<16xf32>,
      tpu.vector_store %arg7[%swap3A_519, %swap3A_520], %gather3A_515 {strides = array<i32>} : memref<16x1024xf32, #tpu.memory_space<vmem>>, vector<16xf32>,
      %broadcast_in_dim3A_522 = arith.constant 3 : i32
      %broadcast_in_dim3A_523 = vector.broadcast %broadcast_in_dim3A_522 : i32 to vector<16xi32>
      %gather3A_524 = tpu.vector_load_idx %arg5[%broadcast_in_dim3A_523, %get3A_494] : memref<16x1024xf32, #tpu.memory_space<vmem>>[vector<16xi32>, vector<16xi32>], vector<16xf32>,
      %mul3A_525 = arith.constant 16 : i32
      %mul3A_526 = arith.muli %scan3A_490, %mul3A_525 : i32
      %swap3A_527 = arith.constant 3 : i32
      %swap3A_528 = arith.index_cast %swap3A_527 : i32 to index
      %swap3A_529 = arith.index_cast %mul3A_526 : i32 to index
      %swap3A_530 = tpu.vector_load %arg7[%swap3A_528, %swap3A_529] {strides = array<i32>} : memref<16x1024xf32, #tpu.memory_space<vmem>>, vector<16xf32>,
      tpu.vector_store %arg7[%swap3A_528, %swap3A_529], %gather3A_524 {strides = array<i32>} : memref<16x1024xf32, #tpu.memory_space<vmem>>, vector<16xf32>,
      %broadcast_in_dim3A_531 = arith.constant 4 : i32
      %broadcast_in_dim3A_532 = vector.broadcast %broadcast_in_dim3A_531 : i32 to vector<16xi32>
      %gather3A_533 = tpu.vector_load_idx %arg5[%broadcast_in_dim3A_532, %get3A_494] : memref<16x1024xf32, #tpu.memory_space<vmem>>[vector<16xi32>, vector<16xi32>], vector<16xf32>,
      %mul3A_534 = arith.constant 16 : i32
      %mul3A_535 = arith.muli %scan3A_490, %mul3A_534 : i32
      %swap3A_536 = arith.constant 4 : i32
      %swap3A_537 = arith.index_cast %swap3A_536 : i32 to index
      %swap3A_538 = arith.index_cast %mul3A_535 : i32 to index
      %swap3A_539 = tpu.vector_load %arg7[%swap3A_537, %swap3A_538] {strides = array<i32>} : memref<16x1024xf32, #tpu.memory_space<vmem>>, vector<16xf32>,
      tpu.vector_store %arg7[%swap3A_537, %swap3A_538], %gather3A_533 {strides = array<i32>} : memref<16x1024xf32, #tpu.memory_space<vmem>>, vector<16xf32>,
      %broadcast_in_dim3A_540 = arith.constant 5 : i32
      %broadcast_in_dim3A_541 = vector.broadcast %broadcast_in_dim3A_540 : i32 to vector<16xi32>
      %gather3A_542 = tpu.vector_load_idx %arg5[%broadcast_in_dim3A_541, %get3A_494] : memref<16x1024xf32, #tpu.memory_space<vmem>>[vector<16xi32>, vector<16xi32>], vector<16xf32>,
      %mul3A_543 = arith.constant 16 : i32
      %mul3A_544 = arith.muli %scan3A_490, %mul3A_543 : i32
      %swap3A_545 = arith.constant 5 : i32
      %swap3A_546 = arith.index_cast %swap3A_545 : i32 to index
      %swap3A_547 = arith.index_cast %mul3A_544 : i32 to index
      %swap3A_548 = tpu.vector_load %arg7[%swap3A_546, %swap3A_547] {strides = array<i32>} : memref<16x1024xf32, #tpu.memory_space<vmem>>, vector<16xf32>,
      tpu.vector_store %arg7[%swap3A_546, %swap3A_547], %gather3A_542 {strides = array<i32>} : memref<16x1024xf32, #tpu.memory_space<vmem>>, vector<16xf32>,
      %broadcast_in_dim3A_549 = arith.constant 6 : i32
      %broadcast_in_dim3A_550 = vector.broadcast %broadcast_in_dim3A_549 : i32 to vector<16xi32>
      %gather3A_551 = tpu.vector_load_idx %arg5[%broadcast_in_dim3A_550, %get3A_494] : memref<16x1024xf32, #tpu.memory_space<vmem>>[vector<16xi32>, vector<16xi32>], vector<16xf32>,
      %mul3A_552 = arith.constant 16 : i32
      %mul3A_553 = arith.muli %scan3A_490, %mul3A_552 : i32
      %swap3A_554 = arith.constant 6 : i32
      %swap3A_555 = arith.index_cast %swap3A_554 : i32 to index
      %swap3A_556 = arith.index_cast %mul3A_553 : i32 to index
      %swap3A_557 = tpu.vector_load %arg7[%swap3A_555, %swap3A_556] {strides = array<i32>} : memref<16x1024xf32, #tpu.memory_space<vmem>>, vector<16xf32>,
      tpu.vector_store %arg7[%swap3A_555, %swap3A_556], %gather3A_551 {strides = array<i32>} : memref<16x1024xf32, #tpu.memory_space<vmem>>, vector<16xf32>,
      %broadcast_in_dim3A_558 = arith.constant 7 : i32
      %broadcast_in_dim3A_559 = vector.broadcast %broadcast_in_dim3A_558 : i32 to vector<16xi32>
      %gather3A_560 = tpu.vector_load_idx %arg5[%broadcast_in_dim3A_559, %get3A_494] : memref<16x1024xf32, #tpu.memory_space<vmem>>[vector<16xi32>, vector<16xi32>], vector<16xf32>,
      %mul3A_561 = arith.constant 16 : i32
      %mul3A_562 = arith.muli %scan3A_490, %mul3A_561 : i32
      %swap3A_563 = arith.constant 7 : i32
      %swap3A_564 = arith.index_cast %swap3A_563 : i32 to index
      %swap3A_565 = arith.index_cast %mul3A_562 : i32 to index
      %swap3A_566 = tpu.vector_load %arg7[%swap3A_564, %swap3A_565] {strides = array<i32>} : memref<16x1024xf32, #tpu.memory_space<vmem>>, vector<16xf32>,
      tpu.vector_store %arg7[%swap3A_564, %swap3A_565], %gather3A_560 {strides = array<i32>} : memref<16x1024xf32, #tpu.memory_space<vmem>>, vector<16xf32>,
      %broadcast_in_dim3A_567 = arith.constant 8 : i32
      %broadcast_in_dim3A_568 = vector.broadcast %broadcast_in_dim3A_567 : i32 to vector<16xi32>
      %gather3A_569 = tpu.vector_load_idx %arg5[%broadcast_in_dim3A_568, %get3A_494] : memref<16x1024xf32, #tpu.memory_space<vmem>>[vector<16xi32>, vector<16xi32>], vector<16xf32>,
      %mul3A_570 = arith.constant 16 : i32
      %mul3A_571 = arith.muli %scan3A_490, %mul3A_570 : i32
      %swap3A_572 = arith.constant 8 : i32
      %swap3A_573 = arith.index_cast %swap3A_572 : i32 to index
      %swap3A_574 = arith.index_cast %mul3A_571 : i32 to index
      %swap3A_575 = tpu.vector_load %arg7[%swap3A_573, %swap3A_574] {strides = array<i32>} : memref<16x1024xf32, #tpu.memory_space<vmem>>, vector<16xf32>,
      tpu.vector_store %arg7[%swap3A_573, %swap3A_574], %gather3A_569 {strides = array<i32>} : memref<16x1024xf32, #tpu.memory_space<vmem>>, vector<16xf32>,
      %broadcast_in_dim3A_576 = arith.constant 9 : i32
      %broadcast_in_dim3A_577 = vector.broadcast %broadcast_in_dim3A_576 : i32 to vector<16xi32>
      %gather3A_578 = tpu.vector_load_idx %arg5[%broadcast_in_dim3A_577, %get3A_494] : memref<16x1024xf32, #tpu.memory_space<vmem>>[vector<16xi32>, vector<16xi32>], vector<16xf32>,
      %mul3A_579 = arith.constant 16 : i32
      %mul3A_580 = arith.muli %scan3A_490, %mul3A_579 : i32
      %swap3A_581 = arith.constant 9 : i32
      %swap3A_582 = arith.index_cast %swap3A_581 : i32 to index
      %swap3A_583 = arith.index_cast %mul3A_580 : i32 to index
      %swap3A_584 = tpu.vector_load %arg7[%swap3A_582, %swap3A_583] {strides = array<i32>} : memref<16x1024xf32, #tpu.memory_space<vmem>>, vector<16xf32>,
      tpu.vector_store %arg7[%swap3A_582, %swap3A_583], %gather3A_578 {strides = array<i32>} : memref<16x1024xf32, #tpu.memory_space<vmem>>, vector<16xf32>,
      %broadcast_in_dim3A_585 = arith.constant 10 : i32
      %broadcast_in_dim3A_586 = vector.broadcast %broadcast_in_dim3A_585 : i32 to vector<16xi32>
      %gather3A_587 = tpu.vector_load_idx %arg5[%broadcast_in_dim3A_586, %get3A_494] : memref<16x1024xf32, #tpu.memory_space<vmem>>[vector<16xi32>, vector<16xi32>], vector<16xf32>,
      %mul3A_588 = arith.constant 16 : i32
      %mul3A_589 = arith.muli %scan3A_490, %mul3A_588 : i32
      %swap3A_590 = arith.constant 10 : i32
      %swap3A_591 = arith.index_cast %swap3A_590 : i32 to index
      %swap3A_592 = arith.index_cast %mul3A_589 : i32 to index
      %swap3A_593 = tpu.vector_load %arg7[%swap3A_591, %swap3A_592] {strides = array<i32>} : memref<16x1024xf32, #tpu.memory_space<vmem>>, vector<16xf32>,
      tpu.vector_store %arg7[%swap3A_591, %swap3A_592], %gather3A_587 {strides = array<i32>} : memref<16x1024xf32, #tpu.memory_space<vmem>>, vector<16xf32>,
      %broadcast_in_dim3A_594 = arith.constant 11 : i32
      %broadcast_in_dim3A_595 = vector.broadcast %broadcast_in_dim3A_594 : i32 to vector<16xi32>
      %gather3A_596 = tpu.vector_load_idx %arg5[%broadcast_in_dim3A_595, %get3A_494] : memref<16x1024xf32, #tpu.memory_space<vmem>>[vector<16xi32>, vector<16xi32>], vector<16xf32>,
      %mul3A_597 = arith.constant 16 : i32
      %mul3A_598 = arith.muli %scan3A_490, %mul3A_597 : i32
      %swap3A_599 = arith.constant 11 : i32
      %swap3A_600 = arith.index_cast %swap3A_599 : i32 to index
      %swap3A_601 = arith.index_cast %mul3A_598 : i32 to index
      %swap3A_602 = tpu.vector_load %arg7[%swap3A_600, %swap3A_601] {strides = array<i32>} : memref<16x1024xf32, #tpu.memory_space<vmem>>, vector<16xf32>,
      tpu.vector_store %arg7[%swap3A_600, %swap3A_601], %gather3A_596 {strides = array<i32>} : memref<16x1024xf32, #tpu.memory_space<vmem>>, vector<16xf32>,
      %broadcast_in_dim3A_603 = arith.constant 12 : i32
      %broadcast_in_dim3A_604 = vector.broadcast %broadcast_in_dim3A_603 : i32 to vector<16xi32>
      %gather3A_605 = tpu.vector_load_idx %arg5[%broadcast_in_dim3A_604, %get3A_494] : memref<16x1024xf32, #tpu.memory_space<vmem>>[vector<16xi32>, vector<16xi32>], vector<16xf32>,
      %mul3A_606 = arith.constant 16 : i32
      %mul3A_607 = arith.muli %scan3A_490, %mul3A_606 : i32
      %swap3A_608 = arith.constant 12 : i32
      %swap3A_609 = arith.index_cast %swap3A_608 : i32 to index
      %swap3A_610 = arith.index_cast %mul3A_607 : i32 to index
      %swap3A_611 = tpu.vector_load %arg7[%swap3A_609, %swap3A_610] {strides = array<i32>} : memref<16x1024xf32, #tpu.memory_space<vmem>>, vector<16xf32>,
      tpu.vector_store %arg7[%swap3A_609, %swap3A_610], %gather3A_605 {strides = array<i32>} : memref<16x1024xf32, #tpu.memory_space<vmem>>, vector<16xf32>,
      %broadcast_in_dim3A_612 = arith.constant 13 : i32
      %broadcast_in_dim3A_613 = vector.broadcast %broadcast_in_dim3A_612 : i32 to vector<16xi32>
      %gather3A_614 = tpu.vector_load_idx %arg5[%broadcast_in_dim3A_613, %get3A_494] : memref<16x1024xf32, #tpu.memory_space<vmem>>[vector<16xi32>, vector<16xi32>], vector<16xf32>,
      %mul3A_615 = arith.constant 16 : i32
      %mul3A_616 = arith.muli %scan3A_490, %mul3A_615 : i32
      %swap3A_617 = arith.constant 13 : i32
      %swap3A_618 = arith.index_cast %swap3A_617 : i32 to index
      %swap3A_619 = arith.index_cast %mul3A_616 : i32 to index
      %swap3A_620 = tpu.vector_load %arg7[%swap3A_618, %swap3A_619] {strides = array<i32>} : memref<16x1024xf32, #tpu.memory_space<vmem>>, vector<16xf32>,
      tpu.vector_store %arg7[%swap3A_618, %swap3A_619], %gather3A_614 {strides = array<i32>} : memref<16x1024xf32, #tpu.memory_space<vmem>>, vector<16xf32>,
      %broadcast_in_dim3A_621 = arith.constant 14 : i32
      %broadcast_in_dim3A_622 = vector.broadcast %broadcast_in_dim3A_621 : i32 to vector<16xi32>
      %gather3A_623 = tpu.vector_load_idx %arg5[%broadcast_in_dim3A_622, %get3A_494] : memref<16x1024xf32, #tpu.memory_space<vmem>>[vector<16xi32>, vector<16xi32>], vector<16xf32>,
      %mul3A_624 = arith.constant 16 : i32
      %mul3A_625 = arith.muli %scan3A_490, %mul3A_624 : i32
      %swap3A_626 = arith.constant 14 : i32
      %swap3A_627 = arith.index_cast %swap3A_626 : i32 to index
      %swap3A_628 = arith.index_cast %mul3A_625 : i32 to index
      %swap3A_629 = tpu.vector_load %arg7[%swap3A_627, %swap3A_628] {strides = array<i32>} : memref<16x1024xf32, #tpu.memory_space<vmem>>, vector<16xf32>,
      tpu.vector_store %arg7[%swap3A_627, %swap3A_628], %gather3A_623 {strides = array<i32>} : memref<16x1024xf32, #tpu.memory_space<vmem>>, vector<16xf32>,
      %broadcast_in_dim3A_630 = arith.constant 15 : i32
      %broadcast_in_dim3A_631 = vector.broadcast %broadcast_in_dim3A_630 : i32 to vector<16xi32>
      %gather3A_632 = tpu.vector_load_idx %arg5[%broadcast_in_dim3A_631, %get3A_494] : memref<16x1024xf32, #tpu.memory_space<vmem>>[vector<16xi32>, vector<16xi32>], vector<16xf32>,
      %mul3A_633 = arith.constant 16 : i32
      %mul3A_634 = arith.muli %scan3A_490, %mul3A_633 : i32
      %swap3A_635 = arith.constant 15 : i32
      %swap3A_636 = arith.index_cast %swap3A_635 : i32 to index
      %swap3A_637 = arith.index_cast %mul3A_634 : i32 to index
      %swap3A_638 = tpu.vector_load %arg7[%swap3A_636, %swap3A_637] {strides = array<i32>} : memref<16x1024xf32, #tpu.memory_space<vmem>>, vector<16xf32>,
      tpu.vector_store %arg7[%swap3A_636, %swap3A_637], %gather3A_632 {strides = array<i32>} : memref<16x1024xf32, #tpu.memory_space<vmem>>, vector<16xf32>,
    }
    %scan3A_39 = arith.constant 64 : i32
    %mul3A_40 = arith.constant 16 : i32
    %mul3A_41 = arith.muli %select_n3A, %mul3A_40 : i32
    %mul3A_42 = arith.constant 1024 : i32
    %mul3A_43 = arith.muli %select_n3A_30, %mul3A_42 : i32
    "tpu.region"() ({
      %run_scoped3A = tpu.sem_alloc : memref<!tpu.dma_semaphore, #tpu.memory_space<semaphore_mem>>
      %dma_start3A = tpu.memref_slice %arg4[%mul3A_41, %mul3A_43] : memref<64x8192xf32, #tpu.memory_space<hbm>> -> memref<16x1024xf32, #tpu.memory_space<hbm>>
      %dma_start3A_44 = tpu.memref_slice %arg4[%mul3A_41, %mul3A_43] : memref<64x8192xf32, #tpu.memory_space<hbm>> -> memref<16x1024xf32, #tpu.memory_space<hbm>>
      tpu.enqueue_dma source(%arg7 : memref<16x1024xf32, #tpu.memory_space<vmem>>) target(%dma_start3A_44 : memref<16x1024xf32, #tpu.memory_space<hbm>>) target_semaphore(%run_scoped3A : memref<!tpu.dma_semaphore, #tpu.memory_space<semaphore_mem>>)
      %dma_wait3A = tpu.memref_slice %arg4[%mul3A_41, %mul3A_43] : memref<64x8192xf32, #tpu.memory_space<hbm>> -> memref<16x1024xf32, #tpu.memory_space<hbm>>
      %dma_wait3A_45 = tpu.memref_slice %arg4[%mul3A_41, %mul3A_43] : memref<64x8192xf32, #tpu.memory_space<hbm>> -> memref<16x1024xf32, #tpu.memory_space<hbm>>
      tpu.wait_dma2 semaphore(%run_scoped3A : memref<!tpu.dma_semaphore, #tpu.memory_space<semaphore_mem>>) src(%arg7 : memref<16x1024xf32, #tpu.memory_space<vmem>>) dst(%dma_wait3A_45 : memref<16x1024xf32, #tpu.memory_space<hbm>>)
      tpu.yield
    }) : () -> ()
    return
  }
}

#map = affine_map<(d0, d1) -> (0, 0)>
#map1 = affine_map<(d0, d1) -> (0)>
module attributes {stable_mosaic.version = 14 : i64} {
  func.func @body(%arg0: i32, %arg1: i32, %arg2: memref<64x1024xf32, #tpu.memory_space<hbm>>, %arg3: memref<8192xi32, #tpu.memory_space<hbm>>, %arg4: memref<64x8192xf32, #tpu.memory_space<hbm>>, %arg5: memref<16x1024xf32, #tpu.memory_space<vmem>>, %arg6: memref<1024xi32, #tpu.memory_space<vmem>>, %arg7: memref<16x1024xf32, #tpu.memory_space<vmem>>) attributes {dimension_semantics = [#tpu.dimension_semantics<core_parallel>, #tpu.dimension_semantics<subcore_parallel>], iteration_bounds = array<i64: 2, 16>, scalar_prefetch = 0 : i64, scratch_operands = 3 : i64, tpu.core_type = #tpu.core_type<sc_vector_subcore>, window_params = [{transform_indices = #map}, {transform_indices = #map1}, {transform_indices = #map}]} {
    %mul3A = arith.constant 2 : i32
    %mul3A_0 = arith.muli %arg1, %mul3A : i32
    %add3A = arith.addi %mul3A_0, %arg0 : i32
    %jit3A = arith.constant 8 : i32
    %div3A = arith.divsi %add3A, %jit3A : i32
    %sign3A = arith.constant 0 : i32
    %sign3A_1 = arith.cmpi sgt, %add3A, %sign3A : i32
    %sign3A_2 = arith.extui %sign3A_1 : i1 to i32
    %sign3A_3 = arith.constant 0 : i32
    %sign3A_4 = arith.cmpi slt, %add3A, %sign3A_3 : i32
    %sign3A_5 = arith.extui %sign3A_4 : i1 to i32
    %sign3A_6 = arith.subi %sign3A_2, %sign3A_5 : i32
    %sign3A_7 = arith.constant 0 : i32
    %sign3A_8 = arith.cmpi sgt, %jit3A, %sign3A_7 : i32
    %sign3A_9 = arith.extui %sign3A_8 : i1 to i32
    %sign3A_10 = arith.constant 0 : i32
    %sign3A_11 = arith.cmpi slt, %jit3A, %sign3A_10 : i32
    %sign3A_12 = arith.extui %sign3A_11 : i1 to i32
    %sign3A_13 = arith.subi %sign3A_9, %sign3A_12 : i32
    %ne3A = arith.cmpi ne, %sign3A_6, %sign3A_13 : i32
    %rem3A = arith.remsi %add3A, %jit3A : i32
    %ne3A_14 = arith.constant 0 : i32
    %ne3A_15 = arith.cmpi ne, %rem3A, %ne3A_14 : i32
    %and3A = arith.andi %ne3A, %ne3A_15 : i1
    %sub3A = arith.constant 1 : i32
    %sub3A_16 = arith.subi %div3A, %sub3A : i32
    %select_n3A = arith.select %and3A, %sub3A_16, %div3A : i32
    %jit3A_17 = arith.constant 8 : i32
    %eq3A = arith.constant 0 : i32
    %eq3A_18 = arith.cmpi eq, %jit3A_17, %eq3A : i32
    %jit3A_19 = arith.constant 1 : i32
    %select_n3A_20 = arith.select %eq3A_18, %jit3A_19, %jit3A_17 : i32
    %rem3A_21 = arith.remsi %add3A, %select_n3A_20 : i32
    %ne3A_22 = arith.constant 0 : i32
    %ne3A_23 = arith.cmpi ne, %rem3A_21, %ne3A_22 : i32
    %lt3A = arith.constant 0 : i32
    %lt3A_24 = arith.cmpi slt, %rem3A_21, %lt3A : i32
    %lt3A_25 = arith.constant 0 : i32
    %lt3A_26 = arith.cmpi slt, %select_n3A_20, %lt3A_25 : i32
    %ne3A_27 = arith.xori %lt3A_24, %lt3A_26 : i1
    %and3A_28 = arith.andi %ne3A_27, %ne3A_23 : i1
    %add3A_29 = arith.addi %rem3A_21, %select_n3A_20 : i32
    %select_n3A_30 = arith.select %and3A_28, %add3A_29, %rem3A_21 : i32
    %mul3A_31 = arith.constant 16 : i32
    %mul3A_32 = arith.muli %select_n3A, %mul3A_31 : i32
    "tpu.region"() ({
      %run_scoped3A = tpu.sem_alloc : memref<!tpu.dma_semaphore, #tpu.memory_space<semaphore_mem>>
      %dma_start3A = arith.constant 0 : i32
      %dma_start3A_44 = tpu.memref_slice %arg2[%mul3A_32, %dma_start3A] : memref<64x1024xf32, #tpu.memory_space<hbm>> -> memref<16x1024xf32, #tpu.memory_space<hbm>>
      %dma_start3A_45 = arith.constant 0 : i32
      %dma_start3A_46 = tpu.memref_slice %arg2[%mul3A_32, %dma_start3A_45] : memref<64x1024xf32, #tpu.memory_space<hbm>> -> memref<16x1024xf32, #tpu.memory_space<hbm>>
      tpu.enqueue_dma source(%dma_start3A_46 : memref<16x1024xf32, #tpu.memory_space<hbm>>) target(%arg5 : memref<16x1024xf32, #tpu.memory_space<vmem>>) target_semaphore(%run_scoped3A : memref<!tpu.dma_semaphore, #tpu.memory_space<semaphore_mem>>)
      %dma_wait3A = arith.constant 0 : i32
      %dma_wait3A_47 = tpu.memref_slice %arg2[%mul3A_32, %dma_wait3A] : memref<64x1024xf32, #tpu.memory_space<hbm>> -> memref<16x1024xf32, #tpu.memory_space<hbm>>
      %dma_wait3A_48 = arith.constant 0 : i32
      %dma_wait3A_49 = tpu.memref_slice %arg2[%mul3A_32, %dma_wait3A_48] : memref<64x1024xf32, #tpu.memory_space<hbm>> -> memref<16x1024xf32, #tpu.memory_space<hbm>>
      tpu.wait_dma2 semaphore(%run_scoped3A : memref<!tpu.dma_semaphore, #tpu.memory_space<semaphore_mem>>) src(%dma_wait3A_49 : memref<16x1024xf32, #tpu.memory_space<hbm>>) dst(%arg5 : memref<16x1024xf32, #tpu.memory_space<vmem>>)
      tpu.yield
    }) : () -> ()
    %mul3A_33 = arith.constant 1024 : i32
    %mul3A_34 = arith.muli %select_n3A_30, %mul3A_33 : i32
    "tpu.region"() ({
      %run_scoped3A = tpu.sem_alloc : memref<!tpu.dma_semaphore, #tpu.memory_space<semaphore_mem>>
      %dma_start3A = tpu.memref_slice %arg3[%mul3A_34] : memref<8192xi32, #tpu.memory_space<hbm>> -> memref<1024xi32, #tpu.memory_space<hbm>>
      %dma_start3A_44 = tpu.memref_slice %arg3[%mul3A_34] : memref<8192xi32, #tpu.memory_space<hbm>> -> memref<1024xi32, #tpu.memory_space<hbm>>
      tpu.enqueue_dma source(%dma_start3A_44 : memref<1024xi32, #tpu.memory_space<hbm>>) target(%arg6 : memref<1024xi32, #tpu.memory_space<vmem>>) target_semaphore(%run_scoped3A : memref<!tpu.dma_semaphore, #tpu.memory_space<semaphore_mem>>)
      %dma_wait3A = tpu.memref_slice %arg3[%mul3A_34] : memref<8192xi32, #tpu.memory_space<hbm>> -> memref<1024xi32, #tpu.memory_space<hbm>>
      %dma_wait3A_45 = tpu.memref_slice %arg3[%mul3A_34] : memref<8192xi32, #tpu.memory_space<hbm>> -> memref<1024xi32, #tpu.memory_space<hbm>>
      tpu.wait_dma2 semaphore(%run_scoped3A : memref<!tpu.dma_semaphore, #tpu.memory_space<semaphore_mem>>) src(%dma_wait3A_45 : memref<1024xi32, #tpu.memory_space<hbm>>) dst(%arg6 : memref<1024xi32, #tpu.memory_space<vmem>>)
      tpu.yield
    }) : () -> ()
    %scan3A = arith.constant 0 : i32
    %scan3A_35 = arith.constant 0 : i32
    %scan3A_36 = arith.constant 64 : i32
    %scan3A_37 = arith.addi %scan3A_35, %scan3A_36 : i32
    %scan3A_38 = arith.constant 4 : i32
    scf.for %scan3A_44 = %scan3A_35 to %scan3A_37 step %scan3A_38  : i32 {
      %mul3A_45 = arith.constant 16 : i32
      %mul3A_46 = arith.muli %scan3A_44, %mul3A_45 : i32
      %get3A = arith.index_cast %mul3A_46 : i32 to index
      %get3A_47 = tpu.vector_load %arg6[%get3A] {strides = array<i32>} : memref<1024xi32, #tpu.memory_space<vmem>>, vector<16xi32>,
      %broadcast_in_dim3A = arith.constant 0 : i32
      %broadcast_in_dim3A_48 = vector.broadcast %broadcast_in_dim3A : i32 to vector<16xi32>
      %gather3A = tpu.vector_load_idx %arg5[%broadcast_in_dim3A_48, %get3A_47] : memref<16x1024xf32, #tpu.memory_space<vmem>>[vector<16xi32>, vector<16xi32>], vector<16xf32>,
      %mul3A_49 = arith.constant 16 : i32
      %mul3A_50 = arith.muli %scan3A_44, %mul3A_49 : i32
      %swap3A = arith.constant 0 : i32
      %swap3A_51 = arith.index_cast %swap3A : i32 to index
      %swap3A_52 = arith.index_cast %mul3A_50 : i32 to index
      %swap3A_53 = tpu.vector_load %arg7[%swap3A_51, %swap3A_52] {strides = array<i32>} : memref<16x1024xf32, #tpu.memory_space<vmem>>, vector<16xf32>,
      tpu.vector_store %arg7[%swap3A_51, %swap3A_52], %gather3A {strides = array<i32>} : memref<16x1024xf32, #tpu.memory_space<vmem>>, vector<16xf32>,
      %broadcast_in_dim3A_54 = arith.constant 1 : i32
      %broadcast_in_dim3A_55 = vector.broadcast %broadcast_in_dim3A_54 : i32 to vector<16xi32>
      %gather3A_56 = tpu.vector_load_idx %arg5[%broadcast_in_dim3A_55, %get3A_47] : memref<16x1024xf32, #tpu.memory_space<vmem>>[vector<16xi32>, vector<16xi32>], vector<16xf32>,
      %mul3A_57 = arith.constant 16 : i32
      %mul3A_58 = arith.muli %scan3A_44, %mul3A_57 : i32
      %swap3A_59 = arith.constant 1 : i32
      %swap3A_60 = arith.index_cast %swap3A_59 : i32 to index
      %swap3A_61 = arith.index_cast %mul3A_58 : i32 to index
      %swap3A_62 = tpu.vector_load %arg7[%swap3A_60, %swap3A_61] {strides = array<i32>} : memref<16x1024xf32, #tpu.memory_space<vmem>>, vector<16xf32>,
      tpu.vector_store %arg7[%swap3A_60, %swap3A_61], %gather3A_56 {strides = array<i32>} : memref<16x1024xf32, #tpu.memory_space<vmem>>, vector<16xf32>,
      %broadcast_in_dim3A_63 = arith.constant 2 : i32
      %broadcast_in_dim3A_64 = vector.broadcast %broadcast_in_dim3A_63 : i32 to vector<16xi32>
      %gather3A_65 = tpu.vector_load_idx %arg5[%broadcast_in_dim3A_64, %get3A_47] : memref<16x1024xf32, #tpu.memory_space<vmem>>[vector<16xi32>, vector<16xi32>], vector<16xf32>,
      %mul3A_66 = arith.constant 16 : i32
      %mul3A_67 = arith.muli %scan3A_44, %mul3A_66 : i32
      %swap3A_68 = arith.constant 2 : i32
      %swap3A_69 = arith.index_cast %swap3A_68 : i32 to index
      %swap3A_70 = arith.index_cast %mul3A_67 : i32 to index
      %swap3A_71 = tpu.vector_load %arg7[%swap3A_69, %swap3A_70] {strides = array<i32>} : memref<16x1024xf32, #tpu.memory_space<vmem>>, vector<16xf32>,
      tpu.vector_store %arg7[%swap3A_69, %swap3A_70], %gather3A_65 {strides = array<i32>} : memref<16x1024xf32, #tpu.memory_space<vmem>>, vector<16xf32>,
      %broadcast_in_dim3A_72 = arith.constant 3 : i32
      %broadcast_in_dim3A_73 = vector.broadcast %broadcast_in_dim3A_72 : i32 to vector<16xi32>
      %gather3A_74 = tpu.vector_load_idx %arg5[%broadcast_in_dim3A_73, %get3A_47] : memref<16x1024xf32, #tpu.memory_space<vmem>>[vector<16xi32>, vector<16xi32>], vector<16xf32>,
      %mul3A_75 = arith.constant 16 : i32
      %mul3A_76 = arith.muli %scan3A_44, %mul3A_75 : i32
      %swap3A_77 = arith.constant 3 : i32
      %swap3A_78 = arith.index_cast %swap3A_77 : i32 to index
      %swap3A_79 = arith.index_cast %mul3A_76 : i32 to index
      %swap3A_80 = tpu.vector_load %arg7[%swap3A_78, %swap3A_79] {strides = array<i32>} : memref<16x1024xf32, #tpu.memory_space<vmem>>, vector<16xf32>,
      tpu.vector_store %arg7[%swap3A_78, %swap3A_79], %gather3A_74 {strides = array<i32>} : memref<16x1024xf32, #tpu.memory_space<vmem>>, vector<16xf32>,
      %broadcast_in_dim3A_81 = arith.constant 4 : i32
      %broadcast_in_dim3A_82 = vector.broadcast %broadcast_in_dim3A_81 : i32 to vector<16xi32>
      %gather3A_83 = tpu.vector_load_idx %arg5[%broadcast_in_dim3A_82, %get3A_47] : memref<16x1024xf32, #tpu.memory_space<vmem>>[vector<16xi32>, vector<16xi32>], vector<16xf32>,
      %mul3A_84 = arith.constant 16 : i32
      %mul3A_85 = arith.muli %scan3A_44, %mul3A_84 : i32
      %swap3A_86 = arith.constant 4 : i32
      %swap3A_87 = arith.index_cast %swap3A_86 : i32 to index
      %swap3A_88 = arith.index_cast %mul3A_85 : i32 to index
      %swap3A_89 = tpu.vector_load %arg7[%swap3A_87, %swap3A_88] {strides = array<i32>} : memref<16x1024xf32, #tpu.memory_space<vmem>>, vector<16xf32>,
      tpu.vector_store %arg7[%swap3A_87, %swap3A_88], %gather3A_83 {strides = array<i32>} : memref<16x1024xf32, #tpu.memory_space<vmem>>, vector<16xf32>,
      %broadcast_in_dim3A_90 = arith.constant 5 : i32
      %broadcast_in_dim3A_91 = vector.broadcast %broadcast_in_dim3A_90 : i32 to vector<16xi32>
      %gather3A_92 = tpu.vector_load_idx %arg5[%broadcast_in_dim3A_91, %get3A_47] : memref<16x1024xf32, #tpu.memory_space<vmem>>[vector<16xi32>, vector<16xi32>], vector<16xf32>,
      %mul3A_93 = arith.constant 16 : i32
      %mul3A_94 = arith.muli %scan3A_44, %mul3A_93 : i32
      %swap3A_95 = arith.constant 5 : i32
      %swap3A_96 = arith.index_cast %swap3A_95 : i32 to index
      %swap3A_97 = arith.index_cast %mul3A_94 : i32 to index
      %swap3A_98 = tpu.vector_load %arg7[%swap3A_96, %swap3A_97] {strides = array<i32>} : memref<16x1024xf32, #tpu.memory_space<vmem>>, vector<16xf32>,
      tpu.vector_store %arg7[%swap3A_96, %swap3A_97], %gather3A_92 {strides = array<i32>} : memref<16x1024xf32, #tpu.memory_space<vmem>>, vector<16xf32>,
      %broadcast_in_dim3A_99 = arith.constant 6 : i32
      %broadcast_in_dim3A_100 = vector.broadcast %broadcast_in_dim3A_99 : i32 to vector<16xi32>
      %gather3A_101 = tpu.vector_load_idx %arg5[%broadcast_in_dim3A_100, %get3A_47] : memref<16x1024xf32, #tpu.memory_space<vmem>>[vector<16xi32>, vector<16xi32>], vector<16xf32>,
      %mul3A_102 = arith.constant 16 : i32
      %mul3A_103 = arith.muli %scan3A_44, %mul3A_102 : i32
      %swap3A_104 = arith.constant 6 : i32
      %swap3A_105 = arith.index_cast %swap3A_104 : i32 to index
      %swap3A_106 = arith.index_cast %mul3A_103 : i32 to index
      %swap3A_107 = tpu.vector_load %arg7[%swap3A_105, %swap3A_106] {strides = array<i32>} : memref<16x1024xf32, #tpu.memory_space<vmem>>, vector<16xf32>,
      tpu.vector_store %arg7[%swap3A_105, %swap3A_106], %gather3A_101 {strides = array<i32>} : memref<16x1024xf32, #tpu.memory_space<vmem>>, vector<16xf32>,
      %broadcast_in_dim3A_108 = arith.constant 7 : i32
      %broadcast_in_dim3A_109 = vector.broadcast %broadcast_in_dim3A_108 : i32 to vector<16xi32>
      %gather3A_110 = tpu.vector_load_idx %arg5[%broadcast_in_dim3A_109, %get3A_47] : memref<16x1024xf32, #tpu.memory_space<vmem>>[vector<16xi32>, vector<16xi32>], vector<16xf32>,
      %mul3A_111 = arith.constant 16 : i32
      %mul3A_112 = arith.muli %scan3A_44, %mul3A_111 : i32
      %swap3A_113 = arith.constant 7 : i32
      %swap3A_114 = arith.index_cast %swap3A_113 : i32 to index
      %swap3A_115 = arith.index_cast %mul3A_112 : i32 to index
      %swap3A_116 = tpu.vector_load %arg7[%swap3A_114, %swap3A_115] {strides = array<i32>} : memref<16x1024xf32, #tpu.memory_space<vmem>>, vector<16xf32>,
      tpu.vector_store %arg7[%swap3A_114, %swap3A_115], %gather3A_110 {strides = array<i32>} : memref<16x1024xf32, #tpu.memory_space<vmem>>, vector<16xf32>,
      %broadcast_in_dim3A_117 = arith.constant 8 : i32
      %broadcast_in_dim3A_118 = vector.broadcast %broadcast_in_dim3A_117 : i32 to vector<16xi32>
      %gather3A_119 = tpu.vector_load_idx %arg5[%broadcast_in_dim3A_118, %get3A_47] : memref<16x1024xf32, #tpu.memory_space<vmem>>[vector<16xi32>, vector<16xi32>], vector<16xf32>,
      %mul3A_120 = arith.constant 16 : i32
      %mul3A_121 = arith.muli %scan3A_44, %mul3A_120 : i32
      %swap3A_122 = arith.constant 8 : i32
      %swap3A_123 = arith.index_cast %swap3A_122 : i32 to index
      %swap3A_124 = arith.index_cast %mul3A_121 : i32 to index
      %swap3A_125 = tpu.vector_load %arg7[%swap3A_123, %swap3A_124] {strides = array<i32>} : memref<16x1024xf32, #tpu.memory_space<vmem>>, vector<16xf32>,
      tpu.vector_store %arg7[%swap3A_123, %swap3A_124], %gather3A_119 {strides = array<i32>} : memref<16x1024xf32, #tpu.memory_space<vmem>>, vector<16xf32>,
      %broadcast_in_dim3A_126 = arith.constant 9 : i32
      %broadcast_in_dim3A_127 = vector.broadcast %broadcast_in_dim3A_126 : i32 to vector<16xi32>
      %gather3A_128 = tpu.vector_load_idx %arg5[%broadcast_in_dim3A_127, %get3A_47] : memref<16x1024xf32, #tpu.memory_space<vmem>>[vector<16xi32>, vector<16xi32>], vector<16xf32>,
      %mul3A_129 = arith.constant 16 : i32
      %mul3A_130 = arith.muli %scan3A_44, %mul3A_129 : i32
      %swap3A_131 = arith.constant 9 : i32
      %swap3A_132 = arith.index_cast %swap3A_131 : i32 to index
      %swap3A_133 = arith.index_cast %mul3A_130 : i32 to index
      %swap3A_134 = tpu.vector_load %arg7[%swap3A_132, %swap3A_133] {strides = array<i32>} : memref<16x1024xf32, #tpu.memory_space<vmem>>, vector<16xf32>,
      tpu.vector_store %arg7[%swap3A_132, %swap3A_133], %gather3A_128 {strides = array<i32>} : memref<16x1024xf32, #tpu.memory_space<vmem>>, vector<16xf32>,
      %broadcast_in_dim3A_135 = arith.constant 10 : i32
      %broadcast_in_dim3A_136 = vector.broadcast %broadcast_in_dim3A_135 : i32 to vector<16xi32>
      %gather3A_137 = tpu.vector_load_idx %arg5[%broadcast_in_dim3A_136, %get3A_47] : memref<16x1024xf32, #tpu.memory_space<vmem>>[vector<16xi32>, vector<16xi32>], vector<16xf32>,
      %mul3A_138 = arith.constant 16 : i32
      %mul3A_139 = arith.muli %scan3A_44, %mul3A_138 : i32
      %swap3A_140 = arith.constant 10 : i32
      %swap3A_141 = arith.index_cast %swap3A_140 : i32 to index
      %swap3A_142 = arith.index_cast %mul3A_139 : i32 to index
      %swap3A_143 = tpu.vector_load %arg7[%swap3A_141, %swap3A_142] {strides = array<i32>} : memref<16x1024xf32, #tpu.memory_space<vmem>>, vector<16xf32>,
      tpu.vector_store %arg7[%swap3A_141, %swap3A_142], %gather3A_137 {strides = array<i32>} : memref<16x1024xf32, #tpu.memory_space<vmem>>, vector<16xf32>,
      %broadcast_in_dim3A_144 = arith.constant 11 : i32
      %broadcast_in_dim3A_145 = vector.broadcast %broadcast_in_dim3A_144 : i32 to vector<16xi32>
      %gather3A_146 = tpu.vector_load_idx %arg5[%broadcast_in_dim3A_145, %get3A_47] : memref<16x1024xf32, #tpu.memory_space<vmem>>[vector<16xi32>, vector<16xi32>], vector<16xf32>,
      %mul3A_147 = arith.constant 16 : i32
      %mul3A_148 = arith.muli %scan3A_44, %mul3A_147 : i32
      %swap3A_149 = arith.constant 11 : i32
      %swap3A_150 = arith.index_cast %swap3A_149 : i32 to index
      %swap3A_151 = arith.index_cast %mul3A_148 : i32 to index
      %swap3A_152 = tpu.vector_load %arg7[%swap3A_150, %swap3A_151] {strides = array<i32>} : memref<16x1024xf32, #tpu.memory_space<vmem>>, vector<16xf32>,
      tpu.vector_store %arg7[%swap3A_150, %swap3A_151], %gather3A_146 {strides = array<i32>} : memref<16x1024xf32, #tpu.memory_space<vmem>>, vector<16xf32>,
      %broadcast_in_dim3A_153 = arith.constant 12 : i32
      %broadcast_in_dim3A_154 = vector.broadcast %broadcast_in_dim3A_153 : i32 to vector<16xi32>
      %gather3A_155 = tpu.vector_load_idx %arg5[%broadcast_in_dim3A_154, %get3A_47] : memref<16x1024xf32, #tpu.memory_space<vmem>>[vector<16xi32>, vector<16xi32>], vector<16xf32>,
      %mul3A_156 = arith.constant 16 : i32
      %mul3A_157 = arith.muli %scan3A_44, %mul3A_156 : i32
      %swap3A_158 = arith.constant 12 : i32
      %swap3A_159 = arith.index_cast %swap3A_158 : i32 to index
      %swap3A_160 = arith.index_cast %mul3A_157 : i32 to index
      %swap3A_161 = tpu.vector_load %arg7[%swap3A_159, %swap3A_160] {strides = array<i32>} : memref<16x1024xf32, #tpu.memory_space<vmem>>, vector<16xf32>,
      tpu.vector_store %arg7[%swap3A_159, %swap3A_160], %gather3A_155 {strides = array<i32>} : memref<16x1024xf32, #tpu.memory_space<vmem>>, vector<16xf32>,
      %broadcast_in_dim3A_162 = arith.constant 13 : i32
      %broadcast_in_dim3A_163 = vector.broadcast %broadcast_in_dim3A_162 : i32 to vector<16xi32>
      %gather3A_164 = tpu.vector_load_idx %arg5[%broadcast_in_dim3A_163, %get3A_47] : memref<16x1024xf32, #tpu.memory_space<vmem>>[vector<16xi32>, vector<16xi32>], vector<16xf32>,
      %mul3A_165 = arith.constant 16 : i32
      %mul3A_166 = arith.muli %scan3A_44, %mul3A_165 : i32
      %swap3A_167 = arith.constant 13 : i32
      %swap3A_168 = arith.index_cast %swap3A_167 : i32 to index
      %swap3A_169 = arith.index_cast %mul3A_166 : i32 to index
      %swap3A_170 = tpu.vector_load %arg7[%swap3A_168, %swap3A_169] {strides = array<i32>} : memref<16x1024xf32, #tpu.memory_space<vmem>>, vector<16xf32>,
      tpu.vector_store %arg7[%swap3A_168, %swap3A_169], %gather3A_164 {strides = array<i32>} : memref<16x1024xf32, #tpu.memory_space<vmem>>, vector<16xf32>,
      %broadcast_in_dim3A_171 = arith.constant 14 : i32
      %broadcast_in_dim3A_172 = vector.broadcast %broadcast_in_dim3A_171 : i32 to vector<16xi32>
      %gather3A_173 = tpu.vector_load_idx %arg5[%broadcast_in_dim3A_172, %get3A_47] : memref<16x1024xf32, #tpu.memory_space<vmem>>[vector<16xi32>, vector<16xi32>], vector<16xf32>,
      %mul3A_174 = arith.constant 16 : i32
      %mul3A_175 = arith.muli %scan3A_44, %mul3A_174 : i32
      %swap3A_176 = arith.constant 14 : i32
      %swap3A_177 = arith.index_cast %swap3A_176 : i32 to index
      %swap3A_178 = arith.index_cast %mul3A_175 : i32 to index
      %swap3A_179 = tpu.vector_load %arg7[%swap3A_177, %swap3A_178] {strides = array<i32>} : memref<16x1024xf32, #tpu.memory_space<vmem>>, vector<16xf32>,
      tpu.vector_store %arg7[%swap3A_177, %swap3A_178], %gather3A_173 {strides = array<i32>} : memref<16x1024xf32, #tpu.memory_space<vmem>>, vector<16xf32>,
      %broadcast_in_dim3A_180 = arith.constant 15 : i32
      %broadcast_in_dim3A_181 = vector.broadcast %broadcast_in_dim3A_180 : i32 to vector<16xi32>
      %gather3A_182 = tpu.vector_load_idx %arg5[%broadcast_in_dim3A_181, %get3A_47] : memref<16x1024xf32, #tpu.memory_space<vmem>>[vector<16xi32>, vector<16xi32>], vector<16xf32>,
      %mul3A_183 = arith.constant 16 : i32
      %mul3A_184 = arith.muli %scan3A_44, %mul3A_183 : i32
      %swap3A_185 = arith.constant 15 : i32
      %swap3A_186 = arith.index_cast %swap3A_185 : i32 to index
      %swap3A_187 = arith.index_cast %mul3A_184 : i32 to index
      %swap3A_188 = tpu.vector_load %arg7[%swap3A_186, %swap3A_187] {strides = array<i32>} : memref<16x1024xf32, #tpu.memory_space<vmem>>, vector<16xf32>,
      tpu.vector_store %arg7[%swap3A_186, %swap3A_187], %gather3A_182 {strides = array<i32>} : memref<16x1024xf32, #tpu.memory_space<vmem>>, vector<16xf32>,
      %scan3A_189 = arith.constant 1 : i32
      %scan3A_190 = arith.addi %scan3A_44, %scan3A_189 : i32
      %mul3A_191 = arith.constant 16 : i32
      %mul3A_192 = arith.muli %scan3A_190, %mul3A_191 : i32
      %get3A_193 = arith.index_cast %mul3A_192 : i32 to index
      %get3A_194 = tpu.vector_load %arg6[%get3A_193] {strides = array<i32>} : memref<1024xi32, #tpu.memory_space<vmem>>, vector<16xi32>,
      %broadcast_in_dim3A_195 = arith.constant 0 : i32
      %broadcast_in_dim3A_196 = vector.broadcast %broadcast_in_dim3A_195 : i32 to vector<16xi32>
      %gather3A_197 = tpu.vector_load_idx %arg5[%broadcast_in_dim3A_196, %get3A_194] : memref<16x1024xf32, #tpu.memory_space<vmem>>[vector<16xi32>, vector<16xi32>], vector<16xf32>,
      %mul3A_198 = arith.constant 16 : i32
      %mul3A_199 = arith.muli %scan3A_190, %mul3A_198 : i32
      %swap3A_200 = arith.constant 0 : i32
      %swap3A_201 = arith.index_cast %swap3A_200 : i32 to index
      %swap3A_202 = arith.index_cast %mul3A_199 : i32 to index
      %swap3A_203 = tpu.vector_load %arg7[%swap3A_201, %swap3A_202] {strides = array<i32>} : memref<16x1024xf32, #tpu.memory_space<vmem>>, vector<16xf32>,
      tpu.vector_store %arg7[%swap3A_201, %swap3A_202], %gather3A_197 {strides = array<i32>} : memref<16x1024xf32, #tpu.memory_space<vmem>>, vector<16xf32>,
      %broadcast_in_dim3A_204 = arith.constant 1 : i32
      %broadcast_in_dim3A_205 = vector.broadcast %broadcast_in_dim3A_204 : i32 to vector<16xi32>
      %gather3A_206 = tpu.vector_load_idx %arg5[%broadcast_in_dim3A_205, %get3A_194] : memref<16x1024xf32, #tpu.memory_space<vmem>>[vector<16xi32>, vector<16xi32>], vector<16xf32>,
      %mul3A_207 = arith.constant 16 : i32
      %mul3A_208 = arith.muli %scan3A_190, %mul3A_207 : i32
      %swap3A_209 = arith.constant 1 : i32
      %swap3A_210 = arith.index_cast %swap3A_209 : i32 to index
      %swap3A_211 = arith.index_cast %mul3A_208 : i32 to index
      %swap3A_212 = tpu.vector_load %arg7[%swap3A_210, %swap3A_211] {strides = array<i32>} : memref<16x1024xf32, #tpu.memory_space<vmem>>, vector<16xf32>,
      tpu.vector_store %arg7[%swap3A_210, %swap3A_211], %gather3A_206 {strides = array<i32>} : memref<16x1024xf32, #tpu.memory_space<vmem>>, vector<16xf32>,
      %broadcast_in_dim3A_213 = arith.constant 2 : i32
      %broadcast_in_dim3A_214 = vector.broadcast %broadcast_in_dim3A_213 : i32 to vector<16xi32>
      %gather3A_215 = tpu.vector_load_idx %arg5[%broadcast_in_dim3A_214, %get3A_194] : memref<16x1024xf32, #tpu.memory_space<vmem>>[vector<16xi32>, vector<16xi32>], vector<16xf32>,
      %mul3A_216 = arith.constant 16 : i32
      %mul3A_217 = arith.muli %scan3A_190, %mul3A_216 : i32
      %swap3A_218 = arith.constant 2 : i32
      %swap3A_219 = arith.index_cast %swap3A_218 : i32 to index
      %swap3A_220 = arith.index_cast %mul3A_217 : i32 to index
      %swap3A_221 = tpu.vector_load %arg7[%swap3A_219, %swap3A_220] {strides = array<i32>} : memref<16x1024xf32, #tpu.memory_space<vmem>>, vector<16xf32>,
      tpu.vector_store %arg7[%swap3A_219, %swap3A_220], %gather3A_215 {strides = array<i32>} : memref<16x1024xf32, #tpu.memory_space<vmem>>, vector<16xf32>,
      %broadcast_in_dim3A_222 = arith.constant 3 : i32
      %broadcast_in_dim3A_223 = vector.broadcast %broadcast_in_dim3A_222 : i32 to vector<16xi32>
      %gather3A_224 = tpu.vector_load_idx %arg5[%broadcast_in_dim3A_223, %get3A_194] : memref<16x1024xf32, #tpu.memory_space<vmem>>[vector<16xi32>, vector<16xi32>], vector<16xf32>,
      %mul3A_225 = arith.constant 16 : i32
      %mul3A_226 = arith.muli %scan3A_190, %mul3A_225 : i32
      %swap3A_227 = arith.constant 3 : i32
      %swap3A_228 = arith.index_cast %swap3A_227 : i32 to index
      %swap3A_229 = arith.index_cast %mul3A_226 : i32 to index
      %swap3A_230 = tpu.vector_load %arg7[%swap3A_228, %swap3A_229] {strides = array<i32>} : memref<16x1024xf32, #tpu.memory_space<vmem>>, vector<16xf32>,
      tpu.vector_store %arg7[%swap3A_228, %swap3A_229], %gather3A_224 {strides = array<i32>} : memref<16x1024xf32, #tpu.memory_space<vmem>>, vector<16xf32>,
      %broadcast_in_dim3A_231 = arith.constant 4 : i32
      %broadcast_in_dim3A_232 = vector.broadcast %broadcast_in_dim3A_231 : i32 to vector<16xi32>
      %gather3A_233 = tpu.vector_load_idx %arg5[%broadcast_in_dim3A_232, %get3A_194] : memref<16x1024xf32, #tpu.memory_space<vmem>>[vector<16xi32>, vector<16xi32>], vector<16xf32>,
      %mul3A_234 = arith.constant 16 : i32
      %mul3A_235 = arith.muli %scan3A_190, %mul3A_234 : i32
      %swap3A_236 = arith.constant 4 : i32
      %swap3A_237 = arith.index_cast %swap3A_236 : i32 to index
      %swap3A_238 = arith.index_cast %mul3A_235 : i32 to index
      %swap3A_239 = tpu.vector_load %arg7[%swap3A_237, %swap3A_238] {strides = array<i32>} : memref<16x1024xf32, #tpu.memory_space<vmem>>, vector<16xf32>,
      tpu.vector_store %arg7[%swap3A_237, %swap3A_238], %gather3A_233 {strides = array<i32>} : memref<16x1024xf32, #tpu.memory_space<vmem>>, vector<16xf32>,
      %broadcast_in_dim3A_240 = arith.constant 5 : i32
      %broadcast_in_dim3A_241 = vector.broadcast %broadcast_in_dim3A_240 : i32 to vector<16xi32>
      %gather3A_242 = tpu.vector_load_idx %arg5[%broadcast_in_dim3A_241, %get3A_194] : memref<16x1024xf32, #tpu.memory_space<vmem>>[vector<16xi32>, vector<16xi32>], vector<16xf32>,
      %mul3A_243 = arith.constant 16 : i32
      %mul3A_244 = arith.muli %scan3A_190, %mul3A_243 : i32
      %swap3A_245 = arith.constant 5 : i32
      %swap3A_246 = arith.index_cast %swap3A_245 : i32 to index
      %swap3A_247 = arith.index_cast %mul3A_244 : i32 to index
      %swap3A_248 = tpu.vector_load %arg7[%swap3A_246, %swap3A_247] {strides = array<i32>} : memref<16x1024xf32, #tpu.memory_space<vmem>>, vector<16xf32>,
      tpu.vector_store %arg7[%swap3A_246, %swap3A_247], %gather3A_242 {strides = array<i32>} : memref<16x1024xf32, #tpu.memory_space<vmem>>, vector<16xf32>,
      %broadcast_in_dim3A_249 = arith.constant 6 : i32
      %broadcast_in_dim3A_250 = vector.broadcast %broadcast_in_dim3A_249 : i32 to vector<16xi32>
      %gather3A_251 = tpu.vector_load_idx %arg5[%broadcast_in_dim3A_250, %get3A_194] : memref<16x1024xf32, #tpu.memory_space<vmem>>[vector<16xi32>, vector<16xi32>], vector<16xf32>,
      %mul3A_252 = arith.constant 16 : i32
      %mul3A_253 = arith.muli %scan3A_190, %mul3A_252 : i32
      %swap3A_254 = arith.constant 6 : i32
      %swap3A_255 = arith.index_cast %swap3A_254 : i32 to index
      %swap3A_256 = arith.index_cast %mul3A_253 : i32 to index
      %swap3A_257 = tpu.vector_load %arg7[%swap3A_255, %swap3A_256] {strides = array<i32>} : memref<16x1024xf32, #tpu.memory_space<vmem>>, vector<16xf32>,
      tpu.vector_store %arg7[%swap3A_255, %swap3A_256], %gather3A_251 {strides = array<i32>} : memref<16x1024xf32, #tpu.memory_space<vmem>>, vector<16xf32>,
      %broadcast_in_dim3A_258 = arith.constant 7 : i32
      %broadcast_in_dim3A_259 = vector.broadcast %broadcast_in_dim3A_258 : i32 to vector<16xi32>
      %gather3A_260 = tpu.vector_load_idx %arg5[%broadcast_in_dim3A_259, %get3A_194] : memref<16x1024xf32, #tpu.memory_space<vmem>>[vector<16xi32>, vector<16xi32>], vector<16xf32>,
      %mul3A_261 = arith.constant 16 : i32
      %mul3A_262 = arith.muli %scan3A_190, %mul3A_261 : i32
      %swap3A_263 = arith.constant 7 : i32
      %swap3A_264 = arith.index_cast %swap3A_263 : i32 to index
      %swap3A_265 = arith.index_cast %mul3A_262 : i32 to index
      %swap3A_266 = tpu.vector_load %arg7[%swap3A_264, %swap3A_265] {strides = array<i32>} : memref<16x1024xf32, #tpu.memory_space<vmem>>, vector<16xf32>,
      tpu.vector_store %arg7[%swap3A_264, %swap3A_265], %gather3A_260 {strides = array<i32>} : memref<16x1024xf32, #tpu.memory_space<vmem>>, vector<16xf32>,
      %broadcast_in_dim3A_267 = arith.constant 8 : i32
      %broadcast_in_dim3A_268 = vector.broadcast %broadcast_in_dim3A_267 : i32 to vector<16xi32>
      %gather3A_269 = tpu.vector_load_idx %arg5[%broadcast_in_dim3A_268, %get3A_194] : memref<16x1024xf32, #tpu.memory_space<vmem>>[vector<16xi32>, vector<16xi32>], vector<16xf32>,
      %mul3A_270 = arith.constant 16 : i32
      %mul3A_271 = arith.muli %scan3A_190, %mul3A_270 : i32
      %swap3A_272 = arith.constant 8 : i32
      %swap3A_273 = arith.index_cast %swap3A_272 : i32 to index
      %swap3A_274 = arith.index_cast %mul3A_271 : i32 to index
      %swap3A_275 = tpu.vector_load %arg7[%swap3A_273, %swap3A_274] {strides = array<i32>} : memref<16x1024xf32, #tpu.memory_space<vmem>>, vector<16xf32>,
      tpu.vector_store %arg7[%swap3A_273, %swap3A_274], %gather3A_269 {strides = array<i32>} : memref<16x1024xf32, #tpu.memory_space<vmem>>, vector<16xf32>,
      %broadcast_in_dim3A_276 = arith.constant 9 : i32
      %broadcast_in_dim3A_277 = vector.broadcast %broadcast_in_dim3A_276 : i32 to vector<16xi32>
      %gather3A_278 = tpu.vector_load_idx %arg5[%broadcast_in_dim3A_277, %get3A_194] : memref<16x1024xf32, #tpu.memory_space<vmem>>[vector<16xi32>, vector<16xi32>], vector<16xf32>,
      %mul3A_279 = arith.constant 16 : i32
      %mul3A_280 = arith.muli %scan3A_190, %mul3A_279 : i32
      %swap3A_281 = arith.constant 9 : i32
      %swap3A_282 = arith.index_cast %swap3A_281 : i32 to index
      %swap3A_283 = arith.index_cast %mul3A_280 : i32 to index
      %swap3A_284 = tpu.vector_load %arg7[%swap3A_282, %swap3A_283] {strides = array<i32>} : memref<16x1024xf32, #tpu.memory_space<vmem>>, vector<16xf32>,
      tpu.vector_store %arg7[%swap3A_282, %swap3A_283], %gather3A_278 {strides = array<i32>} : memref<16x1024xf32, #tpu.memory_space<vmem>>, vector<16xf32>,
      %broadcast_in_dim3A_285 = arith.constant 10 : i32
      %broadcast_in_dim3A_286 = vector.broadcast %broadcast_in_dim3A_285 : i32 to vector<16xi32>
      %gather3A_287 = tpu.vector_load_idx %arg5[%broadcast_in_dim3A_286, %get3A_194] : memref<16x1024xf32, #tpu.memory_space<vmem>>[vector<16xi32>, vector<16xi32>], vector<16xf32>,
      %mul3A_288 = arith.constant 16 : i32
      %mul3A_289 = arith.muli %scan3A_190, %mul3A_288 : i32
      %swap3A_290 = arith.constant 10 : i32
      %swap3A_291 = arith.index_cast %swap3A_290 : i32 to index
      %swap3A_292 = arith.index_cast %mul3A_289 : i32 to index
      %swap3A_293 = tpu.vector_load %arg7[%swap3A_291, %swap3A_292] {strides = array<i32>} : memref<16x1024xf32, #tpu.memory_space<vmem>>, vector<16xf32>,
      tpu.vector_store %arg7[%swap3A_291, %swap3A_292], %gather3A_287 {strides = array<i32>} : memref<16x1024xf32, #tpu.memory_space<vmem>>, vector<16xf32>,
      %broadcast_in_dim3A_294 = arith.constant 11 : i32
      %broadcast_in_dim3A_295 = vector.broadcast %broadcast_in_dim3A_294 : i32 to vector<16xi32>
      %gather3A_296 = tpu.vector_load_idx %arg5[%broadcast_in_dim3A_295, %get3A_194] : memref<16x1024xf32, #tpu.memory_space<vmem>>[vector<16xi32>, vector<16xi32>], vector<16xf32>,
      %mul3A_297 = arith.constant 16 : i32
      %mul3A_298 = arith.muli %scan3A_190, %mul3A_297 : i32
      %swap3A_299 = arith.constant 11 : i32
      %swap3A_300 = arith.index_cast %swap3A_299 : i32 to index
      %swap3A_301 = arith.index_cast %mul3A_298 : i32 to index
      %swap3A_302 = tpu.vector_load %arg7[%swap3A_300, %swap3A_301] {strides = array<i32>} : memref<16x1024xf32, #tpu.memory_space<vmem>>, vector<16xf32>,
      tpu.vector_store %arg7[%swap3A_300, %swap3A_301], %gather3A_296 {strides = array<i32>} : memref<16x1024xf32, #tpu.memory_space<vmem>>, vector<16xf32>,
      %broadcast_in_dim3A_303 = arith.constant 12 : i32
      %broadcast_in_dim3A_304 = vector.broadcast %broadcast_in_dim3A_303 : i32 to vector<16xi32>
      %gather3A_305 = tpu.vector_load_idx %arg5[%broadcast_in_dim3A_304, %get3A_194] : memref<16x1024xf32, #tpu.memory_space<vmem>>[vector<16xi32>, vector<16xi32>], vector<16xf32>,
      %mul3A_306 = arith.constant 16 : i32
      %mul3A_307 = arith.muli %scan3A_190, %mul3A_306 : i32
      %swap3A_308 = arith.constant 12 : i32
      %swap3A_309 = arith.index_cast %swap3A_308 : i32 to index
      %swap3A_310 = arith.index_cast %mul3A_307 : i32 to index
      %swap3A_311 = tpu.vector_load %arg7[%swap3A_309, %swap3A_310] {strides = array<i32>} : memref<16x1024xf32, #tpu.memory_space<vmem>>, vector<16xf32>,
      tpu.vector_store %arg7[%swap3A_309, %swap3A_310], %gather3A_305 {strides = array<i32>} : memref<16x1024xf32, #tpu.memory_space<vmem>>, vector<16xf32>,
      %broadcast_in_dim3A_312 = arith.constant 13 : i32
      %broadcast_in_dim3A_313 = vector.broadcast %broadcast_in_dim3A_312 : i32 to vector<16xi32>
      %gather3A_314 = tpu.vector_load_idx %arg5[%broadcast_in_dim3A_313, %get3A_194] : memref<16x1024xf32, #tpu.memory_space<vmem>>[vector<16xi32>, vector<16xi32>], vector<16xf32>,
      %mul3A_315 = arith.constant 16 : i32
      %mul3A_316 = arith.muli %scan3A_190, %mul3A_315 : i32
      %swap3A_317 = arith.constant 13 : i32
      %swap3A_318 = arith.index_cast %swap3A_317 : i32 to index
      %swap3A_319 = arith.index_cast %mul3A_316 : i32 to index
      %swap3A_320 = tpu.vector_load %arg7[%swap3A_318, %swap3A_319] {strides = array<i32>} : memref<16x1024xf32, #tpu.memory_space<vmem>>, vector<16xf32>,
      tpu.vector_store %arg7[%swap3A_318, %swap3A_319], %gather3A_314 {strides = array<i32>} : memref<16x1024xf32, #tpu.memory_space<vmem>>, vector<16xf32>,
      %broadcast_in_dim3A_321 = arith.constant 14 : i32
      %broadcast_in_dim3A_322 = vector.broadcast %broadcast_in_dim3A_321 : i32 to vector<16xi32>
      %gather3A_323 = tpu.vector_load_idx %arg5[%broadcast_in_dim3A_322, %get3A_194] : memref<16x1024xf32, #tpu.memory_space<vmem>>[vector<16xi32>, vector<16xi32>], vector<16xf32>,
      %mul3A_324 = arith.constant 16 : i32
      %mul3A_325 = arith.muli %scan3A_190, %mul3A_324 : i32
      %swap3A_326 = arith.constant 14 : i32
      %swap3A_327 = arith.index_cast %swap3A_326 : i32 to index
      %swap3A_328 = arith.index_cast %mul3A_325 : i32 to index
      %swap3A_329 = tpu.vector_load %arg7[%swap3A_327, %swap3A_328] {strides = array<i32>} : memref<16x1024xf32, #tpu.memory_space<vmem>>, vector<16xf32>,
      tpu.vector_store %arg7[%swap3A_327, %swap3A_328], %gather3A_323 {strides = array<i32>} : memref<16x1024xf32, #tpu.memory_space<vmem>>, vector<16xf32>,
      %broadcast_in_dim3A_330 = arith.constant 15 : i32
      %broadcast_in_dim3A_331 = vector.broadcast %broadcast_in_dim3A_330 : i32 to vector<16xi32>
      %gather3A_332 = tpu.vector_load_idx %arg5[%broadcast_in_dim3A_331, %get3A_194] : memref<16x1024xf32, #tpu.memory_space<vmem>>[vector<16xi32>, vector<16xi32>], vector<16xf32>,
      %mul3A_333 = arith.constant 16 : i32
      %mul3A_334 = arith.muli %scan3A_190, %mul3A_333 : i32
      %swap3A_335 = arith.constant 15 : i32
      %swap3A_336 = arith.index_cast %swap3A_335 : i32 to index
      %swap3A_337 = arith.index_cast %mul3A_334 : i32 to index
      %swap3A_338 = tpu.vector_load %arg7[%swap3A_336, %swap3A_337] {strides = array<i32>} : memref<16x1024xf32, #tpu.memory_space<vmem>>, vector<16xf32>,
      tpu.vector_store %arg7[%swap3A_336, %swap3A_337], %gather3A_332 {strides = array<i32>} : memref<16x1024xf32, #tpu.memory_space<vmem>>, vector<16xf32>,
      %scan3A_339 = arith.constant 2 : i32
      %scan3A_340 = arith.addi %scan3A_44, %scan3A_339 : i32
      %mul3A_341 = arith.constant 16 : i32
      %mul3A_342 = arith.muli %scan3A_340, %mul3A_341 : i32
      %get3A_343 = arith.index_cast %mul3A_342 : i32 to index
      %get3A_344 = tpu.vector_load %arg6[%get3A_343] {strides = array<i32>} : memref<1024xi32, #tpu.memory_space<vmem>>, vector<16xi32>,
      %broadcast_in_dim3A_345 = arith.constant 0 : i32
      %broadcast_in_dim3A_346 = vector.broadcast %broadcast_in_dim3A_345 : i32 to vector<16xi32>
      %gather3A_347 = tpu.vector_load_idx %arg5[%broadcast_in_dim3A_346, %get3A_344] : memref<16x1024xf32, #tpu.memory_space<vmem>>[vector<16xi32>, vector<16xi32>], vector<16xf32>,
      %mul3A_348 = arith.constant 16 : i32
      %mul3A_349 = arith.muli %scan3A_340, %mul3A_348 : i32
      %swap3A_350 = arith.constant 0 : i32
      %swap3A_351 = arith.index_cast %swap3A_350 : i32 to index
      %swap3A_352 = arith.index_cast %mul3A_349 : i32 to index
      %swap3A_353 = tpu.vector_load %arg7[%swap3A_351, %swap3A_352] {strides = array<i32>} : memref<16x1024xf32, #tpu.memory_space<vmem>>, vector<16xf32>,
      tpu.vector_store %arg7[%swap3A_351, %swap3A_352], %gather3A_347 {strides = array<i32>} : memref<16x1024xf32, #tpu.memory_space<vmem>>, vector<16xf32>,
      %broadcast_in_dim3A_354 = arith.constant 1 : i32
      %broadcast_in_dim3A_355 = vector.broadcast %broadcast_in_dim3A_354 : i32 to vector<16xi32>
      %gather3A_356 = tpu.vector_load_idx %arg5[%broadcast_in_dim3A_355, %get3A_344] : memref<16x1024xf32, #tpu.memory_space<vmem>>[vector<16xi32>, vector<16xi32>], vector<16xf32>,
      %mul3A_357 = arith.constant 16 : i32
      %mul3A_358 = arith.muli %scan3A_340, %mul3A_357 : i32
      %swap3A_359 = arith.constant 1 : i32
      %swap3A_360 = arith.index_cast %swap3A_359 : i32 to index
      %swap3A_361 = arith.index_cast %mul3A_358 : i32 to index
      %swap3A_362 = tpu.vector_load %arg7[%swap3A_360, %swap3A_361] {strides = array<i32>} : memref<16x1024xf32, #tpu.memory_space<vmem>>, vector<16xf32>,
      tpu.vector_store %arg7[%swap3A_360, %swap3A_361], %gather3A_356 {strides = array<i32>} : memref<16x1024xf32, #tpu.memory_space<vmem>>, vector<16xf32>,
      %broadcast_in_dim3A_363 = arith.constant 2 : i32
      %broadcast_in_dim3A_364 = vector.broadcast %broadcast_in_dim3A_363 : i32 to vector<16xi32>
      %gather3A_365 = tpu.vector_load_idx %arg5[%broadcast_in_dim3A_364, %get3A_344] : memref<16x1024xf32, #tpu.memory_space<vmem>>[vector<16xi32>, vector<16xi32>], vector<16xf32>,
      %mul3A_366 = arith.constant 16 : i32
      %mul3A_367 = arith.muli %scan3A_340, %mul3A_366 : i32
      %swap3A_368 = arith.constant 2 : i32
      %swap3A_369 = arith.index_cast %swap3A_368 : i32 to index
      %swap3A_370 = arith.index_cast %mul3A_367 : i32 to index
      %swap3A_371 = tpu.vector_load %arg7[%swap3A_369, %swap3A_370] {strides = array<i32>} : memref<16x1024xf32, #tpu.memory_space<vmem>>, vector<16xf32>,
      tpu.vector_store %arg7[%swap3A_369, %swap3A_370], %gather3A_365 {strides = array<i32>} : memref<16x1024xf32, #tpu.memory_space<vmem>>, vector<16xf32>,
      %broadcast_in_dim3A_372 = arith.constant 3 : i32
      %broadcast_in_dim3A_373 = vector.broadcast %broadcast_in_dim3A_372 : i32 to vector<16xi32>
      %gather3A_374 = tpu.vector_load_idx %arg5[%broadcast_in_dim3A_373, %get3A_344] : memref<16x1024xf32, #tpu.memory_space<vmem>>[vector<16xi32>, vector<16xi32>], vector<16xf32>,
      %mul3A_375 = arith.constant 16 : i32
      %mul3A_376 = arith.muli %scan3A_340, %mul3A_375 : i32
      %swap3A_377 = arith.constant 3 : i32
      %swap3A_378 = arith.index_cast %swap3A_377 : i32 to index
      %swap3A_379 = arith.index_cast %mul3A_376 : i32 to index
      %swap3A_380 = tpu.vector_load %arg7[%swap3A_378, %swap3A_379] {strides = array<i32>} : memref<16x1024xf32, #tpu.memory_space<vmem>>, vector<16xf32>,
      tpu.vector_store %arg7[%swap3A_378, %swap3A_379], %gather3A_374 {strides = array<i32>} : memref<16x1024xf32, #tpu.memory_space<vmem>>, vector<16xf32>,
      %broadcast_in_dim3A_381 = arith.constant 4 : i32
      %broadcast_in_dim3A_382 = vector.broadcast %broadcast_in_dim3A_381 : i32 to vector<16xi32>
      %gather3A_383 = tpu.vector_load_idx %arg5[%broadcast_in_dim3A_382, %get3A_344] : memref<16x1024xf32, #tpu.memory_space<vmem>>[vector<16xi32>, vector<16xi32>], vector<16xf32>,
      %mul3A_384 = arith.constant 16 : i32
      %mul3A_385 = arith.muli %scan3A_340, %mul3A_384 : i32
      %swap3A_386 = arith.constant 4 : i32
      %swap3A_387 = arith.index_cast %swap3A_386 : i32 to index
      %swap3A_388 = arith.index_cast %mul3A_385 : i32 to index
      %swap3A_389 = tpu.vector_load %arg7[%swap3A_387, %swap3A_388] {strides = array<i32>} : memref<16x1024xf32, #tpu.memory_space<vmem>>, vector<16xf32>,
      tpu.vector_store %arg7[%swap3A_387, %swap3A_388], %gather3A_383 {strides = array<i32>} : memref<16x1024xf32, #tpu.memory_space<vmem>>, vector<16xf32>,
      %broadcast_in_dim3A_390 = arith.constant 5 : i32
      %broadcast_in_dim3A_391 = vector.broadcast %broadcast_in_dim3A_390 : i32 to vector<16xi32>
      %gather3A_392 = tpu.vector_load_idx %arg5[%broadcast_in_dim3A_391, %get3A_344] : memref<16x1024xf32, #tpu.memory_space<vmem>>[vector<16xi32>, vector<16xi32>], vector<16xf32>,
      %mul3A_393 = arith.constant 16 : i32
      %mul3A_394 = arith.muli %scan3A_340, %mul3A_393 : i32
      %swap3A_395 = arith.constant 5 : i32
      %swap3A_396 = arith.index_cast %swap3A_395 : i32 to index
      %swap3A_397 = arith.index_cast %mul3A_394 : i32 to index
      %swap3A_398 = tpu.vector_load %arg7[%swap3A_396, %swap3A_397] {strides = array<i32>} : memref<16x1024xf32, #tpu.memory_space<vmem>>, vector<16xf32>,
      tpu.vector_store %arg7[%swap3A_396, %swap3A_397], %gather3A_392 {strides = array<i32>} : memref<16x1024xf32, #tpu.memory_space<vmem>>, vector<16xf32>,
      %broadcast_in_dim3A_399 = arith.constant 6 : i32
      %broadcast_in_dim3A_400 = vector.broadcast %broadcast_in_dim3A_399 : i32 to vector<16xi32>
      %gather3A_401 = tpu.vector_load_idx %arg5[%broadcast_in_dim3A_400, %get3A_344] : memref<16x1024xf32, #tpu.memory_space<vmem>>[vector<16xi32>, vector<16xi32>], vector<16xf32>,
      %mul3A_402 = arith.constant 16 : i32
      %mul3A_403 = arith.muli %scan3A_340, %mul3A_402 : i32
      %swap3A_404 = arith.constant 6 : i32
      %swap3A_405 = arith.index_cast %swap3A_404 : i32 to index
      %swap3A_406 = arith.index_cast %mul3A_403 : i32 to index
      %swap3A_407 = tpu.vector_load %arg7[%swap3A_405, %swap3A_406] {strides = array<i32>} : memref<16x1024xf32, #tpu.memory_space<vmem>>, vector<16xf32>,
      tpu.vector_store %arg7[%swap3A_405, %swap3A_406], %gather3A_401 {strides = array<i32>} : memref<16x1024xf32, #tpu.memory_space<vmem>>, vector<16xf32>,
      %broadcast_in_dim3A_408 = arith.constant 7 : i32
      %broadcast_in_dim3A_409 = vector.broadcast %broadcast_in_dim3A_408 : i32 to vector<16xi32>
      %gather3A_410 = tpu.vector_load_idx %arg5[%broadcast_in_dim3A_409, %get3A_344] : memref<16x1024xf32, #tpu.memory_space<vmem>>[vector<16xi32>, vector<16xi32>], vector<16xf32>,
      %mul3A_411 = arith.constant 16 : i32
      %mul3A_412 = arith.muli %scan3A_340, %mul3A_411 : i32
      %swap3A_413 = arith.constant 7 : i32
      %swap3A_414 = arith.index_cast %swap3A_413 : i32 to index
      %swap3A_415 = arith.index_cast %mul3A_412 : i32 to index
      %swap3A_416 = tpu.vector_load %arg7[%swap3A_414, %swap3A_415] {strides = array<i32>} : memref<16x1024xf32, #tpu.memory_space<vmem>>, vector<16xf32>,
      tpu.vector_store %arg7[%swap3A_414, %swap3A_415], %gather3A_410 {strides = array<i32>} : memref<16x1024xf32, #tpu.memory_space<vmem>>, vector<16xf32>,
      %broadcast_in_dim3A_417 = arith.constant 8 : i32
      %broadcast_in_dim3A_418 = vector.broadcast %broadcast_in_dim3A_417 : i32 to vector<16xi32>
      %gather3A_419 = tpu.vector_load_idx %arg5[%broadcast_in_dim3A_418, %get3A_344] : memref<16x1024xf32, #tpu.memory_space<vmem>>[vector<16xi32>, vector<16xi32>], vector<16xf32>,
      %mul3A_420 = arith.constant 16 : i32
      %mul3A_421 = arith.muli %scan3A_340, %mul3A_420 : i32
      %swap3A_422 = arith.constant 8 : i32
      %swap3A_423 = arith.index_cast %swap3A_422 : i32 to index
      %swap3A_424 = arith.index_cast %mul3A_421 : i32 to index
      %swap3A_425 = tpu.vector_load %arg7[%swap3A_423, %swap3A_424] {strides = array<i32>} : memref<16x1024xf32, #tpu.memory_space<vmem>>, vector<16xf32>,
      tpu.vector_store %arg7[%swap3A_423, %swap3A_424], %gather3A_419 {strides = array<i32>} : memref<16x1024xf32, #tpu.memory_space<vmem>>, vector<16xf32>,
      %broadcast_in_dim3A_426 = arith.constant 9 : i32
      %broadcast_in_dim3A_427 = vector.broadcast %broadcast_in_dim3A_426 : i32 to vector<16xi32>
      %gather3A_428 = tpu.vector_load_idx %arg5[%broadcast_in_dim3A_427, %get3A_344] : memref<16x1024xf32, #tpu.memory_space<vmem>>[vector<16xi32>, vector<16xi32>], vector<16xf32>,
      %mul3A_429 = arith.constant 16 : i32
      %mul3A_430 = arith.muli %scan3A_340, %mul3A_429 : i32
      %swap3A_431 = arith.constant 9 : i32
      %swap3A_432 = arith.index_cast %swap3A_431 : i32 to index
      %swap3A_433 = arith.index_cast %mul3A_430 : i32 to index
      %swap3A_434 = tpu.vector_load %arg7[%swap3A_432, %swap3A_433] {strides = array<i32>} : memref<16x1024xf32, #tpu.memory_space<vmem>>, vector<16xf32>,
      tpu.vector_store %arg7[%swap3A_432, %swap3A_433], %gather3A_428 {strides = array<i32>} : memref<16x1024xf32, #tpu.memory_space<vmem>>, vector<16xf32>,
      %broadcast_in_dim3A_435 = arith.constant 10 : i32
      %broadcast_in_dim3A_436 = vector.broadcast %broadcast_in_dim3A_435 : i32 to vector<16xi32>
      %gather3A_437 = tpu.vector_load_idx %arg5[%broadcast_in_dim3A_436, %get3A_344] : memref<16x1024xf32, #tpu.memory_space<vmem>>[vector<16xi32>, vector<16xi32>], vector<16xf32>,
      %mul3A_438 = arith.constant 16 : i32
      %mul3A_439 = arith.muli %scan3A_340, %mul3A_438 : i32
      %swap3A_440 = arith.constant 10 : i32
      %swap3A_441 = arith.index_cast %swap3A_440 : i32 to index
      %swap3A_442 = arith.index_cast %mul3A_439 : i32 to index
      %swap3A_443 = tpu.vector_load %arg7[%swap3A_441, %swap3A_442] {strides = array<i32>} : memref<16x1024xf32, #tpu.memory_space<vmem>>, vector<16xf32>,
      tpu.vector_store %arg7[%swap3A_441, %swap3A_442], %gather3A_437 {strides = array<i32>} : memref<16x1024xf32, #tpu.memory_space<vmem>>, vector<16xf32>,
      %broadcast_in_dim3A_444 = arith.constant 11 : i32
      %broadcast_in_dim3A_445 = vector.broadcast %broadcast_in_dim3A_444 : i32 to vector<16xi32>
      %gather3A_446 = tpu.vector_load_idx %arg5[%broadcast_in_dim3A_445, %get3A_344] : memref<16x1024xf32, #tpu.memory_space<vmem>>[vector<16xi32>, vector<16xi32>], vector<16xf32>,
      %mul3A_447 = arith.constant 16 : i32
      %mul3A_448 = arith.muli %scan3A_340, %mul3A_447 : i32
      %swap3A_449 = arith.constant 11 : i32
      %swap3A_450 = arith.index_cast %swap3A_449 : i32 to index
      %swap3A_451 = arith.index_cast %mul3A_448 : i32 to index
      %swap3A_452 = tpu.vector_load %arg7[%swap3A_450, %swap3A_451] {strides = array<i32>} : memref<16x1024xf32, #tpu.memory_space<vmem>>, vector<16xf32>,
      tpu.vector_store %arg7[%swap3A_450, %swap3A_451], %gather3A_446 {strides = array<i32>} : memref<16x1024xf32, #tpu.memory_space<vmem>>, vector<16xf32>,
      %broadcast_in_dim3A_453 = arith.constant 12 : i32
      %broadcast_in_dim3A_454 = vector.broadcast %broadcast_in_dim3A_453 : i32 to vector<16xi32>
      %gather3A_455 = tpu.vector_load_idx %arg5[%broadcast_in_dim3A_454, %get3A_344] : memref<16x1024xf32, #tpu.memory_space<vmem>>[vector<16xi32>, vector<16xi32>], vector<16xf32>,
      %mul3A_456 = arith.constant 16 : i32
      %mul3A_457 = arith.muli %scan3A_340, %mul3A_456 : i32
      %swap3A_458 = arith.constant 12 : i32
      %swap3A_459 = arith.index_cast %swap3A_458 : i32 to index
      %swap3A_460 = arith.index_cast %mul3A_457 : i32 to index
      %swap3A_461 = tpu.vector_load %arg7[%swap3A_459, %swap3A_460] {strides = array<i32>} : memref<16x1024xf32, #tpu.memory_space<vmem>>, vector<16xf32>,
      tpu.vector_store %arg7[%swap3A_459, %swap3A_460], %gather3A_455 {strides = array<i32>} : memref<16x1024xf32, #tpu.memory_space<vmem>>, vector<16xf32>,
      %broadcast_in_dim3A_462 = arith.constant 13 : i32
      %broadcast_in_dim3A_463 = vector.broadcast %broadcast_in_dim3A_462 : i32 to vector<16xi32>
      %gather3A_464 = tpu.vector_load_idx %arg5[%broadcast_in_dim3A_463, %get3A_344] : memref<16x1024xf32, #tpu.memory_space<vmem>>[vector<16xi32>, vector<16xi32>], vector<16xf32>,
      %mul3A_465 = arith.constant 16 : i32
      %mul3A_466 = arith.muli %scan3A_340, %mul3A_465 : i32
      %swap3A_467 = arith.constant 13 : i32
      %swap3A_468 = arith.index_cast %swap3A_467 : i32 to index
      %swap3A_469 = arith.index_cast %mul3A_466 : i32 to index
      %swap3A_470 = tpu.vector_load %arg7[%swap3A_468, %swap3A_469] {strides = array<i32>} : memref<16x1024xf32, #tpu.memory_space<vmem>>, vector<16xf32>,
      tpu.vector_store %arg7[%swap3A_468, %swap3A_469], %gather3A_464 {strides = array<i32>} : memref<16x1024xf32, #tpu.memory_space<vmem>>, vector<16xf32>,
      %broadcast_in_dim3A_471 = arith.constant 14 : i32
      %broadcast_in_dim3A_472 = vector.broadcast %broadcast_in_dim3A_471 : i32 to vector<16xi32>
      %gather3A_473 = tpu.vector_load_idx %arg5[%broadcast_in_dim3A_472, %get3A_344] : memref<16x1024xf32, #tpu.memory_space<vmem>>[vector<16xi32>, vector<16xi32>], vector<16xf32>,
      %mul3A_474 = arith.constant 16 : i32
      %mul3A_475 = arith.muli %scan3A_340, %mul3A_474 : i32
      %swap3A_476 = arith.constant 14 : i32
      %swap3A_477 = arith.index_cast %swap3A_476 : i32 to index
      %swap3A_478 = arith.index_cast %mul3A_475 : i32 to index
      %swap3A_479 = tpu.vector_load %arg7[%swap3A_477, %swap3A_478] {strides = array<i32>} : memref<16x1024xf32, #tpu.memory_space<vmem>>, vector<16xf32>,
      tpu.vector_store %arg7[%swap3A_477, %swap3A_478], %gather3A_473 {strides = array<i32>} : memref<16x1024xf32, #tpu.memory_space<vmem>>, vector<16xf32>,
      %broadcast_in_dim3A_480 = arith.constant 15 : i32
      %broadcast_in_dim3A_481 = vector.broadcast %broadcast_in_dim3A_480 : i32 to vector<16xi32>
      %gather3A_482 = tpu.vector_load_idx %arg5[%broadcast_in_dim3A_481, %get3A_344] : memref<16x1024xf32, #tpu.memory_space<vmem>>[vector<16xi32>, vector<16xi32>], vector<16xf32>,
      %mul3A_483 = arith.constant 16 : i32
      %mul3A_484 = arith.muli %scan3A_340, %mul3A_483 : i32
      %swap3A_485 = arith.constant 15 : i32
      %swap3A_486 = arith.index_cast %swap3A_485 : i32 to index
      %swap3A_487 = arith.index_cast %mul3A_484 : i32 to index
      %swap3A_488 = tpu.vector_load %arg7[%swap3A_486, %swap3A_487] {strides = array<i32>} : memref<16x1024xf32, #tpu.memory_space<vmem>>, vector<16xf32>,
      tpu.vector_store %arg7[%swap3A_486, %swap3A_487], %gather3A_482 {strides = array<i32>} : memref<16x1024xf32, #tpu.memory_space<vmem>>, vector<16xf32>,
      %scan3A_489 = arith.constant 3 : i32
      %scan3A_490 = arith.addi %scan3A_44, %scan3A_489 : i32
      %mul3A_491 = arith.constant 16 : i32
      %mul3A_492 = arith.muli %scan3A_490, %mul3A_491 : i32
      %get3A_493 = arith.index_cast %mul3A_492 : i32 to index
      %get3A_494 = tpu.vector_load %arg6[%get3A_493] {strides = array<i32>} : memref<1024xi32, #tpu.memory_space<vmem>>, vector<16xi32>,
      %broadcast_in_dim3A_495 = arith.constant 0 : i32
      %broadcast_in_dim3A_496 = vector.broadcast %broadcast_in_dim3A_495 : i32 to vector<16xi32>
      %gather3A_497 = tpu.vector_load_idx %arg5[%broadcast_in_dim3A_496, %get3A_494] : memref<16x1024xf32, #tpu.memory_space<vmem>>[vector<16xi32>, vector<16xi32>], vector<16xf32>,
      %mul3A_498 = arith.constant 16 : i32
      %mul3A_499 = arith.muli %scan3A_490, %mul3A_498 : i32
      %swap3A_500 = arith.constant 0 : i32
      %swap3A_501 = arith.index_cast %swap3A_500 : i32 to index
      %swap3A_502 = arith.index_cast %mul3A_499 : i32 to index
      %swap3A_503 = tpu.vector_load %arg7[%swap3A_501, %swap3A_502] {strides = array<i32>} : memref<16x1024xf32, #tpu.memory_space<vmem>>, vector<16xf32>,
      tpu.vector_store %arg7[%swap3A_501, %swap3A_502], %gather3A_497 {strides = array<i32>} : memref<16x1024xf32, #tpu.memory_space<vmem>>, vector<16xf32>,
      %broadcast_in_dim3A_504 = arith.constant 1 : i32
      %broadcast_in_dim3A_505 = vector.broadcast %broadcast_in_dim3A_504 : i32 to vector<16xi32>
      %gather3A_506 = tpu.vector_load_idx %arg5[%broadcast_in_dim3A_505, %get3A_494] : memref<16x1024xf32, #tpu.memory_space<vmem>>[vector<16xi32>, vector<16xi32>], vector<16xf32>,
      %mul3A_507 = arith.constant 16 : i32
      %mul3A_508 = arith.muli %scan3A_490, %mul3A_507 : i32
      %swap3A_509 = arith.constant 1 : i32
      %swap3A_510 = arith.index_cast %swap3A_509 : i32 to index
      %swap3A_511 = arith.index_cast %mul3A_508 : i32 to index
      %swap3A_512 = tpu.vector_load %arg7[%swap3A_510, %swap3A_511] {strides = array<i32>} : memref<16x1024xf32, #tpu.memory_space<vmem>>, vector<16xf32>,
      tpu.vector_store %arg7[%swap3A_510, %swap3A_511], %gather3A_506 {strides = array<i32>} : memref<16x1024xf32, #tpu.memory_space<vmem>>, vector<16xf32>,
      %broadcast_in_dim3A_513 = arith.constant 2 : i32
      %broadcast_in_dim3A_514 = vector.broadcast %broadcast_in_dim3A_513 : i32 to vector<16xi32>
      %gather3A_515 = tpu.vector_load_idx %arg5[%broadcast_in_dim3A_514, %get3A_494] : memref<16x1024xf32, #tpu.memory_space<vmem>>[vector<16xi32>, vector<16xi32>], vector<16xf32>,
      %mul3A_516 = arith.constant 16 : i32
      %mul3A_517 = arith.muli %scan3A_490, %mul3A_516 : i32
      %swap3A_518 = arith.constant 2 : i32
      %swap3A_519 = arith.index_cast %swap3A_518 : i32 to index
      %swap3A_520 = arith.index_cast %mul3A_517 : i32 to index
      %swap3A_521 = tpu.vector_load %arg7[%swap3A_519, %swap3A_520] {strides = array<i32>} : memref<16x1024xf32, #tpu.memory_space<vmem>>, vector<16xf32>,
      tpu.vector_store %arg7[%swap3A_519, %swap3A_520], %gather3A_515 {strides = array<i32>} : memref<16x1024xf32, #tpu.memory_space<vmem>>, vector<16xf32>,
      %broadcast_in_dim3A_522 = arith.constant 3 : i32
      %broadcast_in_dim3A_523 = vector.broadcast %broadcast_in_dim3A_522 : i32 to vector<16xi32>
      %gather3A_524 = tpu.vector_load_idx %arg5[%broadcast_in_dim3A_523, %get3A_494] : memref<16x1024xf32, #tpu.memory_space<vmem>>[vector<16xi32>, vector<16xi32>], vector<16xf32>,
      %mul3A_525 = arith.constant 16 : i32
      %mul3A_526 = arith.muli %scan3A_490, %mul3A_525 : i32
      %swap3A_527 = arith.constant 3 : i32
      %swap3A_528 = arith.index_cast %swap3A_527 : i32 to index
      %swap3A_529 = arith.index_cast %mul3A_526 : i32 to index
      %swap3A_530 = tpu.vector_load %arg7[%swap3A_528, %swap3A_529] {strides = array<i32>} : memref<16x1024xf32, #tpu.memory_space<vmem>>, vector<16xf32>,
      tpu.vector_store %arg7[%swap3A_528, %swap3A_529], %gather3A_524 {strides = array<i32>} : memref<16x1024xf32, #tpu.memory_space<vmem>>, vector<16xf32>,
      %broadcast_in_dim3A_531 = arith.constant 4 : i32
      %broadcast_in_dim3A_532 = vector.broadcast %broadcast_in_dim3A_531 : i32 to vector<16xi32>
      %gather3A_533 = tpu.vector_load_idx %arg5[%broadcast_in_dim3A_532, %get3A_494] : memref<16x1024xf32, #tpu.memory_space<vmem>>[vector<16xi32>, vector<16xi32>], vector<16xf32>,
      %mul3A_534 = arith.constant 16 : i32
      %mul3A_535 = arith.muli %scan3A_490, %mul3A_534 : i32
      %swap3A_536 = arith.constant 4 : i32
      %swap3A_537 = arith.index_cast %swap3A_536 : i32 to index
      %swap3A_538 = arith.index_cast %mul3A_535 : i32 to index
      %swap3A_539 = tpu.vector_load %arg7[%swap3A_537, %swap3A_538] {strides = array<i32>} : memref<16x1024xf32, #tpu.memory_space<vmem>>, vector<16xf32>,
      tpu.vector_store %arg7[%swap3A_537, %swap3A_538], %gather3A_533 {strides = array<i32>} : memref<16x1024xf32, #tpu.memory_space<vmem>>, vector<16xf32>,
      %broadcast_in_dim3A_540 = arith.constant 5 : i32
      %broadcast_in_dim3A_541 = vector.broadcast %broadcast_in_dim3A_540 : i32 to vector<16xi32>
      %gather3A_542 = tpu.vector_load_idx %arg5[%broadcast_in_dim3A_541, %get3A_494] : memref<16x1024xf32, #tpu.memory_space<vmem>>[vector<16xi32>, vector<16xi32>], vector<16xf32>,
      %mul3A_543 = arith.constant 16 : i32
      %mul3A_544 = arith.muli %scan3A_490, %mul3A_543 : i32
      %swap3A_545 = arith.constant 5 : i32
      %swap3A_546 = arith.index_cast %swap3A_545 : i32 to index
      %swap3A_547 = arith.index_cast %mul3A_544 : i32 to index
      %swap3A_548 = tpu.vector_load %arg7[%swap3A_546, %swap3A_547] {strides = array<i32>} : memref<16x1024xf32, #tpu.memory_space<vmem>>, vector<16xf32>,
      tpu.vector_store %arg7[%swap3A_546, %swap3A_547], %gather3A_542 {strides = array<i32>} : memref<16x1024xf32, #tpu.memory_space<vmem>>, vector<16xf32>,
      %broadcast_in_dim3A_549 = arith.constant 6 : i32
      %broadcast_in_dim3A_550 = vector.broadcast %broadcast_in_dim3A_549 : i32 to vector<16xi32>
      %gather3A_551 = tpu.vector_load_idx %arg5[%broadcast_in_dim3A_550, %get3A_494] : memref<16x1024xf32, #tpu.memory_space<vmem>>[vector<16xi32>, vector<16xi32>], vector<16xf32>,
      %mul3A_552 = arith.constant 16 : i32
      %mul3A_553 = arith.muli %scan3A_490, %mul3A_552 : i32
      %swap3A_554 = arith.constant 6 : i32
      %swap3A_555 = arith.index_cast %swap3A_554 : i32 to index
      %swap3A_556 = arith.index_cast %mul3A_553 : i32 to index
      %swap3A_557 = tpu.vector_load %arg7[%swap3A_555, %swap3A_556] {strides = array<i32>} : memref<16x1024xf32, #tpu.memory_space<vmem>>, vector<16xf32>,
      tpu.vector_store %arg7[%swap3A_555, %swap3A_556], %gather3A_551 {strides = array<i32>} : memref<16x1024xf32, #tpu.memory_space<vmem>>, vector<16xf32>,
      %broadcast_in_dim3A_558 = arith.constant 7 : i32
      %broadcast_in_dim3A_559 = vector.broadcast %broadcast_in_dim3A_558 : i32 to vector<16xi32>
      %gather3A_560 = tpu.vector_load_idx %arg5[%broadcast_in_dim3A_559, %get3A_494] : memref<16x1024xf32, #tpu.memory_space<vmem>>[vector<16xi32>, vector<16xi32>], vector<16xf32>,
      %mul3A_561 = arith.constant 16 : i32
      %mul3A_562 = arith.muli %scan3A_490, %mul3A_561 : i32
      %swap3A_563 = arith.constant 7 : i32
      %swap3A_564 = arith.index_cast %swap3A_563 : i32 to index
      %swap3A_565 = arith.index_cast %mul3A_562 : i32 to index
      %swap3A_566 = tpu.vector_load %arg7[%swap3A_564, %swap3A_565] {strides = array<i32>} : memref<16x1024xf32, #tpu.memory_space<vmem>>, vector<16xf32>,
      tpu.vector_store %arg7[%swap3A_564, %swap3A_565], %gather3A_560 {strides = array<i32>} : memref<16x1024xf32, #tpu.memory_space<vmem>>, vector<16xf32>,
      %broadcast_in_dim3A_567 = arith.constant 8 : i32
      %broadcast_in_dim3A_568 = vector.broadcast %broadcast_in_dim3A_567 : i32 to vector<16xi32>
      %gather3A_569 = tpu.vector_load_idx %arg5[%broadcast_in_dim3A_568, %get3A_494] : memref<16x1024xf32, #tpu.memory_space<vmem>>[vector<16xi32>, vector<16xi32>], vector<16xf32>,
      %mul3A_570 = arith.constant 16 : i32
      %mul3A_571 = arith.muli %scan3A_490, %mul3A_570 : i32
      %swap3A_572 = arith.constant 8 : i32
      %swap3A_573 = arith.index_cast %swap3A_572 : i32 to index
      %swap3A_574 = arith.index_cast %mul3A_571 : i32 to index
      %swap3A_575 = tpu.vector_load %arg7[%swap3A_573, %swap3A_574] {strides = array<i32>} : memref<16x1024xf32, #tpu.memory_space<vmem>>, vector<16xf32>,
      tpu.vector_store %arg7[%swap3A_573, %swap3A_574], %gather3A_569 {strides = array<i32>} : memref<16x1024xf32, #tpu.memory_space<vmem>>, vector<16xf32>,
      %broadcast_in_dim3A_576 = arith.constant 9 : i32
      %broadcast_in_dim3A_577 = vector.broadcast %broadcast_in_dim3A_576 : i32 to vector<16xi32>
      %gather3A_578 = tpu.vector_load_idx %arg5[%broadcast_in_dim3A_577, %get3A_494] : memref<16x1024xf32, #tpu.memory_space<vmem>>[vector<16xi32>, vector<16xi32>], vector<16xf32>,
      %mul3A_579 = arith.constant 16 : i32
      %mul3A_580 = arith.muli %scan3A_490, %mul3A_579 : i32
      %swap3A_581 = arith.constant 9 : i32
      %swap3A_582 = arith.index_cast %swap3A_581 : i32 to index
      %swap3A_583 = arith.index_cast %mul3A_580 : i32 to index
      %swap3A_584 = tpu.vector_load %arg7[%swap3A_582, %swap3A_583] {strides = array<i32>} : memref<16x1024xf32, #tpu.memory_space<vmem>>, vector<16xf32>,
      tpu.vector_store %arg7[%swap3A_582, %swap3A_583], %gather3A_578 {strides = array<i32>} : memref<16x1024xf32, #tpu.memory_space<vmem>>, vector<16xf32>,
      %broadcast_in_dim3A_585 = arith.constant 10 : i32
      %broadcast_in_dim3A_586 = vector.broadcast %broadcast_in_dim3A_585 : i32 to vector<16xi32>
      %gather3A_587 = tpu.vector_load_idx %arg5[%broadcast_in_dim3A_586, %get3A_494] : memref<16x1024xf32, #tpu.memory_space<vmem>>[vector<16xi32>, vector<16xi32>], vector<16xf32>,
      %mul3A_588 = arith.constant 16 : i32
      %mul3A_589 = arith.muli %scan3A_490, %mul3A_588 : i32
      %swap3A_590 = arith.constant 10 : i32
      %swap3A_591 = arith.index_cast %swap3A_590 : i32 to index
      %swap3A_592 = arith.index_cast %mul3A_589 : i32 to index
      %swap3A_593 = tpu.vector_load %arg7[%swap3A_591, %swap3A_592] {strides = array<i32>} : memref<16x1024xf32, #tpu.memory_space<vmem>>, vector<16xf32>,
      tpu.vector_store %arg7[%swap3A_591, %swap3A_592], %gather3A_587 {strides = array<i32>} : memref<16x1024xf32, #tpu.memory_space<vmem>>, vector<16xf32>,
      %broadcast_in_dim3A_594 = arith.constant 11 : i32
      %broadcast_in_dim3A_595 = vector.broadcast %broadcast_in_dim3A_594 : i32 to vector<16xi32>
      %gather3A_596 = tpu.vector_load_idx %arg5[%broadcast_in_dim3A_595, %get3A_494] : memref<16x1024xf32, #tpu.memory_space<vmem>>[vector<16xi32>, vector<16xi32>], vector<16xf32>,
      %mul3A_597 = arith.constant 16 : i32
      %mul3A_598 = arith.muli %scan3A_490, %mul3A_597 : i32
      %swap3A_599 = arith.constant 11 : i32
      %swap3A_600 = arith.index_cast %swap3A_599 : i32 to index
      %swap3A_601 = arith.index_cast %mul3A_598 : i32 to index
      %swap3A_602 = tpu.vector_load %arg7[%swap3A_600, %swap3A_601] {strides = array<i32>} : memref<16x1024xf32, #tpu.memory_space<vmem>>, vector<16xf32>,
      tpu.vector_store %arg7[%swap3A_600, %swap3A_601], %gather3A_596 {strides = array<i32>} : memref<16x1024xf32, #tpu.memory_space<vmem>>, vector<16xf32>,
      %broadcast_in_dim3A_603 = arith.constant 12 : i32
      %broadcast_in_dim3A_604 = vector.broadcast %broadcast_in_dim3A_603 : i32 to vector<16xi32>
      %gather3A_605 = tpu.vector_load_idx %arg5[%broadcast_in_dim3A_604, %get3A_494] : memref<16x1024xf32, #tpu.memory_space<vmem>>[vector<16xi32>, vector<16xi32>], vector<16xf32>,
      %mul3A_606 = arith.constant 16 : i32
      %mul3A_607 = arith.muli %scan3A_490, %mul3A_606 : i32
      %swap3A_608 = arith.constant 12 : i32
      %swap3A_609 = arith.index_cast %swap3A_608 : i32 to index
      %swap3A_610 = arith.index_cast %mul3A_607 : i32 to index
      %swap3A_611 = tpu.vector_load %arg7[%swap3A_609, %swap3A_610] {strides = array<i32>} : memref<16x1024xf32, #tpu.memory_space<vmem>>, vector<16xf32>,
      tpu.vector_store %arg7[%swap3A_609, %swap3A_610], %gather3A_605 {strides = array<i32>} : memref<16x1024xf32, #tpu.memory_space<vmem>>, vector<16xf32>,
      %broadcast_in_dim3A_612 = arith.constant 13 : i32
      %broadcast_in_dim3A_613 = vector.broadcast %broadcast_in_dim3A_612 : i32 to vector<16xi32>
      %gather3A_614 = tpu.vector_load_idx %arg5[%broadcast_in_dim3A_613, %get3A_494] : memref<16x1024xf32, #tpu.memory_space<vmem>>[vector<16xi32>, vector<16xi32>], vector<16xf32>,
      %mul3A_615 = arith.constant 16 : i32
      %mul3A_616 = arith.muli %scan3A_490, %mul3A_615 : i32
      %swap3A_617 = arith.constant 13 : i32
      %swap3A_618 = arith.index_cast %swap3A_617 : i32 to index
      %swap3A_619 = arith.index_cast %mul3A_616 : i32 to index
      %swap3A_620 = tpu.vector_load %arg7[%swap3A_618, %swap3A_619] {strides = array<i32>} : memref<16x1024xf32, #tpu.memory_space<vmem>>, vector<16xf32>,
      tpu.vector_store %arg7[%swap3A_618, %swap3A_619], %gather3A_614 {strides = array<i32>} : memref<16x1024xf32, #tpu.memory_space<vmem>>, vector<16xf32>,
      %broadcast_in_dim3A_621 = arith.constant 14 : i32
      %broadcast_in_dim3A_622 = vector.broadcast %broadcast_in_dim3A_621 : i32 to vector<16xi32>
      %gather3A_623 = tpu.vector_load_idx %arg5[%broadcast_in_dim3A_622, %get3A_494] : memref<16x1024xf32, #tpu.memory_space<vmem>>[vector<16xi32>, vector<16xi32>], vector<16xf32>,
      %mul3A_624 = arith.constant 16 : i32
      %mul3A_625 = arith.muli %scan3A_490, %mul3A_624 : i32
      %swap3A_626 = arith.constant 14 : i32
      %swap3A_627 = arith.index_cast %swap3A_626 : i32 to index
      %swap3A_628 = arith.index_cast %mul3A_625 : i32 to index
      %swap3A_629 = tpu.vector_load %arg7[%swap3A_627, %swap3A_628] {strides = array<i32>} : memref<16x1024xf32, #tpu.memory_space<vmem>>, vector<16xf32>,
      tpu.vector_store %arg7[%swap3A_627, %swap3A_628], %gather3A_623 {strides = array<i32>} : memref<16x1024xf32, #tpu.memory_space<vmem>>, vector<16xf32>,
      %broadcast_in_dim3A_630 = arith.constant 15 : i32
      %broadcast_in_dim3A_631 = vector.broadcast %broadcast_in_dim3A_630 : i32 to vector<16xi32>
      %gather3A_632 = tpu.vector_load_idx %arg5[%broadcast_in_dim3A_631, %get3A_494] : memref<16x1024xf32, #tpu.memory_space<vmem>>[vector<16xi32>, vector<16xi32>], vector<16xf32>,
      %mul3A_633 = arith.constant 16 : i32
      %mul3A_634 = arith.muli %scan3A_490, %mul3A_633 : i32
      %swap3A_635 = arith.constant 15 : i32
      %swap3A_636 = arith.index_cast %swap3A_635 : i32 to index
      %swap3A_637 = arith.index_cast %mul3A_634 : i32 to index
      %swap3A_638 = tpu.vector_load %arg7[%swap3A_636, %swap3A_637] {strides = array<i32>} : memref<16x1024xf32, #tpu.memory_space<vmem>>, vector<16xf32>,
      tpu.vector_store %arg7[%swap3A_636, %swap3A_637], %gather3A_632 {strides = array<i32>} : memref<16x1024xf32, #tpu.memory_space<vmem>>, vector<16xf32>,
    }
    %scan3A_39 = arith.constant 64 : i32
    %mul3A_40 = arith.constant 16 : i32
    %mul3A_41 = arith.muli %select_n3A, %mul3A_40 : i32
    %mul3A_42 = arith.constant 1024 : i32
    %mul3A_43 = arith.muli %select_n3A_30, %mul3A_42 : i32
    "tpu.region"() ({
      %run_scoped3A = tpu.sem_alloc : memref<!tpu.dma_semaphore, #tpu.memory_space<semaphore_mem>>
      %dma_start3A = tpu.memref_slice %arg4[%mul3A_41, %mul3A_43] : memref<64x8192xf32, #tpu.memory_space<hbm>> -> memref<16x1024xf32, #tpu.memory_space<hbm>>
      %dma_start3A_44 = tpu.memref_slice %arg4[%mul3A_41, %mul3A_43] : memref<64x8192xf32, #tpu.memory_space<hbm>> -> memref<16x1024xf32, #tpu.memory_space<hbm>>
      tpu.enqueue_dma source(%arg7 : memref<16x1024xf32, #tpu.memory_space<vmem>>) target(%dma_start3A_44 : memref<16x1024xf32, #tpu.memory_space<hbm>>) target_semaphore(%run_scoped3A : memref<!tpu.dma_semaphore, #tpu.memory_space<semaphore_mem>>)
      %dma_wait3A = tpu.memref_slice %arg4[%mul3A_41, %mul3A_43] : memref<64x8192xf32, #tpu.memory_space<hbm>> -> memref<16x1024xf32, #tpu.memory_space<hbm>>
      %dma_wait3A_45 = tpu.memref_slice %arg4[%mul3A_41, %mul3A_43] : memref<64x8192xf32, #tpu.memory_space<hbm>> -> memref<16x1024xf32, #tpu.memory_space<hbm>>
      tpu.wait_dma2 semaphore(%run_scoped3A : memref<!tpu.dma_semaphore, #tpu.memory_space<semaphore_mem>>) src(%arg7 : memref<16x1024xf32, #tpu.memory_space<vmem>>) dst(%dma_wait3A_45 : memref<16x1024xf32, #tpu.memory_space<hbm>>)
      tpu.yield
    }) : () -> ()
    return
  }
}

module attributes {stable_mosaic.version = 14 : i64} {
  func.func @_encode_body(%arg0: i32, %arg1: memref<118x4096xf32, #tpu.memory_space<vmem>>, %arg2: memref<60x118xf32, #tpu.memory_space<vmem>>, %arg3: memref<30x60xf32, #tpu.memory_space<vmem>>, %arg4: memref<10x30xf32, #tpu.memory_space<vmem>>, %arg5: memref<10x64xf32, #tpu.memory_space<vmem>>, %arg6: memref<64x1024xf32, #tpu.memory_space<vmem>>, %arg7: memref<1280x1xf32, #tpu.memory_space<vmem>>, %arg8: memref<64x4096xf32, #tpu.memory_space<vmem>>, %arg9: memref<1x4096xi32, #tpu.memory_space<vmem>>) attributes {dimension_semantics = [#tpu.dimension_semantics<arbitrary>], iteration_bounds = array<i64: 2>, scalar_prefetch = 0 : i64, scratch_operands = 0 : i64, tpu.core_type = #tpu.core_type<tc>, window_params = [{transform_indices = @transform_0, window_bounds = array<i64: 118, 4096>}, {pipeline_mode = #tpu.pipeline_mode<synchronous>, transform_indices = @transform_1, window_bounds = array<i64: 60, 118>}, {pipeline_mode = #tpu.pipeline_mode<synchronous>, transform_indices = @transform_2, window_bounds = array<i64: 30, 60>}, {pipeline_mode = #tpu.pipeline_mode<synchronous>, transform_indices = @transform_3, window_bounds = array<i64: 10, 30>}, {pipeline_mode = #tpu.pipeline_mode<synchronous>, transform_indices = @transform_4, window_bounds = array<i64: 10, 64>}, {pipeline_mode = #tpu.pipeline_mode<synchronous>, transform_indices = @transform_5, window_bounds = array<i64: 64, 1024>}, {pipeline_mode = #tpu.pipeline_mode<synchronous>, transform_indices = @transform_6, window_bounds = array<i64: 1280, 1>}, {transform_indices = @transform_7, window_bounds = array<i64: 64, 4096>}, {transform_indices = @transform_8, window_bounds = array<i64: 1, 4096>}]} {
    %get3A = arith.constant 0 : index
    %get3A_0 = arith.constant 0 : index
    %get3A_1 = vector.load %arg7[%get3A, %get3A_0] : memref<1280x1xf32, #tpu.memory_space<vmem>>, vector<1280x1xf32>
    %slice3A = vector.extract_strided_slice %get3A_1 {offsets = [0, 0], sizes = [1024, 1], strides = [1, 1]} : vector<1280x1xf32> to vector<1024x1xf32>
    %slice3A_2 = vector.extract_strided_slice %get3A_1 {offsets = [1024, 0], sizes = [60, 1], strides = [1, 1]} : vector<1280x1xf32> to vector<60x1xf32>
    %slice3A_3 = vector.extract_strided_slice %get3A_1 {offsets = [1088, 0], sizes = [30, 1], strides = [1, 1]} : vector<1280x1xf32> to vector<30x1xf32>
    %slice3A_4 = vector.extract_strided_slice %get3A_1 {offsets = [1152, 0], sizes = [10, 1], strides = [1, 1]} : vector<1280x1xf32> to vector<10x1xf32>
    %slice3A_5 = vector.extract_strided_slice %get3A_1 {offsets = [1216, 0], sizes = [64, 1], strides = [1, 1]} : vector<1280x1xf32> to vector<64x1xf32>
    %get3A_6 = arith.constant 0 : index
    %get3A_7 = arith.constant 0 : index
    %get3A_8 = vector.load %arg1[%get3A_6, %get3A_7] : memref<118x4096xf32, #tpu.memory_space<vmem>>, vector<118x4096xf32>
    %get3A_9 = arith.constant 0 : index
    %get3A_10 = arith.constant 0 : index
    %get3A_11 = vector.load %arg2[%get3A_9, %get3A_10] : memref<60x118xf32, #tpu.memory_space<vmem>>, vector<60x118xf32>
    %dot_general3A = arith.constant dense<0.000000e+00> : vector<60x4096xf32>
    %dot_general3A_12 = tpu.matmul %get3A_11, %get3A_8, %dot_general3A {dimension_numbers = #tpu.dot_dimension_numbers<[1], [0], [0], [1], [0, 0, 1, 1], [], []>, transpose_lhs_hint = false} : vector<60x118xf32>, vector<118x4096xf32>, vector<60x4096xf32> -> vector<60x4096xf32>
    %add3A = vector.broadcast %slice3A_2 : vector<60x1xf32> to vector<60x4096xf32>
    %add3A_13 = arith.addf %dot_general3A_12, %add3A : vector<60x4096xf32>
    %tanh3A = math.tanh %add3A_13 : vector<60x4096xf32>
    %get3A_14 = arith.constant 0 : index
    %get3A_15 = arith.constant 0 : index
    %get3A_16 = vector.load %arg3[%get3A_14, %get3A_15] : memref<30x60xf32, #tpu.memory_space<vmem>>, vector<30x60xf32>
    %dot_general3A_17 = arith.constant dense<0.000000e+00> : vector<30x4096xf32>
    %dot_general3A_18 = tpu.matmul %get3A_16, %tanh3A, %dot_general3A_17 {dimension_numbers = #tpu.dot_dimension_numbers<[1], [0], [0], [1], [0, 0, 1, 1], [], []>, transpose_lhs_hint = false} : vector<30x60xf32>, vector<60x4096xf32>, vector<30x4096xf32> -> vector<30x4096xf32>
    %add3A_19 = vector.broadcast %slice3A_3 : vector<30x1xf32> to vector<30x4096xf32>
    %add3A_20 = arith.addf %dot_general3A_18, %add3A_19 : vector<30x4096xf32>
    %tanh3A_21 = math.tanh %add3A_20 : vector<30x4096xf32>
    %get3A_22 = arith.constant 0 : index
    %get3A_23 = arith.constant 0 : index
    %get3A_24 = vector.load %arg4[%get3A_22, %get3A_23] : memref<10x30xf32, #tpu.memory_space<vmem>>, vector<10x30xf32>
    %dot_general3A_25 = arith.constant dense<0.000000e+00> : vector<10x4096xf32>
    %dot_general3A_26 = tpu.matmul %get3A_24, %tanh3A_21, %dot_general3A_25 {dimension_numbers = #tpu.dot_dimension_numbers<[1], [0], [0], [1], [0, 0, 1, 1], [], []>, transpose_lhs_hint = false} : vector<10x30xf32>, vector<30x4096xf32>, vector<10x4096xf32> -> vector<10x4096xf32>
    %add3A_27 = vector.broadcast %slice3A_4 : vector<10x1xf32> to vector<10x4096xf32>
    %add3A_28 = arith.addf %dot_general3A_26, %add3A_27 : vector<10x4096xf32>
    %tanh3A_29 = math.tanh %add3A_28 : vector<10x4096xf32>
    %get3A_30 = arith.constant 0 : index
    %get3A_31 = arith.constant 0 : index
    %get3A_32 = vector.load %arg5[%get3A_30, %get3A_31] : memref<10x64xf32, #tpu.memory_space<vmem>>, vector<10x64xf32>
    %dot_general3A_33 = arith.constant dense<0.000000e+00> : vector<64x4096xf32>
    %dot_general3A_34 = tpu.matmul %get3A_32, %tanh3A_29, %dot_general3A_33 {dimension_numbers = #tpu.dot_dimension_numbers<[0], [0], [1], [1], [0, 1, 1, 1], [], []>, transpose_lhs_hint = false} : vector<10x64xf32>, vector<10x4096xf32>, vector<64x4096xf32> -> vector<64x4096xf32>
    %add3A_35 = vector.broadcast %slice3A_5 : vector<64x1xf32> to vector<64x4096xf32>
    %add3A_36 = arith.addf %dot_general3A_34, %add3A_35 : vector<64x4096xf32>
    %swap3A = arith.constant 0 : index
    %swap3A_37 = arith.constant 0 : index
    %swap3A_38 = vector.load %arg8[%swap3A, %swap3A_37] : memref<64x4096xf32, #tpu.memory_space<vmem>>, vector<64x4096xf32>
    tpu.vector_store %arg8[%swap3A, %swap3A_37], %add3A_36 {strides = array<i32>} : memref<64x4096xf32, #tpu.memory_space<vmem>>, vector<64x4096xf32>,
    %get3A_39 = arith.constant 0 : index
    %get3A_40 = arith.constant 0 : index
    %get3A_41 = vector.load %arg6[%get3A_39, %get3A_40] : memref<64x1024xf32, #tpu.memory_space<vmem>>, vector<64x1024xf32>
    %mul3A = arith.constant -2.000000e+00 : f32
    %mul3A_42 = vector.broadcast %mul3A : f32 to vector<64x4096xf32>
    %mul3A_43 = arith.mulf %mul3A_42, %add3A_36 : vector<64x4096xf32>
    %dot_general3A_44 = arith.constant dense<0.000000e+00> : vector<1024x4096xf32>
    %dot_general3A_45 = tpu.matmul %get3A_41, %mul3A_43, %dot_general3A_44 {dimension_numbers = #tpu.dot_dimension_numbers<[0], [0], [1], [1], [0, 1, 1, 1], [], []>, transpose_lhs_hint = false} : vector<64x1024xf32>, vector<64x4096xf32>, vector<1024x4096xf32> -> vector<1024x4096xf32>
    %mul3A_46 = arith.mulf %add3A_36, %add3A_36 : vector<64x4096xf32>
    %reduce_sum3A = arith.constant dense<0.000000e+00> : vector<4096xf32>
    %reduce_sum3A_47 = vector.multi_reduction <add>, %mul3A_46, %reduce_sum3A [0] : vector<64x4096xf32> to vector<4096xf32>
    %broadcast_in_dim3A = vector.shape_cast %reduce_sum3A_47 : vector<4096xf32> to vector<1x4096xf32>
    %add3A_48 = vector.broadcast %broadcast_in_dim3A : vector<1x4096xf32> to vector<1024x4096xf32>
    %add3A_49 = vector.broadcast %slice3A : vector<1024x1xf32> to vector<1024x4096xf32>
    %add3A_50 = arith.addf %add3A_48, %add3A_49 : vector<1024x4096xf32>
    %add3A_51 = arith.addf %add3A_50, %dot_general3A_45 : vector<1024x4096xf32>
    %reduce_min3A = arith.constant dense<0x7F800000> : vector<4096xf32>
    %reduce_min3A_52 = vector.multi_reduction <minimumf>, %add3A_51, %reduce_min3A [0] : vector<1024x4096xf32> to vector<4096xf32>
    %broadcast_in_dim3A_53 = vector.shape_cast %reduce_min3A_52 : vector<4096xf32> to vector<1x4096xf32>
    %iota3A = tpu.iota {dimensions = array<i32: 0>} : vector<1024x1xi32>
    %eq3A = vector.broadcast %broadcast_in_dim3A_53 : vector<1x4096xf32> to vector<1024x4096xf32>
    %eq3A_54 = arith.cmpf oeq, %add3A_51, %eq3A : vector<1024x4096xf32>
    %jit3A = arith.constant 1024 : i32
    %broadcast_in_dim3A_55 = vector.shape_cast %iota3A : vector<1024x1xi32> to vector<1024x1xi32>
    %broadcast_in_dim3A_56 = vector.broadcast %broadcast_in_dim3A_55 : vector<1024x1xi32> to vector<1024x4096xi32>
    %broadcast_in_dim3A_57 = vector.broadcast %jit3A : i32 to vector<1024x4096xi32>
    %select_n3A = arith.select %eq3A_54, %broadcast_in_dim3A_56, %broadcast_in_dim3A_57 : vector<1024x4096xi1>, vector<1024x4096xi32>
    %reduce_min3A_58 = arith.constant dense<2147483647> : vector<4096xi32>
    %reduce_min3A_59 = vector.multi_reduction <minsi>, %select_n3A, %reduce_min3A_58 [0] : vector<1024x4096xi32> to vector<4096xi32>
    %broadcast_in_dim3A_60 = vector.shape_cast %reduce_min3A_59 : vector<4096xi32> to vector<1x4096xi32>
    %swap3A_61 = arith.constant 0 : index
    %swap3A_62 = arith.constant 0 : index
    %swap3A_63 = vector.load %arg9[%swap3A_61, %swap3A_62] : memref<1x4096xi32, #tpu.memory_space<vmem>>, vector<1x4096xi32>
    tpu.vector_store %arg9[%swap3A_61, %swap3A_62], %broadcast_in_dim3A_60 {strides = array<i32>} : memref<1x4096xi32, #tpu.memory_space<vmem>>, vector<1x4096xi32>,
    return
  }
  func.func @transform_0(%arg0: i32) -> (i32, i32) {
    %add3A = arith.constant 2 : i32
    %add3A_0 = arith.addi %arg0, %add3A : i32
    %c0_i32 = arith.constant 0 : i32
    %c0_i32_1 = arith.constant 0 : i32
    return %c0_i32, %add3A_0 : i32, i32
  }
  func.func @transform_1(%arg0: i32) -> (i32, i32) {
    %c0_i32 = arith.constant 0 : i32
    %c0_i32_0 = arith.constant 0 : i32
    %c0_i32_1 = arith.constant 0 : i32
    return %c0_i32, %c0_i32_0 : i32, i32
  }
  func.func @transform_2(%arg0: i32) -> (i32, i32) {
    %c0_i32 = arith.constant 0 : i32
    %c0_i32_0 = arith.constant 0 : i32
    %c0_i32_1 = arith.constant 0 : i32
    return %c0_i32, %c0_i32_0 : i32, i32
  }
  func.func @transform_3(%arg0: i32) -> (i32, i32) {
    %c0_i32 = arith.constant 0 : i32
    %c0_i32_0 = arith.constant 0 : i32
    %c0_i32_1 = arith.constant 0 : i32
    return %c0_i32, %c0_i32_0 : i32, i32
  }
  func.func @transform_4(%arg0: i32) -> (i32, i32) {
    %c0_i32 = arith.constant 0 : i32
    %c0_i32_0 = arith.constant 0 : i32
    %c0_i32_1 = arith.constant 0 : i32
    return %c0_i32, %c0_i32_0 : i32, i32
  }
  func.func @transform_5(%arg0: i32) -> (i32, i32) {
    %c0_i32 = arith.constant 0 : i32
    %c0_i32_0 = arith.constant 0 : i32
    %c0_i32_1 = arith.constant 0 : i32
    return %c0_i32, %c0_i32_0 : i32, i32
  }
  func.func @transform_6(%arg0: i32) -> (i32, i32) {
    %c0_i32 = arith.constant 0 : i32
    %c0_i32_0 = arith.constant 0 : i32
    %c0_i32_1 = arith.constant 0 : i32
    return %c0_i32, %c0_i32_0 : i32, i32
  }
  func.func @transform_7(%arg0: i32) -> (i32, i32) {
    %c0_i32 = arith.constant 0 : i32
    %c0_i32_0 = arith.constant 0 : i32
    return %c0_i32, %arg0 : i32, i32
  }
  func.func @transform_8(%arg0: i32) -> (i32, i32) {
    %c0_i32 = arith.constant 0 : i32
    %c0_i32_0 = arith.constant 0 : i32
    return %c0_i32, %arg0 : i32, i32
  }
}

module attributes {stable_mosaic.version = 14 : i64} {
  func.func @_encode_body(%arg0: i32, %arg1: memref<118x4096xf32, #tpu.memory_space<vmem>>, %arg2: memref<60x118xf32, #tpu.memory_space<vmem>>, %arg3: memref<30x60xf32, #tpu.memory_space<vmem>>, %arg4: memref<10x30xf32, #tpu.memory_space<vmem>>, %arg5: memref<10x64xf32, #tpu.memory_space<vmem>>, %arg6: memref<64x1024xf32, #tpu.memory_space<vmem>>, %arg7: memref<1280x1xf32, #tpu.memory_space<vmem>>, %arg8: memref<64x4096xf32, #tpu.memory_space<vmem>>, %arg9: memref<1x4096xi32, #tpu.memory_space<vmem>>) attributes {dimension_semantics = [#tpu.dimension_semantics<arbitrary>], iteration_bounds = array<i64: 2>, scalar_prefetch = 0 : i64, scratch_operands = 0 : i64, tpu.core_type = #tpu.core_type<tc>, window_params = [{transform_indices = @transform_0, window_bounds = array<i64: 118, 4096>}, {pipeline_mode = #tpu.pipeline_mode<synchronous>, transform_indices = @transform_1, window_bounds = array<i64: 60, 118>}, {pipeline_mode = #tpu.pipeline_mode<synchronous>, transform_indices = @transform_2, window_bounds = array<i64: 30, 60>}, {pipeline_mode = #tpu.pipeline_mode<synchronous>, transform_indices = @transform_3, window_bounds = array<i64: 10, 30>}, {pipeline_mode = #tpu.pipeline_mode<synchronous>, transform_indices = @transform_4, window_bounds = array<i64: 10, 64>}, {pipeline_mode = #tpu.pipeline_mode<synchronous>, transform_indices = @transform_5, window_bounds = array<i64: 64, 1024>}, {pipeline_mode = #tpu.pipeline_mode<synchronous>, transform_indices = @transform_6, window_bounds = array<i64: 1280, 1>}, {transform_indices = @transform_7, window_bounds = array<i64: 64, 4096>}, {transform_indices = @transform_8, window_bounds = array<i64: 1, 4096>}]} {
    %get3A = arith.constant 0 : index
    %get3A_0 = arith.constant 0 : index
    %get3A_1 = vector.load %arg7[%get3A, %get3A_0] : memref<1280x1xf32, #tpu.memory_space<vmem>>, vector<1280x1xf32>
    %slice3A = vector.extract_strided_slice %get3A_1 {offsets = [0, 0], sizes = [1024, 1], strides = [1, 1]} : vector<1280x1xf32> to vector<1024x1xf32>
    %slice3A_2 = vector.extract_strided_slice %get3A_1 {offsets = [1024, 0], sizes = [60, 1], strides = [1, 1]} : vector<1280x1xf32> to vector<60x1xf32>
    %slice3A_3 = vector.extract_strided_slice %get3A_1 {offsets = [1088, 0], sizes = [30, 1], strides = [1, 1]} : vector<1280x1xf32> to vector<30x1xf32>
    %slice3A_4 = vector.extract_strided_slice %get3A_1 {offsets = [1152, 0], sizes = [10, 1], strides = [1, 1]} : vector<1280x1xf32> to vector<10x1xf32>
    %slice3A_5 = vector.extract_strided_slice %get3A_1 {offsets = [1216, 0], sizes = [64, 1], strides = [1, 1]} : vector<1280x1xf32> to vector<64x1xf32>
    %get3A_6 = arith.constant 0 : index
    %get3A_7 = arith.constant 0 : index
    %get3A_8 = vector.load %arg1[%get3A_6, %get3A_7] : memref<118x4096xf32, #tpu.memory_space<vmem>>, vector<118x4096xf32>
    %get3A_9 = arith.constant 0 : index
    %get3A_10 = arith.constant 0 : index
    %get3A_11 = vector.load %arg2[%get3A_9, %get3A_10] : memref<60x118xf32, #tpu.memory_space<vmem>>, vector<60x118xf32>
    %dot_general3A = arith.constant dense<0.000000e+00> : vector<60x4096xf32>
    %dot_general3A_12 = tpu.matmul %get3A_11, %get3A_8, %dot_general3A {dimension_numbers = #tpu.dot_dimension_numbers<[1], [0], [0], [1], [0, 0, 1, 1], [], []>, transpose_lhs_hint = false} : vector<60x118xf32>, vector<118x4096xf32>, vector<60x4096xf32> -> vector<60x4096xf32>
    %add3A = vector.broadcast %slice3A_2 : vector<60x1xf32> to vector<60x4096xf32>
    %add3A_13 = arith.addf %dot_general3A_12, %add3A : vector<60x4096xf32>
    %tanh3A = math.tanh %add3A_13 : vector<60x4096xf32>
    %get3A_14 = arith.constant 0 : index
    %get3A_15 = arith.constant 0 : index
    %get3A_16 = vector.load %arg3[%get3A_14, %get3A_15] : memref<30x60xf32, #tpu.memory_space<vmem>>, vector<30x60xf32>
    %dot_general3A_17 = arith.constant dense<0.000000e+00> : vector<30x4096xf32>
    %dot_general3A_18 = tpu.matmul %get3A_16, %tanh3A, %dot_general3A_17 {dimension_numbers = #tpu.dot_dimension_numbers<[1], [0], [0], [1], [0, 0, 1, 1], [], []>, transpose_lhs_hint = false} : vector<30x60xf32>, vector<60x4096xf32>, vector<30x4096xf32> -> vector<30x4096xf32>
    %add3A_19 = vector.broadcast %slice3A_3 : vector<30x1xf32> to vector<30x4096xf32>
    %add3A_20 = arith.addf %dot_general3A_18, %add3A_19 : vector<30x4096xf32>
    %tanh3A_21 = math.tanh %add3A_20 : vector<30x4096xf32>
    %get3A_22 = arith.constant 0 : index
    %get3A_23 = arith.constant 0 : index
    %get3A_24 = vector.load %arg4[%get3A_22, %get3A_23] : memref<10x30xf32, #tpu.memory_space<vmem>>, vector<10x30xf32>
    %dot_general3A_25 = arith.constant dense<0.000000e+00> : vector<10x4096xf32>
    %dot_general3A_26 = tpu.matmul %get3A_24, %tanh3A_21, %dot_general3A_25 {dimension_numbers = #tpu.dot_dimension_numbers<[1], [0], [0], [1], [0, 0, 1, 1], [], []>, transpose_lhs_hint = false} : vector<10x30xf32>, vector<30x4096xf32>, vector<10x4096xf32> -> vector<10x4096xf32>
    %add3A_27 = vector.broadcast %slice3A_4 : vector<10x1xf32> to vector<10x4096xf32>
    %add3A_28 = arith.addf %dot_general3A_26, %add3A_27 : vector<10x4096xf32>
    %tanh3A_29 = math.tanh %add3A_28 : vector<10x4096xf32>
    %get3A_30 = arith.constant 0 : index
    %get3A_31 = arith.constant 0 : index
    %get3A_32 = vector.load %arg5[%get3A_30, %get3A_31] : memref<10x64xf32, #tpu.memory_space<vmem>>, vector<10x64xf32>
    %dot_general3A_33 = arith.constant dense<0.000000e+00> : vector<64x4096xf32>
    %dot_general3A_34 = tpu.matmul %get3A_32, %tanh3A_29, %dot_general3A_33 {dimension_numbers = #tpu.dot_dimension_numbers<[0], [0], [1], [1], [0, 1, 1, 1], [], []>, transpose_lhs_hint = false} : vector<10x64xf32>, vector<10x4096xf32>, vector<64x4096xf32> -> vector<64x4096xf32>
    %add3A_35 = vector.broadcast %slice3A_5 : vector<64x1xf32> to vector<64x4096xf32>
    %add3A_36 = arith.addf %dot_general3A_34, %add3A_35 : vector<64x4096xf32>
    %swap3A = arith.constant 0 : index
    %swap3A_37 = arith.constant 0 : index
    %swap3A_38 = vector.load %arg8[%swap3A, %swap3A_37] : memref<64x4096xf32, #tpu.memory_space<vmem>>, vector<64x4096xf32>
    tpu.vector_store %arg8[%swap3A, %swap3A_37], %add3A_36 {strides = array<i32>} : memref<64x4096xf32, #tpu.memory_space<vmem>>, vector<64x4096xf32>,
    %get3A_39 = arith.constant 0 : index
    %get3A_40 = arith.constant 0 : index
    %get3A_41 = vector.load %arg6[%get3A_39, %get3A_40] : memref<64x1024xf32, #tpu.memory_space<vmem>>, vector<64x1024xf32>
    %mul3A = arith.constant -2.000000e+00 : f32
    %mul3A_42 = vector.broadcast %mul3A : f32 to vector<64x4096xf32>
    %mul3A_43 = arith.mulf %mul3A_42, %add3A_36 : vector<64x4096xf32>
    %dot_general3A_44 = arith.constant dense<0.000000e+00> : vector<1024x4096xf32>
    %dot_general3A_45 = tpu.matmul %get3A_41, %mul3A_43, %dot_general3A_44 {dimension_numbers = #tpu.dot_dimension_numbers<[0], [0], [1], [1], [0, 1, 1, 1], [], []>, transpose_lhs_hint = false} : vector<64x1024xf32>, vector<64x4096xf32>, vector<1024x4096xf32> -> vector<1024x4096xf32>
    %mul3A_46 = arith.mulf %add3A_36, %add3A_36 : vector<64x4096xf32>
    %reduce_sum3A = arith.constant dense<0.000000e+00> : vector<4096xf32>
    %reduce_sum3A_47 = vector.multi_reduction <add>, %mul3A_46, %reduce_sum3A [0] : vector<64x4096xf32> to vector<4096xf32>
    %broadcast_in_dim3A = vector.shape_cast %reduce_sum3A_47 : vector<4096xf32> to vector<1x4096xf32>
    %add3A_48 = vector.broadcast %broadcast_in_dim3A : vector<1x4096xf32> to vector<1024x4096xf32>
    %add3A_49 = vector.broadcast %slice3A : vector<1024x1xf32> to vector<1024x4096xf32>
    %add3A_50 = arith.addf %add3A_48, %add3A_49 : vector<1024x4096xf32>
    %add3A_51 = arith.addf %add3A_50, %dot_general3A_45 : vector<1024x4096xf32>
    %reduce_min3A = arith.constant dense<0x7F800000> : vector<4096xf32>
    %reduce_min3A_52 = vector.multi_reduction <minimumf>, %add3A_51, %reduce_min3A [0] : vector<1024x4096xf32> to vector<4096xf32>
    %broadcast_in_dim3A_53 = vector.shape_cast %reduce_min3A_52 : vector<4096xf32> to vector<1x4096xf32>
    %iota3A = tpu.iota {dimensions = array<i32: 0>} : vector<1024x1xi32>
    %eq3A = vector.broadcast %broadcast_in_dim3A_53 : vector<1x4096xf32> to vector<1024x4096xf32>
    %eq3A_54 = arith.cmpf oeq, %add3A_51, %eq3A : vector<1024x4096xf32>
    %jit3A = arith.constant 1024 : i32
    %broadcast_in_dim3A_55 = vector.shape_cast %iota3A : vector<1024x1xi32> to vector<1024x1xi32>
    %broadcast_in_dim3A_56 = vector.broadcast %broadcast_in_dim3A_55 : vector<1024x1xi32> to vector<1024x4096xi32>
    %broadcast_in_dim3A_57 = vector.broadcast %jit3A : i32 to vector<1024x4096xi32>
    %select_n3A = arith.select %eq3A_54, %broadcast_in_dim3A_56, %broadcast_in_dim3A_57 : vector<1024x4096xi1>, vector<1024x4096xi32>
    %reduce_min3A_58 = arith.constant dense<2147483647> : vector<4096xi32>
    %reduce_min3A_59 = vector.multi_reduction <minsi>, %select_n3A, %reduce_min3A_58 [0] : vector<1024x4096xi32> to vector<4096xi32>
    %broadcast_in_dim3A_60 = vector.shape_cast %reduce_min3A_59 : vector<4096xi32> to vector<1x4096xi32>
    %swap3A_61 = arith.constant 0 : index
    %swap3A_62 = arith.constant 0 : index
    %swap3A_63 = vector.load %arg9[%swap3A_61, %swap3A_62] : memref<1x4096xi32, #tpu.memory_space<vmem>>, vector<1x4096xi32>
    tpu.vector_store %arg9[%swap3A_61, %swap3A_62], %broadcast_in_dim3A_60 {strides = array<i32>} : memref<1x4096xi32, #tpu.memory_space<vmem>>, vector<1x4096xi32>,
    return
  }
  func.func @transform_0(%arg0: i32) -> (i32, i32) {
    %add3A = arith.constant 0 : i32
    %add3A_0 = arith.addi %arg0, %add3A : i32
    %c0_i32 = arith.constant 0 : i32
    %c0_i32_1 = arith.constant 0 : i32
    return %c0_i32, %add3A_0 : i32, i32
  }
  func.func @transform_1(%arg0: i32) -> (i32, i32) {
    %c0_i32 = arith.constant 0 : i32
    %c0_i32_0 = arith.constant 0 : i32
    %c0_i32_1 = arith.constant 0 : i32
    return %c0_i32, %c0_i32_0 : i32, i32
  }
  func.func @transform_2(%arg0: i32) -> (i32, i32) {
    %c0_i32 = arith.constant 0 : i32
    %c0_i32_0 = arith.constant 0 : i32
    %c0_i32_1 = arith.constant 0 : i32
    return %c0_i32, %c0_i32_0 : i32, i32
  }
  func.func @transform_3(%arg0: i32) -> (i32, i32) {
    %c0_i32 = arith.constant 0 : i32
    %c0_i32_0 = arith.constant 0 : i32
    %c0_i32_1 = arith.constant 0 : i32
    return %c0_i32, %c0_i32_0 : i32, i32
  }
  func.func @transform_4(%arg0: i32) -> (i32, i32) {
    %c0_i32 = arith.constant 0 : i32
    %c0_i32_0 = arith.constant 0 : i32
    %c0_i32_1 = arith.constant 0 : i32
    return %c0_i32, %c0_i32_0 : i32, i32
  }
  func.func @transform_5(%arg0: i32) -> (i32, i32) {
    %c0_i32 = arith.constant 0 : i32
    %c0_i32_0 = arith.constant 0 : i32
    %c0_i32_1 = arith.constant 0 : i32
    return %c0_i32, %c0_i32_0 : i32, i32
  }
  func.func @transform_6(%arg0: i32) -> (i32, i32) {
    %c0_i32 = arith.constant 0 : i32
    %c0_i32_0 = arith.constant 0 : i32
    %c0_i32_1 = arith.constant 0 : i32
    return %c0_i32, %c0_i32_0 : i32, i32
  }
  func.func @transform_7(%arg0: i32) -> (i32, i32) {
    %c0_i32 = arith.constant 0 : i32
    %c0_i32_0 = arith.constant 0 : i32
    return %c0_i32, %arg0 : i32, i32
  }
  func.func @transform_8(%arg0: i32) -> (i32, i32) {
    %c0_i32 = arith.constant 0 : i32
    %c0_i32_0 = arith.constant 0 : i32
    return %c0_i32, %arg0 : i32, i32
  }
}

module attributes {stable_mosaic.version = 14 : i64} {
  func.func @_decode_body(%arg0: i32, %arg1: memref<118x4096xf32, #tpu.memory_space<vmem>>, %arg2: memref<64x4096xf32, #tpu.memory_space<vmem>>, %arg3: memref<64x4096xf32, #tpu.memory_space<vmem>>, %arg4: memref<64x4096xf32, #tpu.memory_space<vmem>>, %arg5: memref<64x4096xf32, #tpu.memory_space<vmem>>, %arg6: memref<10x64xf32, #tpu.memory_space<vmem>>, %arg7: memref<10x30xf32, #tpu.memory_space<vmem>>, %arg8: memref<30x60xf32, #tpu.memory_space<vmem>>, %arg9: memref<60x118xf32, #tpu.memory_space<vmem>>, %arg10: memref<10x66xf32, #tpu.memory_space<vmem>>, %arg11: memref<2x10xf32, #tpu.memory_space<vmem>>, %arg12: memref<386x1xf32, #tpu.memory_space<vmem>>, %arg13: memref<64x4096xf32, #tpu.memory_space<vmem>>, %arg14: memref<64x4096xf32, #tpu.memory_space<vmem>>, %arg15: memref<118x4096xf32, #tpu.memory_space<vmem>>, %arg16: memref<66x4096xf32, #tpu.memory_space<vmem>>, %arg17: memref<2x4096xf32, #tpu.memory_space<vmem>>, %arg18: memref<1x1x1xf32, #tpu.memory_space<smem>>) attributes {dimension_semantics = [#tpu.dimension_semantics<arbitrary>], iteration_bounds = array<i64: 4>, scalar_prefetch = 0 : i64, scratch_operands = 0 : i64, tpu.core_type = #tpu.core_type<tc>, window_params = [{transform_indices = @transform_0, window_bounds = array<i64: 118, 4096>}, {transform_indices = @transform_1, window_bounds = array<i64: 64, 4096>}, {transform_indices = @transform_2, window_bounds = array<i64: 64, 4096>}, {transform_indices = @transform_3, window_bounds = array<i64: 64, 4096>}, {transform_indices = @transform_4, window_bounds = array<i64: 64, 4096>}, {pipeline_mode = #tpu.pipeline_mode<synchronous>, transform_indices = @transform_5, window_bounds = array<i64: 10, 64>}, {pipeline_mode = #tpu.pipeline_mode<synchronous>, transform_indices = @transform_6, window_bounds = array<i64: 10, 30>}, {pipeline_mode = #tpu.pipeline_mode<synchronous>, transform_indices = @transform_7, window_bounds = array<i64: 30, 60>}, {pipeline_mode = #tpu.pipeline_mode<synchronous>, transform_indices = @transform_8, window_bounds = array<i64: 60, 118>}, {pipeline_mode = #tpu.pipeline_mode<synchronous>, transform_indices = @transform_9, window_bounds = array<i64: 10, 66>}, {pipeline_mode = #tpu.pipeline_mode<synchronous>, transform_indices = @transform_10, window_bounds = array<i64: 2, 10>}, {pipeline_mode = #tpu.pipeline_mode<synchronous>, transform_indices = @transform_11, window_bounds = array<i64: 386, 1>}, {transform_indices = @transform_12, window_bounds = array<i64: 64, 4096>}, {transform_indices = @transform_13, window_bounds = array<i64: 64, 4096>}, {transform_indices = @transform_14, window_bounds = array<i64: 118, 4096>}, {transform_indices = @transform_15, window_bounds = array<i64: 66, 4096>}, {transform_indices = @transform_16, window_bounds = array<i64: 2, 4096>}, {transform_indices = @transform_17, window_bounds = array<i64: 1, 1, 1>}]} {
    %get3A = arith.constant 0 : index
    %get3A_0 = arith.constant 0 : index
    %get3A_1 = vector.load %arg12[%get3A, %get3A_0] : memref<386x1xf32, #tpu.memory_space<vmem>>, vector<386x1xf32>
    %slice3A = vector.extract_strided_slice %get3A_1 {offsets = [0, 0], sizes = [10, 1], strides = [1, 1]} : vector<386x1xf32> to vector<10x1xf32>
    %slice3A_2 = vector.extract_strided_slice %get3A_1 {offsets = [64, 0], sizes = [30, 1], strides = [1, 1]} : vector<386x1xf32> to vector<30x1xf32>
    %slice3A_3 = vector.extract_strided_slice %get3A_1 {offsets = [128, 0], sizes = [60, 1], strides = [1, 1]} : vector<386x1xf32> to vector<60x1xf32>
    %slice3A_4 = vector.extract_strided_slice %get3A_1 {offsets = [192, 0], sizes = [118, 1], strides = [1, 1]} : vector<386x1xf32> to vector<118x1xf32>
    %slice3A_5 = vector.extract_strided_slice %get3A_1 {offsets = [320, 0], sizes = [10, 1], strides = [1, 1]} : vector<386x1xf32> to vector<10x1xf32>
    %slice3A_6 = vector.extract_strided_slice %get3A_1 {offsets = [384, 0], sizes = [2, 1], strides = [1, 1]} : vector<386x1xf32> to vector<2x1xf32>
    %lt3A = arith.constant 2 : i32
    %lt3A_7 = arith.cmpi slt, %arg0, %lt3A : i32
    %get3A_8 = arith.constant 0 : index
    %get3A_9 = arith.constant 0 : index
    %get3A_10 = vector.load %arg2[%get3A_8, %get3A_9] : memref<64x4096xf32, #tpu.memory_space<vmem>>, vector<64x4096xf32>
    %get3A_11 = arith.constant 0 : index
    %get3A_12 = arith.constant 0 : index
    %get3A_13 = vector.load %arg3[%get3A_11, %get3A_12] : memref<64x4096xf32, #tpu.memory_space<vmem>>, vector<64x4096xf32>
    %select_n3A = arith.select %lt3A_7, %get3A_10, %get3A_13 : vector<64x4096xf32>
    %get3A_14 = arith.constant 0 : index
    %get3A_15 = arith.constant 0 : index
    %get3A_16 = vector.load %arg4[%get3A_14, %get3A_15] : memref<64x4096xf32, #tpu.memory_space<vmem>>, vector<64x4096xf32>
    %get3A_17 = arith.constant 0 : index
    %get3A_18 = arith.constant 0 : index
    %get3A_19 = vector.load %arg5[%get3A_17, %get3A_18] : memref<64x4096xf32, #tpu.memory_space<vmem>>, vector<64x4096xf32>
    %select_n3A_20 = arith.select %lt3A_7, %get3A_16, %get3A_19 : vector<64x4096xf32>
    %swap3A = arith.constant 0 : index
    %swap3A_21 = arith.constant 0 : index
    %swap3A_22 = vector.load %arg13[%swap3A, %swap3A_21] : memref<64x4096xf32, #tpu.memory_space<vmem>>, vector<64x4096xf32>
    tpu.vector_store %arg13[%swap3A, %swap3A_21], %select_n3A {strides = array<i32>} : memref<64x4096xf32, #tpu.memory_space<vmem>>, vector<64x4096xf32>,
    %swap3A_23 = arith.constant 0 : index
    %swap3A_24 = arith.constant 0 : index
    %swap3A_25 = vector.load %arg14[%swap3A_23, %swap3A_24] : memref<64x4096xf32, #tpu.memory_space<vmem>>, vector<64x4096xf32>
    tpu.vector_store %arg14[%swap3A_23, %swap3A_24], %select_n3A_20 {strides = array<i32>} : memref<64x4096xf32, #tpu.memory_space<vmem>>, vector<64x4096xf32>,
    %get3A_26 = arith.constant 0 : index
    %get3A_27 = arith.constant 0 : index
    %get3A_28 = vector.load %arg6[%get3A_26, %get3A_27] : memref<10x64xf32, #tpu.memory_space<vmem>>, vector<10x64xf32>
    %dot_general3A = arith.constant dense<0.000000e+00> : vector<10x4096xf32>
    %dot_general3A_29 = tpu.matmul %get3A_28, %select_n3A_20, %dot_general3A {dimension_numbers = #tpu.dot_dimension_numbers<[1], [0], [0], [1], [0, 0, 1, 1], [], []>, transpose_lhs_hint = false} : vector<10x64xf32>, vector<64x4096xf32>, vector<10x4096xf32> -> vector<10x4096xf32>
    %add3A = vector.broadcast %slice3A : vector<10x1xf32> to vector<10x4096xf32>
    %add3A_30 = arith.addf %dot_general3A_29, %add3A : vector<10x4096xf32>
    %tanh3A = math.tanh %add3A_30 : vector<10x4096xf32>
    %get3A_31 = arith.constant 0 : index
    %get3A_32 = arith.constant 0 : index
    %get3A_33 = vector.load %arg7[%get3A_31, %get3A_32] : memref<10x30xf32, #tpu.memory_space<vmem>>, vector<10x30xf32>
    %dot_general3A_34 = arith.constant dense<0.000000e+00> : vector<30x4096xf32>
    %dot_general3A_35 = tpu.matmul %get3A_33, %tanh3A, %dot_general3A_34 {dimension_numbers = #tpu.dot_dimension_numbers<[0], [0], [1], [1], [0, 1, 1, 1], [], []>, transpose_lhs_hint = false} : vector<10x30xf32>, vector<10x4096xf32>, vector<30x4096xf32> -> vector<30x4096xf32>
    %add3A_36 = vector.broadcast %slice3A_2 : vector<30x1xf32> to vector<30x4096xf32>
    %add3A_37 = arith.addf %dot_general3A_35, %add3A_36 : vector<30x4096xf32>
    %tanh3A_38 = math.tanh %add3A_37 : vector<30x4096xf32>
    %get3A_39 = arith.constant 0 : index
    %get3A_40 = arith.constant 0 : index
    %get3A_41 = vector.load %arg8[%get3A_39, %get3A_40] : memref<30x60xf32, #tpu.memory_space<vmem>>, vector<30x60xf32>
    %dot_general3A_42 = arith.constant dense<0.000000e+00> : vector<60x4096xf32>
    %dot_general3A_43 = tpu.matmul %get3A_41, %tanh3A_38, %dot_general3A_42 {dimension_numbers = #tpu.dot_dimension_numbers<[0], [0], [1], [1], [0, 1, 1, 1], [], []>, transpose_lhs_hint = false} : vector<30x60xf32>, vector<30x4096xf32>, vector<60x4096xf32> -> vector<60x4096xf32>
    %add3A_44 = vector.broadcast %slice3A_3 : vector<60x1xf32> to vector<60x4096xf32>
    %add3A_45 = arith.addf %dot_general3A_43, %add3A_44 : vector<60x4096xf32>
    %tanh3A_46 = math.tanh %add3A_45 : vector<60x4096xf32>
    %get3A_47 = arith.constant 0 : index
    %get3A_48 = arith.constant 0 : index
    %get3A_49 = vector.load %arg9[%get3A_47, %get3A_48] : memref<60x118xf32, #tpu.memory_space<vmem>>, vector<60x118xf32>
    %dot_general3A_50 = arith.constant dense<0.000000e+00> : vector<118x4096xf32>
    %dot_general3A_51 = tpu.matmul %get3A_49, %tanh3A_46, %dot_general3A_50 {dimension_numbers = #tpu.dot_dimension_numbers<[0], [0], [1], [1], [0, 1, 1, 1], [], []>, transpose_lhs_hint = false} : vector<60x118xf32>, vector<60x4096xf32>, vector<118x4096xf32> -> vector<118x4096xf32>
    %add3A_52 = vector.broadcast %slice3A_4 : vector<118x1xf32> to vector<118x4096xf32>
    %add3A_53 = arith.addf %dot_general3A_51, %add3A_52 : vector<118x4096xf32>
    %swap3A_54 = arith.constant 0 : index
    %swap3A_55 = arith.constant 0 : index
    %swap3A_56 = vector.load %arg15[%swap3A_54, %swap3A_55] : memref<118x4096xf32, #tpu.memory_space<vmem>>, vector<118x4096xf32>
    tpu.vector_store %arg15[%swap3A_54, %swap3A_55], %add3A_53 {strides = array<i32>} : memref<118x4096xf32, #tpu.memory_space<vmem>>, vector<118x4096xf32>,
    %get3A_57 = arith.constant 0 : index
    %get3A_58 = arith.constant 0 : index
    %get3A_59 = vector.load %arg1[%get3A_57, %get3A_58] : memref<118x4096xf32, #tpu.memory_space<vmem>>, vector<118x4096xf32>
    %sub3A = arith.subf %get3A_59, %add3A_53 : vector<118x4096xf32>
    %mul3A = arith.mulf %sub3A, %sub3A : vector<118x4096xf32>
    %reduce_sum3A = arith.constant dense<0.000000e+00> : vector<4096xf32>
    %reduce_sum3A_60 = vector.multi_reduction <add>, %mul3A, %reduce_sum3A [0] : vector<118x4096xf32> to vector<4096xf32>
    %broadcast_in_dim3A = vector.shape_cast %reduce_sum3A_60 : vector<4096xf32> to vector<1x4096xf32>
    %sqrt3A = math.sqrt %broadcast_in_dim3A : vector<1x4096xf32>
    %mul3A_61 = arith.mulf %get3A_59, %get3A_59 : vector<118x4096xf32>
    %reduce_sum3A_62 = arith.constant dense<0.000000e+00> : vector<4096xf32>
    %reduce_sum3A_63 = vector.multi_reduction <add>, %mul3A_61, %reduce_sum3A_62 [0] : vector<118x4096xf32> to vector<4096xf32>
    %broadcast_in_dim3A_64 = vector.shape_cast %reduce_sum3A_63 : vector<4096xf32> to vector<1x4096xf32>
    %sqrt3A_65 = math.sqrt %broadcast_in_dim3A_64 : vector<1x4096xf32>
    %mul3A_66 = arith.mulf %add3A_53, %add3A_53 : vector<118x4096xf32>
    %reduce_sum3A_67 = arith.constant dense<0.000000e+00> : vector<4096xf32>
    %reduce_sum3A_68 = vector.multi_reduction <add>, %mul3A_66, %reduce_sum3A_67 [0] : vector<118x4096xf32> to vector<4096xf32>
    %broadcast_in_dim3A_69 = vector.shape_cast %reduce_sum3A_68 : vector<4096xf32> to vector<1x4096xf32>
    %sqrt3A_70 = math.sqrt %broadcast_in_dim3A_69 : vector<1x4096xf32>
    %add3A_71 = arith.constant 9.99999996E-13 : f32
    %add3A_72 = vector.broadcast %add3A_71 : f32 to vector<1x4096xf32>
    %add3A_73 = arith.addf %sqrt3A_65, %add3A_72 : vector<1x4096xf32>
    %div3A = arith.divf %sqrt3A, %add3A_73 : vector<1x4096xf32>
    %mul3A_74 = arith.mulf %get3A_59, %add3A_53 : vector<118x4096xf32>
    %reduce_sum3A_75 = arith.constant dense<0.000000e+00> : vector<4096xf32>
    %reduce_sum3A_76 = vector.multi_reduction <add>, %mul3A_74, %reduce_sum3A_75 [0] : vector<118x4096xf32> to vector<4096xf32>
    %broadcast_in_dim3A_77 = vector.shape_cast %reduce_sum3A_76 : vector<4096xf32> to vector<1x4096xf32>
    %max3A = arith.constant 9.99999993E-9 : f32
    %max3A_78 = vector.broadcast %max3A : f32 to vector<1x4096xf32>
    %max3A_79 = arith.maximumf %sqrt3A_65, %max3A_78 : vector<1x4096xf32>
    %max3A_80 = arith.constant 9.99999993E-9 : f32
    %max3A_81 = vector.broadcast %max3A_80 : f32 to vector<1x4096xf32>
    %max3A_82 = arith.maximumf %sqrt3A_70, %max3A_81 : vector<1x4096xf32>
    %mul3A_83 = arith.mulf %max3A_79, %max3A_82 : vector<1x4096xf32>
    %div3A_84 = arith.divf %broadcast_in_dim3A_77, %mul3A_83 : vector<1x4096xf32>
    %concatenate3A = tpu.concatenate %select_n3A_20, %div3A, %div3A_84 in 0 : vector<64x4096xf32>, vector<1x4096xf32>, vector<1x4096xf32> -> vector<66x4096xf32>
    %swap3A_85 = arith.constant 0 : index
    %swap3A_86 = arith.constant 0 : index
    %swap3A_87 = vector.load %arg16[%swap3A_85, %swap3A_86] : memref<66x4096xf32, #tpu.memory_space<vmem>>, vector<66x4096xf32>
    tpu.vector_store %arg16[%swap3A_85, %swap3A_86], %concatenate3A {strides = array<i32>} : memref<66x4096xf32, #tpu.memory_space<vmem>>, vector<66x4096xf32>,
    %get3A_88 = arith.constant 0 : index
    %get3A_89 = arith.constant 0 : index
    %get3A_90 = vector.load %arg10[%get3A_88, %get3A_89] : memref<10x66xf32, #tpu.memory_space<vmem>>, vector<10x66xf32>
    %dot_general3A_91 = arith.constant dense<0.000000e+00> : vector<10x4096xf32>
    %dot_general3A_92 = tpu.matmul %get3A_90, %concatenate3A, %dot_general3A_91 {dimension_numbers = #tpu.dot_dimension_numbers<[1], [0], [0], [1], [0, 0, 1, 1], [], []>, transpose_lhs_hint = false} : vector<10x66xf32>, vector<66x4096xf32>, vector<10x4096xf32> -> vector<10x4096xf32>
    %add3A_93 = vector.broadcast %slice3A_5 : vector<10x1xf32> to vector<10x4096xf32>
    %add3A_94 = arith.addf %dot_general3A_92, %add3A_93 : vector<10x4096xf32>
    %tanh3A_95 = math.tanh %add3A_94 : vector<10x4096xf32>
    %get3A_96 = arith.constant 0 : index
    %get3A_97 = arith.constant 0 : index
    %get3A_98 = vector.load %arg11[%get3A_96, %get3A_97] : memref<2x10xf32, #tpu.memory_space<vmem>>, vector<2x10xf32>
    %dot_general3A_99 = arith.constant dense<0.000000e+00> : vector<2x4096xf32>
    %dot_general3A_100 = tpu.matmul %get3A_98, %tanh3A_95, %dot_general3A_99 {dimension_numbers = #tpu.dot_dimension_numbers<[1], [0], [0], [1], [0, 0, 1, 1], [], []>, transpose_lhs_hint = false} : vector<2x10xf32>, vector<10x4096xf32>, vector<2x4096xf32> -> vector<2x4096xf32>
    %add3A_101 = vector.broadcast %slice3A_6 : vector<2x1xf32> to vector<2x4096xf32>
    %add3A_102 = arith.addf %dot_general3A_100, %add3A_101 : vector<2x4096xf32>
    %reduce_max3A = arith.constant dense<0xFF800000> : vector<4096xf32>
    %reduce_max3A_103 = vector.multi_reduction <maximumf>, %add3A_102, %reduce_max3A [0] : vector<2x4096xf32> to vector<4096xf32>
    %broadcast_in_dim3A_104 = vector.shape_cast %reduce_max3A_103 : vector<4096xf32> to vector<1x4096xf32>
    %sub3A_105 = vector.broadcast %broadcast_in_dim3A_104 : vector<1x4096xf32> to vector<2x4096xf32>
    %sub3A_106 = arith.subf %add3A_102, %sub3A_105 : vector<2x4096xf32>
    %exp3A = math.exp %sub3A_106 : vector<2x4096xf32>
    %reduce_sum3A_107 = arith.constant dense<0.000000e+00> : vector<4096xf32>
    %reduce_sum3A_108 = vector.multi_reduction <add>, %exp3A, %reduce_sum3A_107 [0] : vector<2x4096xf32> to vector<4096xf32>
    %broadcast_in_dim3A_109 = vector.shape_cast %reduce_sum3A_108 : vector<4096xf32> to vector<1x4096xf32>
    %div3A_110 = vector.broadcast %broadcast_in_dim3A_109 : vector<1x4096xf32> to vector<2x4096xf32>
    %div3A_111 = arith.divf %exp3A, %div3A_110 : vector<2x4096xf32>
    %swap3A_112 = arith.constant 0 : index
    %swap3A_113 = arith.constant 0 : index
    %swap3A_114 = vector.load %arg17[%swap3A_112, %swap3A_113] : memref<2x4096xf32, #tpu.memory_space<vmem>>, vector<2x4096xf32>
    tpu.vector_store %arg17[%swap3A_112, %swap3A_113], %div3A_111 {strides = array<i32>} : memref<2x4096xf32, #tpu.memory_space<vmem>>, vector<2x4096xf32>,
    %sub3A_115 = arith.subf %select_n3A_20, %select_n3A : vector<64x4096xf32>
    %mul3A_116 = arith.mulf %sub3A_115, %sub3A_115 : vector<64x4096xf32>
    %reduce_sum3A_117 = vector.shape_cast %mul3A_116 : vector<64x4096xf32> to vector<1x64x4096xf32>
    %reduce_sum3A_118 = arith.constant dense<0.000000e+00> : vector<1xf32>
    %reduce_sum3A_119 = vector.multi_reduction <add>, %reduce_sum3A_117, %reduce_sum3A_118 [1, 2] : vector<1x64x4096xf32> to vector<1xf32>
    %reduce_sum3A_120 = vector.shape_cast %reduce_sum3A_119 : vector<1xf32> to vector<1x1x1xf32>
    %reduce_sum3A_121 = vector.extract %reduce_sum3A_120[0, 0, 0] : f32 from vector<1x1x1xf32>
    %eq3A = arith.constant 0 : i32
    %eq3A_122 = arith.cmpi eq, %arg0, %eq3A : i32
    %convert_element_type3A = arith.extui %eq3A_122 : i1 to i32
    %cond3A = arith.constant 0 : i32
    %cond3A_123 = arith.cmpi ne, %convert_element_type3A, %cond3A : i32
    scf.if %cond3A_123 {
      %swap3A_133 = arith.constant 0 : index
      %swap3A_134 = arith.constant 0 : index
      %swap3A_135 = arith.constant 0 : index
      %swap3A_136 = memref.load %arg18[%swap3A_133, %swap3A_134, %swap3A_135] : memref<1x1x1xf32, #tpu.memory_space<smem>>
      memref.store %reduce_sum3A_121, %arg18[%swap3A_133, %swap3A_134, %swap3A_135] : memref<1x1x1xf32, #tpu.memory_space<smem>>
    } else {
    }
    %gt3A = arith.constant 0 : i32
    %gt3A_124 = arith.cmpi sgt, %arg0, %gt3A : i32
    %convert_element_type3A_125 = arith.extui %gt3A_124 : i1 to i32
    %cond3A_126 = arith.constant 0 : i32
    %cond3A_127 = arith.cmpi ne, %convert_element_type3A_125, %cond3A_126 : i32
    scf.if %cond3A_127 {
      %get3A_133 = arith.constant 0 : index
      %get3A_134 = arith.constant 0 : index
      %get3A_135 = arith.constant 0 : index
      %get3A_136 = memref.load %arg18[%get3A_133, %get3A_134, %get3A_135] : memref<1x1x1xf32, #tpu.memory_space<smem>>
      %add3A_137 = arith.addf %get3A_136, %reduce_sum3A_121 : f32
      %swap3A_138 = arith.constant 0 : index
      %swap3A_139 = arith.constant 0 : index
      %swap3A_140 = arith.constant 0 : index
      %swap3A_141 = memref.load %arg18[%swap3A_138, %swap3A_139, %swap3A_140] : memref<1x1x1xf32, #tpu.memory_space<smem>>
      memref.store %add3A_137, %arg18[%swap3A_138, %swap3A_139, %swap3A_140] : memref<1x1x1xf32, #tpu.memory_space<smem>>
    } else {
    }
    %eq3A_128 = arith.constant 3 : i32
    %eq3A_129 = arith.cmpi eq, %arg0, %eq3A_128 : i32
    %convert_element_type3A_130 = arith.extui %eq3A_129 : i1 to i32
    %cond3A_131 = arith.constant 0 : i32
    %cond3A_132 = arith.cmpi ne, %convert_element_type3A_130, %cond3A_131 : i32
    scf.if %cond3A_132 {
      %get3A_133 = arith.constant 0 : index
      %get3A_134 = arith.constant 0 : index
      %get3A_135 = arith.constant 0 : index
      %get3A_136 = memref.load %arg18[%get3A_133, %get3A_134, %get3A_135] : memref<1x1x1xf32, #tpu.memory_space<smem>>
      %div3A_137 = arith.constant 0x49800000 : f32
      %div3A_138 = arith.divf %get3A_136, %div3A_137 : f32
      %mul3A_139 = arith.constant 2.500000e-01 : f32
      %mul3A_140 = arith.mulf %mul3A_139, %div3A_138 : f32
      %add3A_141 = arith.addf %div3A_138, %mul3A_140 : f32
      %swap3A_142 = arith.constant 0 : index
      %swap3A_143 = arith.constant 0 : index
      %swap3A_144 = arith.constant 0 : index
      %swap3A_145 = memref.load %arg18[%swap3A_142, %swap3A_143, %swap3A_144] : memref<1x1x1xf32, #tpu.memory_space<smem>>
      memref.store %add3A_141, %arg18[%swap3A_142, %swap3A_143, %swap3A_144] : memref<1x1x1xf32, #tpu.memory_space<smem>>
    } else {
    }
    return
  }
  func.func @transform_0(%arg0: i32) -> (i32, i32) {
    %c0_i32 = arith.constant 0 : i32
    %c0_i32_0 = arith.constant 0 : i32
    return %c0_i32, %arg0 : i32, i32
  }
  func.func @transform_1(%arg0: i32) -> (i32, i32) {
    %lt3A = arith.constant 2 : i32
    %lt3A_0 = arith.cmpi slt, %arg0, %lt3A : i32
    %jit3A = arith.constant 0 : i32
    %select_n3A = arith.select %lt3A_0, %arg0, %jit3A : i32
    %c0_i32 = arith.constant 0 : i32
    %c0_i32_1 = arith.constant 0 : i32
    return %c0_i32, %select_n3A : i32, i32
  }
  func.func @transform_2(%arg0: i32) -> (i32, i32) {
    %lt3A = arith.constant 2 : i32
    %lt3A_0 = arith.cmpi slt, %arg0, %lt3A : i32
    %sub3A = arith.constant 2 : i32
    %sub3A_1 = arith.subi %arg0, %sub3A : i32
    %jit3A = arith.constant 0 : i32
    %select_n3A = arith.select %lt3A_0, %jit3A, %sub3A_1 : i32
    %c0_i32 = arith.constant 0 : i32
    %c0_i32_2 = arith.constant 0 : i32
    return %c0_i32, %select_n3A : i32, i32
  }
  func.func @transform_3(%arg0: i32) -> (i32, i32) {
    %lt3A = arith.constant 2 : i32
    %lt3A_0 = arith.cmpi slt, %arg0, %lt3A : i32
    %jit3A = arith.constant 0 : i32
    %select_n3A = arith.select %lt3A_0, %arg0, %jit3A : i32
    %c0_i32 = arith.constant 0 : i32
    %c0_i32_1 = arith.constant 0 : i32
    return %c0_i32, %select_n3A : i32, i32
  }
  func.func @transform_4(%arg0: i32) -> (i32, i32) {
    %lt3A = arith.constant 2 : i32
    %lt3A_0 = arith.cmpi slt, %arg0, %lt3A : i32
    %sub3A = arith.constant 2 : i32
    %sub3A_1 = arith.subi %arg0, %sub3A : i32
    %jit3A = arith.constant 0 : i32
    %select_n3A = arith.select %lt3A_0, %jit3A, %sub3A_1 : i32
    %c0_i32 = arith.constant 0 : i32
    %c0_i32_2 = arith.constant 0 : i32
    return %c0_i32, %select_n3A : i32, i32
  }
  func.func @transform_5(%arg0: i32) -> (i32, i32) {
    %c0_i32 = arith.constant 0 : i32
    %c0_i32_0 = arith.constant 0 : i32
    %c0_i32_1 = arith.constant 0 : i32
    return %c0_i32, %c0_i32_0 : i32, i32
  }
  func.func @transform_6(%arg0: i32) -> (i32, i32) {
    %c0_i32 = arith.constant 0 : i32
    %c0_i32_0 = arith.constant 0 : i32
    %c0_i32_1 = arith.constant 0 : i32
    return %c0_i32, %c0_i32_0 : i32, i32
  }
  func.func @transform_7(%arg0: i32) -> (i32, i32) {
    %c0_i32 = arith.constant 0 : i32
    %c0_i32_0 = arith.constant 0 : i32
    %c0_i32_1 = arith.constant 0 : i32
    return %c0_i32, %c0_i32_0 : i32, i32
  }
  func.func @transform_8(%arg0: i32) -> (i32, i32) {
    %c0_i32 = arith.constant 0 : i32
    %c0_i32_0 = arith.constant 0 : i32
    %c0_i32_1 = arith.constant 0 : i32
    return %c0_i32, %c0_i32_0 : i32, i32
  }
  func.func @transform_9(%arg0: i32) -> (i32, i32) {
    %c0_i32 = arith.constant 0 : i32
    %c0_i32_0 = arith.constant 0 : i32
    %c0_i32_1 = arith.constant 0 : i32
    return %c0_i32, %c0_i32_0 : i32, i32
  }
  func.func @transform_10(%arg0: i32) -> (i32, i32) {
    %c0_i32 = arith.constant 0 : i32
    %c0_i32_0 = arith.constant 0 : i32
    %c0_i32_1 = arith.constant 0 : i32
    return %c0_i32, %c0_i32_0 : i32, i32
  }
  func.func @transform_11(%arg0: i32) -> (i32, i32) {
    %c0_i32 = arith.constant 0 : i32
    %c0_i32_0 = arith.constant 0 : i32
    %c0_i32_1 = arith.constant 0 : i32
    return %c0_i32, %c0_i32_0 : i32, i32
  }
  func.func @transform_12(%arg0: i32) -> (i32, i32) {
    %c0_i32 = arith.constant 0 : i32
    %c0_i32_0 = arith.constant 0 : i32
    return %c0_i32, %arg0 : i32, i32
  }
  func.func @transform_13(%arg0: i32) -> (i32, i32) {
    %c0_i32 = arith.constant 0 : i32
    %c0_i32_0 = arith.constant 0 : i32
    return %c0_i32, %arg0 : i32, i32
  }
  func.func @transform_14(%arg0: i32) -> (i32, i32) {
    %c0_i32 = arith.constant 0 : i32
    %c0_i32_0 = arith.constant 0 : i32
    return %c0_i32, %arg0 : i32, i32
  }
  func.func @transform_15(%arg0: i32) -> (i32, i32) {
    %c0_i32 = arith.constant 0 : i32
    %c0_i32_0 = arith.constant 0 : i32
    return %c0_i32, %arg0 : i32, i32
  }
  func.func @transform_16(%arg0: i32) -> (i32, i32) {
    %c0_i32 = arith.constant 0 : i32
    %c0_i32_0 = arith.constant 0 : i32
    return %c0_i32, %arg0 : i32, i32
  }
  func.func @transform_17(%arg0: i32) -> (i32, i32, i32) {
    %c0_i32 = arith.constant 0 : i32
    %c0_i32_0 = arith.constant 0 : i32
    %c0_i32_1 = arith.constant 0 : i32
    %c0_i32_2 = arith.constant 0 : i32
    return %c0_i32, %c0_i32_0, %c0_i32_1 : i32, i32, i32
  }
}

</mosaic_0001>

<sc_bundles>
// kernel: kernel.10.cloned.1.call-start
scs
__scs_entry_jumppad:
0x0: {  	(pc) =	sbr.rel $0x88, $3  }
0x1: {  	(tag) =	ssettag $0x0;
	lr =	simm.s32 $0x1  }
0x2: {  	[smem:$0x3F8B] =	sst lr;
	_ =	strace $0xD0000000  }
0x3: {  	_ = 	snop  }
0x4: {  	_ = 	snop  }
0x5: {  	_ = 	snop  }
0x6: {  	_ = 	snop  }
0x7: {  	_ = 	snop  }
__scs_overlays_trampoline_lowered:
0x8: {  	[smem:$0x3F9A] =	sst s0  }
0x9: {  	[smem:$0x3F9B] =	sst s1  }
0xa: {  	[smem:$0x3F9C] =	sst s2  }
0xb: {  	[smem:$0x3F9D] =	sst s3  }
0xc: {  	[smem:$0x3F9E] =	sst s4  }
0xd: {  	[smem:$0x3F9F] =	sst s5  }
0xe: {  	[smem:$0x3FA0] =	sst s6  }
0xf: {  	[smem:$0x3FA1] =	sst s7  }
0x10: {  	[smem:$0x3FA2] =	sst s8  }
0x11: {  	[smem:$0x3FA3] =	sst s9;
	s0 =	simm.s32 @!p0 $0x0  }
0x12: {  	s1 =	sld [smem:$0x3F89];
	s0 =	simm.s32 @p0 $0x1  }
0x13: {  	[smem:$0x3FA4] =	sst s0;
	s0 =	simm.s32 @!p1 $0x0  }
0x14: {  	s2 =	sld [smem:$0x3F88];
	s0 =	simm.s32 @p1 $0x1  }
0x15: {  	[smem:$0x3FA5] =	sst s0;
	s0 =	simm.s32 @!p2 $0x0  }
0x16: {  	s3 =	sld [smem:$0x3FDB];
	s0 =	simm.s32 @p2 $0x1  }
0x17: {  	s4 =	simm.s32 $0x1BF5;
	[smem:$0x3FA7] =	sst s0  }
0x18: {  	s0 =	sld [smem:$0x3F8A];
	_ =	swait.ge [sflag:s4], $0x0  }
0x19: {  	s7 =	sld [smem:$0x3F8B]  }
0x1a: {  	s8 =	sadd.s32 $0xFFFFE003, lr  }
0x1b: {  	s9 =	sadd.s32 $0xFFFFFEF7, lr;
	s5 =	simm.s32 $0xFFFFFFFF;
	p2 =	slt.u32 s8, $0xFFFFF086  }
0x1c: {  	p1 =	slt.u32 s9, $0xF7A;
	s5 =	simm.s32 @!p2 $0x0  }
0x1d: {  	s5 =	simm.s32 @p1 $0x1;
	p0 =	seq.s32 s7, s2  }
0x1e: {  	s7 =	smul.u32 @!p0 $0xF7A, s2;
	p2 =	seq.s32 @!p0 s5, $0x0  }
0x1f: {  	s9 =	smul.u32 $0xF7A, s1;
	s8 =	simm.s32 @!p0 $0x1BF5;
	p2 =	por !p2, p0  }
0x20: {  	[sflag:s8] =	ssyncset.s32 @!p0 $0xFFFFF086;
	s6 =	sadd.s32 @!p0 s3, s7;
	s7 =	simm.s32 @!p0 $0x108  }
0x21: {  	s3 =	sadd.s32 s3, s9;
	s6 =	sadd.s32 @!p0 $0x88, s6;
	s7 =	simm.s32 @p2 $0x1082  }
0x22: {  	[simem:s7], [sflag:s8] =	dma.local @!p0 [hbm:s6], $0xF7A  }
0x23: {  	s9 =	sor.u32 $0xD0000000, s2;
	s6 =	simm.s32 $0x108;
	_ =	swait.ge @!p0 [sflag:s8], $0x0  }
0x24: {  	s3 =	sadd.s32 $0x88, s3;
	s6 =	simm.s32 @!p1 $0x1082;
	[sflag:s4] =	ssyncset.s32 $0xFFFFF086  }
0x25: {  	[simem:s6], [sflag:s4] =	dma.local [hbm:s3], $0xF7A  }
0x26: {  	[smem:$0x3F8B] =	sst s1;
	(tag) =	ssettag s2;
	_ =	strace s9  }
0x27: {  	s1 =	sld [smem:$0x3F9B]  }
0x28: {  	s2 =	sld [smem:$0x3F9C]  }
0x29: {  	s4 =	sld [smem:$0x3F9E]  }
0x2a: {  	p0 =	seq.s32 s5, $0x0;
	s5 =	sld [smem:$0x3F9F]  }
0x2b: {  	s6 =	sld [smem:$0x3FA0]  }
0x2c: {  	s7 =	sld [smem:$0x3FA1]  }
0x2d: {  	s3 =	simm.s32 $0x108;
	s8 =	sld [smem:$0x3FA2]  }
0x2e: {  	s3 =	simm.s32 @!p0 $0x1082;
	s9 =	sld [smem:$0x3FA3]  }
0x2f: {  	lr =	sadd.s32 s0, s3;
	s0 =	sld [smem:$0x3F9A]  }
0x30: {  	s3 =	sld [smem:$0x3F9D]  }
0x31: {  	[smem:$0x3FA6] =	sst s10  }
0x32: {  	s10 =	sld [smem:$0x3FA4];
	_ =	sdelay $0x3  }
0x33: {  	p0 =	seq.s32 s10, $0x1;
	s10 =	sld [smem:$0x3FA6];
	_ =	sdelay $0x3  }
0x34: {  	[smem:$0x3FA6] =	sst s10  }
0x35: {  	s10 =	sld [smem:$0x3FA5];
	_ =	sdelay $0x3  }
0x36: {  	p1 =	seq.s32 s10, $0x1;
	s10 =	sld [smem:$0x3FA6];
	_ =	sdelay $0x3  }
0x37: {  	[smem:$0x3FA6] =	sst s10  }
0x38: {  	s10 =	sld [smem:$0x3FA7]  }
0x39: {  	_ = 	snop;
	(pc) =	sbr.ind lr, $3  }
0x3a: {  	_ = 	snop  }
0x3b: {  	_ = 	snop  }
0x3c: {  	p2 =	seq.s32 s10, $0x1;
	s10 =	sld [smem:$0x3FA6]  }
0x3d: {  	_ =	shalt  }
0x3e: {  	_ =	shalt  }
0x3f: {  	_ =	shalt  }
0x40: {  	_ =	shalt  }
0x41: {  	_ =	shalt  }
0x42: {  	_ =	shalt  }
0x43: {  	_ =	shalt  }
0x44: {  	_ =	shalt  }
0x45: {  	_ =	shalt  }
0x46: {  	_ =	shalt  }
0x47: {  	_ =	shalt  }
0x48: {  	_ =	shalt  }
0x49: {  	_ =	shalt  }
0x4a: {  	_ =	shalt  }
0x4b: {  	_ =	shalt  }
0x4c: {  	_ =	shalt  }
0x4d: {  	_ =	shalt  }
0x4e: {  	_ =	shalt  }
0x4f: {  	_ =	shalt  }
0x50: {  	_ =	shalt  }
0x51: {  	_ =	shalt  }
0x52: {  	_ =	shalt  }
0x53: {  	_ =	shalt  }
0x54: {  	_ =	shalt  }
0x55: {  	_ =	shalt  }
0x56: {  	_ =	shalt  }
0x57: {  	_ =	shalt  }
0x58: {  	_ =	shalt  }
0x59: {  	_ =	shalt  }
0x5a: {  	_ =	shalt  }
0x5b: {  	_ =	shalt  }
0x5c: {  	_ =	shalt  }
0x5d: {  	_ =	shalt  }
0x5e: {  	_ =	shalt  }
0x5f: {  	_ =	shalt  }
0x60: {  	_ =	shalt  }
0x61: {  	_ =	shalt  }
0x62: {  	_ =	shalt  }
0x63: {  	_ =	shalt  }
0x64: {  	_ =	shalt  }
0x65: {  	_ =	shalt  }
0x66: {  	_ =	shalt  }
0x67: {  	_ =	shalt  }
0x68: {  	_ =	shalt  }
0x69: {  	_ =	shalt  }
0x6a: {  	_ =	shalt  }
0x6b: {  	_ =	shalt  }
0x6c: {  	_ =	shalt  }
0x6d: {  	_ =	shalt  }
0x6e: {  	_ =	shalt  }
0x6f: {  	_ =	shalt  }
0x70: {  	_ =	shalt  }
0x71: {  	_ =	shalt  }
0x72: {  	_ =	shalt  }
0x73: {  	_ =	shalt  }
0x74: {  	_ =	shalt  }
0x75: {  	_ =	shalt  }
0x76: {  	_ =	shalt  }
0x77: {  	_ =	shalt  }
0x78: {  	_ =	shalt  }
0x79: {  	_ =	shalt  }
0x7a: {  	_ =	shalt  }
0x7b: {  	_ =	shalt  }
0x7c: {  	_ =	shalt  }
0x7d: {  	_ =	shalt  }
0x7e: {  	_ =	shalt  }
0x7f: {  	_ =	shalt  }
0x80: {  	_ =	shalt  }
0x81: {  	_ =	shalt  }
0x82: {  	_ =	shalt  }
0x83: {  	_ =	shalt  }
0x84: {  	_ =	shalt  }
0x85: {  	_ =	shalt  }
0x86: {  	_ =	shalt  }
0x87: {  	_ =	shalt  }
.Lfunc_end0:
.L_simem_size_0:
called_computation.1_lowered:
.L_overlay_start_0:
0x88: {  	s2 =	sld [smem:$0x3FD9]  }
0x89: {  	s3 =	sld [smem:$0x3FFE];
	_ =	sdelay $0x1  }
0x8a: {  	s1 =	srdreg.scid  }
0x8b: {  	s0 =	sand.u32 $0x1, s1  }
0x8c: {  	s16 =	sshll.u32 s0, $0xA;
	s2 =	sadd.s32 s3, s2  }
0x8d: {  	s2 =	sadd.s32 s2, s16  }
0x8e: {  	[smem:$0x3FB2] =	sst s2  }
0x8f: {  	_ = 	snop  }
0x90: {  	s17 =	sld [smem:$0x3FD0];
	_ =	sdelay $0x2  }
0x91: {  	s5 =	simm.s32 $0xB;
	s4 =	simm.s32 $0x10;
	s2 =	sld [smem:$0x3FB4]  }
0x92: {  	[smem:s4], [sflag:s5] =	dma.local [hbm:s17], $0x1  }
0x93: {  	_ =	swait.eq [sflag:s5], $0x1  }
0x94: {  	[sflag:s5] =	ssyncset.done $0x0  }
0x95: {  	s18 =	sld [smem:$0x11];
	[sflag:s5] =	ssyncadd.s32 $0xFFFFFFFF  }
0x96: {  	s19 =	sld [smem:$0x14];
	(tm) =	ssettm $0x1  }
0x97: {  	s20 =	sld [smem:$0x3FFB];
	_ =	sdelay $0x3  }
0x98: {  	_ =	strace s20  }
0x99: {  	s3 =	sld [smem:$0x3FFC];
	_ =	sdelay $0x3  }
0x9a: {  	_ =	strace s3  }
0x9b: {  	s3 =	sld [smem:$0x3FFD];
	_ =	sdelay $0x3  }
0x9c: {  	_ =	strace s3  }
0x9d: {  	_ =	strace $0x8FFFFFFF  }
0x9e: {  	s21 =	sld [smem:$0x3FDB];
	_ =	sdelay $0x1  }
0x9f: {  	s6 =	simm.s32 $_scs_section_size  }
0xa0: {  	s7 =	simm.s32 $_size__tile_overlayer_lowered;
	s8 =	simm.s32 $_tile_overlayer_lowered  }
0xa1: {  	s9 =	simm.s32 $0x1BFF;
	s22 =	sshll.u32 s8, $0x1;
	s6 =	sadd.s32 s6, s21  }
0xa2: {  	s23 =	simm.s32 $0x0;
	s7 =	sshll.u32 s7, $0x1;
	s8 =	sadd.s32 s22, s6  }
0xa3: {  	[timem:s23], [sflag:s9] =	dma.local [hbm:s8], s7  }
0xa4: {  	_ =	swait.ge [sflag:s9], s7  }
0xa5: {  	s7 =	ssub.s32 $0x0, s7;
	[sflag:s9] =	ssyncset.done $0x0  }
0xa6: {  	[sflag:s9] =	ssyncadd.s32 s7;
	_ =	sdelay $0x1  }
0xa7: {  	s24 =	simm.s32 $0x1B8B  }
0xa8: {  	_ =	swait.ge [sflag:s24], $0x1  }
0xa9: {  	[sflag:s24] =	ssyncset.done $0x0  }
0xaa: {  	[sflag:s24] =	ssyncadd.s32 $0xFFFFFFFF  }
0xab: {  	s7 =	sld [smem:$0x0]  }
0xac: {  	s8 =	sand.u32 $0xFFFFFFFE, s1  }
0xad: {  	p0 =	sne.s32 s1, s8  }
0xae: {  	s8 =	sshll.u32 @p0 s8, $0xE  }
0xaf: {  	s8 =	sadd.s32 @p0 $0x11B8D, s8;
	s9 =	sshll.u32 @p0 s7, $0x11  }
0xb0: {  	s8 =	sor.u32 @p0 s9, s8  }
0xb1: {  	[sflag:s8] =	ssyncadd.remote.s32 @p0 $0x1;
	_ =	sdelay $0x1  }
0xb2: {  	s8 =	simm.s32 @p0 $0x1B8D  }
0xb3: {  	_ =	swait.eq @p0 [sflag:s8], $0x1  }
0xb4: {  	[sflag:s8] =	ssyncadd.s32 @p0 $0xFFFFFFFF  }
0xb5: {  	s9 =	sshll.u32 @!p0 s1, $0xE  }
0xb6: {  	s9 =	sor.u32 @!p0 $0x4000, s9;
	s8 =	simm.s32 @!p0 $0x1B8D  }
0xb7: {  	s7 =	sshll.u32 @!p0 s7, $0x11;
	s9 =	sadd.s32 @!p0 $0x11B8D, s9;
	_ =	swait.eq @!p0 [sflag:s8], $0x1  }
0xb8: {  	s7 =	sor.u32 @!p0 s7, s9;
	[sflag:s8] =	ssyncadd.s32 @!p0 $0xFFFFFFFF  }
0xb9: {  	s25 =	simm.s32 $0x1B8E;
	[sflag:s7] =	ssyncadd.remote.s32 @!p0 $0x1  }
0xba: {  	s26 =	simm.s32 $execute0_lowered;
	[smem:$0x3FD2] =	sst s25  }
0xbb: {  	s7 =	sshll.u32 s26, $0x1;
	_ =	strace $0x80000049;
	[dreg:$0x1] =	wrdreg $0xFFFFFFFF  }
0xbc: {  	s28 =	simm.s32 $_size_execute0_lowered;
	s6 =	sadd.s32 s6, s7;
	[dreg:$0x0] =	wrdreg $0x0  }
0xbd: {  	s7 =	sshll.u32 s28, $0x1;
	[dreg:$0x2] =	wrdreg s6  }
0xbe: {  	[dreg:$0x3] =	wrdreg s7  }
0xbf: {  	[dreg:$0x4] =	wrdreg $0xC0  }
0xc0: {  	_ =	task [dreg:s23], $0x5FFFF  }
0xc1: {  	[dreg:$0x1] =	wrdreg $0xFFFFFFFF  }
0xc2: {  	[dreg:$0x0] =	wrdreg $0x60  }
0xc3: {  	[dreg:$0x2] =	wrdreg s2  }
0xc4: {  	[dreg:$0x3] =	wrdreg s19  }
0xc5: {  	[dreg:$0x4] =	wrdreg s18  }
0xc6: {  	[dreg:$0x5] =	wrdreg $0xA  }
0xc7: {  	_ =	task.clear_ibuf [dreg:s23], $0x6FFFF;
	_ =	strace $0x90000049  }
0xc8: {  	s29 =	simm.s32 $0xA;
	_ =	strace $0x8000004B  }
0xc9: {  	_ =	swait.ge [sflag:s29], $0x1  }
0xca: {  	[sflag:s29] =	ssyncadd.s32 $0xFFFFFFFF  }
0xcb: {  	_ =	strace $0x9000004B  }
0xcc: {  	_ =	sfence  }
0xcd: {  	s30 =	sld [smem:$0x0];
	_ =	sdelay $0x2  }
0xce: {  	s31 =	sshll.u32 s1, $0xD;
	s1 =	sshrl.u32 s1, $0x2  }
0xcf: {  	s4 =	sand.u32 $0x4000, s31;
	s1 =	sadd.s32 s1, s30  }
0xd0: {  	s0 =	sor.u32 s4, s0;
	s1 =	sshll.u32 s1, $0x11  }
0xd1: {  	s0 =	sor.u32 s1, s0  }
0xd2: {  	s0 =	sadd.s32 $0x8F2B, s0  }
0xd3: {  	[sflag:s0] =	ssyncadd.remote.s32 $0x1  }
0xd4: {  	_ =	sfence.sel $0xFFFF  }
0xd5: {  	[dreg:$0x0] =	wrdreg $0xFFFFFFFF;
	(pc) =	sbr.abs _section_cstart, $3  }
0xd6: {  	[dreg:$0x1] =	wrdreg $0xFFFFFFFF  }
0xd7: {  	_ =	task.clear_ibuf [dreg:s23], $0x2FFFF;
	_ =	strace $0x9FFFFFFF  }
0xd8: {  	(tm) =	ssettm $0x7FFFFFFF  }
0xd9: {  	_ =	shalt  }
tec
execute0_lowered:
.L_overlay_start_1:
0x0: {  	(tag) =	ssettag $0x1  }
0x1: {  	s3 =	rddreg [dreg:$0x0]  }
0x2: {  	s4 =	rddreg [dreg:$0x1]  }
0x3: {  	s5 =	rddreg [dreg:$0x2];
	s1 =	srdreg.scid  }
0x4: {  	s0 =	rddreg [dreg:$0x3];
	s2 =	simm.s32 $0x0;
	s11 =	simm.s32 $0x0  }
0x5: {  	s6 =	sand.u32 $0x1, s1;
	[smem:$0x7FF] =	sst s2;
	s1 =	stileid.u32  }
0x6: {  	s7 =	ssub.s32 $0x2, s6;
	_ =	strace $0x8000004A;
	s9 =	sshll.u32 s1, $0x1  }
0x7: {  	s30 =	sshrl.u32 s1, $0x2;
	s8 =	sshrl.u32 s7, $0x1;
	s9 =	sand.u32 $0x6, s9  }
0x8: {  	s31 =	sshll.u32 s30, $0xE;
	s7 =	ssub.s32 s7, s8;
	s6 =	sor.u32 s6, s9  }
0x9: {  	s8 =	sshll.u32 s30, $0xB;
	s5 =	sadd.s32 s5, s31;
	s9 =	simm.s32 $0x10000  }
0xa: {  	s10 =	sshll.u32 s6, $0xA;
	s6 =	sshll.u32 s6, $0x7;
	s3 =	sadd.s32 s3, s8  }
0xb: {  	s8 =	simm.s32 $0x2000;
	s4 =	sadd.s32 s4, s6;
	s5 =	sadd.s32 s10, s5  }
0xc: {  	s6 =	smax.u32 s7, $0x1;
	s7 =	simm.s32 $0x1;
	s10 =	simm.s32 $0x4400  }
.LBB2_1:
0xd: {  	[tilespmem:s2], [sflag:$0x1] =	stream.linear.gather [hbm4b:s3+s2], $0x4000, $0x38;
	[tilespmem:$0x8400] =	vst v63  }
0xe: {  	_ =	swait.ge [sflag:s7], $0x4000  }
0xf: {  	[sflag:s7] =	ssyncset.done $0x0  }
0x10: {  	s12 =	simm.s32 $0x4000;
	[sflag:s7] =	ssyncadd.s32 $0xFFFFC000  }
0x11: {  	[tilespmem:s12], [sflag:$0x1] =	stream.linear.gather [hbm4b:s4+s2], $0x400, $0x38;
	[tilespmem:$0x8400] =	vst v63  }
0x12: {  	_ =	swait.ge [sflag:s7], $0x400  }
0x13: {  	s13 =	simm.s32 $0xFFFFFFFC;
	p0 =	por $0x0, $0x0;
	[sflag:s7] =	ssyncset.done $0x0  }
0x14: {  	s14 =	simm.s32 $0x0;
	s15 =	simm.s32 $0x0;
	[sflag:s7] =	ssyncadd.s32 $0xFFFFFC00  }
.LBB2_2:
0x15: {  	v0 =	vld [tilespmem:s12+$0x0];
	_ =	sdelay $0x4  }
0x16: {  	v1 =	vshll.u32 v0, $0x3  }
0x17: {  	v0 =	vand.u32 $0x7F, v0;
	v1 =	vand.u32 $0xFFFFFC00, v1  }
0x18: {  	v0 =	vor.u32 v0, v1;
	_ =	sdelay $0x4  }
0x19: {  	v1 =	vld.idx.msk [tilespmem:v0+s2+$0x0], $0xffff  }
0x1a: {  	v2 =	vor.u32 $0x80, v0  }
0x1b: {  	s26 =	sand.u32 $0x1C00, s15  }
0x1c: {  	s22 =	sand.u32 $0x40, s14;
	s16 =	sadd.s32 $0x4400, s26  }
0x1d: {  	s17 =	sor.u32 s22, s16  }
0x1e: {  	[tilespmem:s17+$0x0] =	vst v1  }
0x1f: {  	v1 =	vld.idx.msk [tilespmem:v2+s2+$0x0], $0xffff  }
0x20: {  	v6 =	vor.u32 $0x100, v0;
	_ =	sdelay $0x3  }
0x21: {  	[tilespmem:s17+$0x80] =	vst v1  }
0x22: {  	v1 =	vld.idx.msk [tilespmem:v6+s2+$0x0], $0xffff  }
0x23: {  	v7 =	vor.u32 $0x180, v0;
	_ =	sdelay $0x3  }
0x24: {  	[tilespmem:s17+$0x100] =	vst v1  }
0x25: {  	v1 =	vld.idx.msk [tilespmem:v7+s2+$0x0], $0xffff  }
0x26: {  	v8 =	vor.u32 $0x200, v0;
	_ =	sdelay $0x3  }
0x27: {  	[tilespmem:s17+$0x180] =	vst v1  }
0x28: {  	s17 =	simm.s32 $0x1;
	v1 =	vld.idx.msk [tilespmem:v8+s2+$0x0], $0xffff  }
0x29: {  	v9 =	vor.u32 $0x280, v0;
	s17 =	simm.s32 @!p0 $0x0  }
0x2a: {  	s17 =	sshll.u32 s17, $0x6  }
0x2b: {  	s17 =	sadd.s32 s17, s15  }
0x2c: {  	s18 =	sor.u32 $0x200, s17  }
0x2d: {  	[tilespmem:s18+$0x4400] =	vst v1  }
0x2e: {  	v1 =	vld.idx.msk [tilespmem:v9+s2+$0x0], $0xffff  }
0x2f: {  	v10 =	vor.u32 $0x300, v0;
	_ =	sdelay $0x2  }
0x30: {  	s28 =	sor.u32 $0x280, s17  }
0x31: {  	[tilespmem:s28+$0x4400] =	vst v1  }
0x32: {  	v1 =	vld.idx.msk [tilespmem:v10+s2+$0x0], $0xffff  }
0x33: {  	v11 =	vor.u32 $0x380, v0;
	_ =	sdelay $0x2  }
0x34: {  	s29 =	sor.u32 $0x300, s17  }
0x35: {  	[tilespmem:s29+$0x4400] =	vst v1  }
0x36: {  	v1 =	vld.idx.msk [tilespmem:v11+s2+$0x0], $0xffff  }
0x37: {  	v12 =	vadd.s32 $0x2000, v0;
	_ =	sdelay $0x1  }
0x38: {  	s30 =	sor.u32 s15, s14  }
0x39: {  	s18 =	sor.u32 $0x380, s30  }
0x3a: {  	[tilespmem:s18+$0x4400] =	vst v1  }
0x3b: {  	v1 =	vld.idx.msk [tilespmem:v12+s2+$0x0], $0xffff  }
0x3c: {  	v13 =	vadd.s32 $0x2080, v0;
	_ =	sdelay $0x1  }
0x3d: {  	s18 =	sadd.s32 $0x6400, s26  }
0x3e: {  	s19 =	sor.u32 s22, s18  }
0x3f: {  	[tilespmem:s19+$0x0] =	vst v1  }
0x40: {  	v1 =	vld.idx.msk [tilespmem:v13+s2+$0x0], $0xffff  }
0x41: {  	v14 =	vadd.s32 $0x2100, v0;
	_ =	sdelay $0x1  }
0x42: {  	s19 =	sadd.s32 $0x6480, s26  }
0x43: {  	s20 =	sor.u32 s22, s19  }
0x44: {  	[tilespmem:s20+$0x0] =	vst v1  }
0x45: {  	v1 =	vld.idx.msk [tilespmem:v14+s2+$0x0], $0xffff  }
0x46: {  	v15 =	vadd.s32 $0x2180, v0;
	_ =	sdelay $0x1  }
0x47: {  	s20 =	sadd.s32 $0x6500, s26  }
0x48: {  	s21 =	sor.u32 s22, s20  }
0x49: {  	[tilespmem:s21+$0x0] =	vst v1  }
0x4a: {  	v1 =	vld.idx.msk [tilespmem:v15+s2+$0x0], $0xffff  }
0x4b: {  	v16 =	vadd.s32 $0x2200, v0;
	_ =	sdelay $0x1  }
0x4c: {  	s21 =	sadd.s32 $0x6580, s26  }
0x4d: {  	s23 =	sor.u32 s22, s21  }
0x4e: {  	[tilespmem:s23+$0x0] =	vst v1  }
0x4f: {  	v1 =	vld.idx.msk [tilespmem:v16+s2+$0x0], $0xffff  }
0x50: {  	v17 =	vadd.s32 $0x2280, v0;
	_ =	sdelay $0x1  }
0x51: {  	s23 =	sadd.s32 $0x6600, s26  }
0x52: {  	s24 =	sor.u32 s22, s23  }
0x53: {  	[tilespmem:s24+$0x0] =	vst v1  }
0x54: {  	v1 =	vld.idx.msk [tilespmem:v17+s2+$0x0], $0xffff  }
0x55: {  	v18 =	vadd.s32 $0x2300, v0;
	_ =	sdelay $0x1  }
0x56: {  	s24 =	sadd.s32 $0x6680, s26  }
0x57: {  	s25 =	sor.u32 s22, s24  }
0x58: {  	[tilespmem:s25+$0x0] =	vst v1  }
0x59: {  	v1 =	vld.idx.msk [tilespmem:v18+s2+$0x0], $0xffff  }
0x5a: {  	v0 =	vadd.s32 $0x2380, v0;
	_ =	sdelay $0x1  }
0x5b: {  	s25 =	sadd.s32 $0x6700, s26  }
0x5c: {  	s28 =	sor.u32 s22, s25  }
0x5d: {  	[tilespmem:s28+$0x0] =	vst v1  }
0x5e: {  	v0 =	vld.idx.msk [tilespmem:v0+s2+$0x0], $0xffff;
	_ =	sdelay $0x2  }
0x5f: {  	s31 =	sand.u32 $0x380, s14;
	s26 =	sadd.s32 $0x6780, s26  }
0x60: {  	s29 =	sor.u32 $0x10, s22;
	s30 =	sor.u32 s22, s26;
	s28 =	sor.u32 $0x4000, s31  }
0x61: {  	s31 =	sor.u32 s29, s28;
	[tilespmem:s30+$0x0] =	vst v0  }
0x62: {  	v0 =	vld [tilespmem:s31+$0x0];
	_ =	sdelay $0x4  }
0x63: {  	v19 =	vshll.u32 v0, $0x3  }
0x64: {  	v0 =	vand.u32 $0x7F, v0;
	v1 =	vand.u32 $0xFFFFFC00, v19  }
0x65: {  	v0 =	vor.u32 v0, v1;
	_ =	sdelay $0x4  }
0x66: {  	v1 =	vld.idx.msk [tilespmem:v0+s2+$0x0], $0xffff  }
0x67: {  	v20 =	vor.u32 $0x80, v0;
	_ =	sdelay $0x2  }
0x68: {  	s31 =	sor.u32 s29, s16  }
0x69: {  	[tilespmem:s31+$0x0] =	vst v1  }
0x6a: {  	v1 =	vld.idx.msk [tilespmem:v20+s2+$0x0], $0xffff  }
0x6b: {  	v21 =	vor.u32 $0x100, v0;
	_ =	sdelay $0x3  }
0x6c: {  	[tilespmem:s31+$0x80] =	vst v1  }
0x6d: {  	v1 =	vld.idx.msk [tilespmem:v21+s2+$0x0], $0xffff  }
0x6e: {  	v22 =	vor.u32 $0x180, v0;
	_ =	sdelay $0x3  }
0x6f: {  	[tilespmem:s31+$0x100] =	vst v1  }
0x70: {  	v1 =	vld.idx.msk [tilespmem:v22+s2+$0x0], $0xffff  }
0x71: {  	v23 =	vor.u32 $0x200, v0;
	_ =	sdelay $0x3  }
0x72: {  	[tilespmem:s31+$0x180] =	vst v1  }
0x73: {  	v1 =	vld.idx.msk [tilespmem:v23+s2+$0x0], $0xffff  }
0x74: {  	v24 =	vor.u32 $0x280, v0;
	_ =	sdelay $0x1  }
0x75: {  	s30 =	sadd.s32 $0x10, s17  }
0x76: {  	s31 =	sor.u32 $0x200, s30  }
0x77: {  	[tilespmem:s31+$0x4400] =	vst v1  }
0x78: {  	v1 =	vld.idx.msk [tilespmem:v24+s2+$0x0], $0xffff  }
0x79: {  	v25 =	vor.u32 $0x300, v0;
	_ =	sdelay $0x2  }
0x7a: {  	s31 =	sor.u32 $0x280, s30  }
0x7b: {  	[tilespmem:s31+$0x4400] =	vst v1  }
0x7c: {  	v1 =	vld.idx.msk [tilespmem:v25+s2+$0x0], $0xffff  }
0x7d: {  	v26 =	vor.u32 $0x380, v0;
	_ =	sdelay $0x2  }
0x7e: {  	s31 =	sor.u32 $0x300, s30  }
0x7f: {  	[tilespmem:s31+$0x4400] =	vst v1  }
0x80: {  	v1 =	vld.idx.msk [tilespmem:v26+s2+$0x0], $0xffff  }
0x81: {  	v27 =	vadd.s32 $0x2000, v0;
	_ =	sdelay $0x2  }
0x82: {  	s30 =	sor.u32 $0x380, s30  }
0x83: {  	[tilespmem:s30+$0x4400] =	vst v1  }
0x84: {  	v1 =	vld.idx.msk [tilespmem:v27+s2+$0x0], $0xffff  }
0x85: {  	v28 =	vadd.s32 $0x2080, v0;
	_ =	sdelay $0x2  }
0x86: {  	s31 =	sor.u32 s29, s18  }
0x87: {  	[tilespmem:s31+$0x0] =	vst v1  }
0x88: {  	v1 =	vld.idx.msk [tilespmem:v28+s2+$0x0], $0xffff  }
0x89: {  	v29 =	vadd.s32 $0x2100, v0;
	_ =	sdelay $0x2  }
0x8a: {  	s31 =	sor.u32 s29, s19  }
0x8b: {  	[tilespmem:s31+$0x0] =	vst v1  }
0x8c: {  	v1 =	vld.idx.msk [tilespmem:v29+s2+$0x0], $0xffff  }
0x8d: {  	v30 =	vadd.s32 $0x2180, v0;
	_ =	sdelay $0x2  }
0x8e: {  	s31 =	sor.u32 s29, s20  }
0x8f: {  	[tilespmem:s31+$0x0] =	vst v1  }
0x90: {  	v1 =	vld.idx.msk [tilespmem:v30+s2+$0x0], $0xffff  }
0x91: {  	v31 =	vadd.s32 $0x2200, v0;
	_ =	sdelay $0x2  }
0x92: {  	s31 =	sor.u32 s29, s21  }
0x93: {  	[tilespmem:s31+$0x0] =	vst v1  }
0x94: {  	v1 =	vld.idx.msk [tilespmem:v31+s2+$0x0], $0xffff  }
0x95: {  	v32 =	vadd.s32 $0x2280, v0;
	_ =	sdelay $0x2  }
0x96: {  	s31 =	sor.u32 s29, s23  }
0x97: {  	[tilespmem:s31+$0x0] =	vst v1  }
0x98: {  	v1 =	vld.idx.msk [tilespmem:v32+s2+$0x0], $0xffff  }
0x99: {  	v33 =	vadd.s32 $0x2300, v0;
	_ =	sdelay $0x2  }
0x9a: {  	s31 =	sor.u32 s29, s24  }
0x9b: {  	[tilespmem:s31+$0x0] =	vst v1  }
0x9c: {  	v1 =	vld.idx.msk [tilespmem:v33+s2+$0x0], $0xffff  }
0x9d: {  	v0 =	vadd.s32 $0x2380, v0;
	_ =	sdelay $0x2  }
0x9e: {  	s31 =	sor.u32 s29, s25  }
0x9f: {  	[tilespmem:s31+$0x0] =	vst v1  }
0xa0: {  	v0 =	vld.idx.msk [tilespmem:v0+s2+$0x0], $0xffff;
	_ =	sdelay $0x3  }
0xa1: {  	s31 =	sor.u32 s29, s26;
	s29 =	sor.u32 $0x20, s22  }
0xa2: {  	[tilespmem:s31+$0x0] =	vst v0;
	s31 =	sor.u32 s29, s28  }
0xa3: {  	v0 =	vld [tilespmem:s31+$0x0];
	_ =	sdelay $0x4  }
0xa4: {  	v34 =	vshll.u32 v0, $0x3  }
0xa5: {  	v0 =	vand.u32 $0x7F, v0;
	v1 =	vand.u32 $0xFFFFFC00, v34  }
0xa6: {  	v0 =	vor.u32 v0, v1;
	_ =	sdelay $0x4  }
0xa7: {  	v1 =	vld.idx.msk [tilespmem:v0+s2+$0x0], $0xffff  }
0xa8: {  	v35 =	vor.u32 $0x80, v0;
	_ =	sdelay $0x2  }
0xa9: {  	s31 =	sor.u32 s29, s16  }
0xaa: {  	[tilespmem:s31+$0x0] =	vst v1  }
0xab: {  	v1 =	vld.idx.msk [tilespmem:v35+s2+$0x0], $0xffff  }
0xac: {  	v36 =	vor.u32 $0x100, v0;
	_ =	sdelay $0x3  }
0xad: {  	[tilespmem:s31+$0x80] =	vst v1  }
0xae: {  	v1 =	vld.idx.msk [tilespmem:v36+s2+$0x0], $0xffff  }
0xaf: {  	v37 =	vor.u32 $0x180, v0;
	_ =	sdelay $0x3  }
0xb0: {  	[tilespmem:s31+$0x100] =	vst v1  }
0xb1: {  	v1 =	vld.idx.msk [tilespmem:v37+s2+$0x0], $0xffff  }
0xb2: {  	v38 =	vor.u32 $0x200, v0;
	_ =	sdelay $0x3  }
0xb3: {  	[tilespmem:s31+$0x180] =	vst v1  }
0xb4: {  	v1 =	vld.idx.msk [tilespmem:v38+s2+$0x0], $0xffff  }
0xb5: {  	v39 =	vor.u32 $0x280, v0;
	_ =	sdelay $0x1  }
0xb6: {  	s30 =	sadd.s32 $0x20, s17  }
0xb7: {  	s31 =	sor.u32 $0x200, s30  }
0xb8: {  	[tilespmem:s31+$0x4400] =	vst v1  }
0xb9: {  	v1 =	vld.idx.msk [tilespmem:v39+s2+$0x0], $0xffff  }
0xba: {  	v40 =	vor.u32 $0x300, v0;
	_ =	sdelay $0x2  }
0xbb: {  	s31 =	sor.u32 $0x280, s30  }
0xbc: {  	[tilespmem:s31+$0x4400] =	vst v1  }
0xbd: {  	v1 =	vld.idx.msk [tilespmem:v40+s2+$0x0], $0xffff  }
0xbe: {  	v41 =	vor.u32 $0x380, v0;
	_ =	sdelay $0x2  }
0xbf: {  	s31 =	sor.u32 $0x300, s30  }
0xc0: {  	[tilespmem:s31+$0x4400] =	vst v1  }
0xc1: {  	v1 =	vld.idx.msk [tilespmem:v41+s2+$0x0], $0xffff  }
0xc2: {  	v42 =	vadd.s32 $0x2000, v0;
	_ =	sdelay $0x2  }
0xc3: {  	s30 =	sor.u32 $0x380, s30  }
0xc4: {  	[tilespmem:s30+$0x4400] =	vst v1  }
0xc5: {  	v1 =	vld.idx.msk [tilespmem:v42+s2+$0x0], $0xffff  }
0xc6: {  	v43 =	vadd.s32 $0x2080, v0;
	_ =	sdelay $0x2  }
0xc7: {  	s31 =	sor.u32 s29, s18  }
0xc8: {  	[tilespmem:s31+$0x0] =	vst v1  }
0xc9: {  	v1 =	vld.idx.msk [tilespmem:v43+s2+$0x0], $0xffff  }
0xca: {  	v44 =	vadd.s32 $0x2100, v0;
	_ =	sdelay $0x2  }
0xcb: {  	s31 =	sor.u32 s29, s19  }
0xcc: {  	[tilespmem:s31+$0x0] =	vst v1  }
0xcd: {  	v1 =	vld.idx.msk [tilespmem:v44+s2+$0x0], $0xffff  }
0xce: {  	v45 =	vadd.s32 $0x2180, v0;
	_ =	sdelay $0x2  }
0xcf: {  	s31 =	sor.u32 s29, s20  }
0xd0: {  	[tilespmem:s31+$0x0] =	vst v1  }
0xd1: {  	v1 =	vld.idx.msk [tilespmem:v45+s2+$0x0], $0xffff  }
0xd2: {  	v46 =	vadd.s32 $0x2200, v0;
	_ =	sdelay $0x2  }
0xd3: {  	s31 =	sor.u32 s29, s21  }
0xd4: {  	[tilespmem:s31+$0x0] =	vst v1  }
0xd5: {  	v1 =	vld.idx.msk [tilespmem:v46+s2+$0x0], $0xffff  }
0xd6: {  	v47 =	vadd.s32 $0x2280, v0;
	_ =	sdelay $0x2  }
0xd7: {  	s31 =	sor.u32 s29, s23  }
0xd8: {  	[tilespmem:s31+$0x0] =	vst v1  }
0xd9: {  	v1 =	vld.idx.msk [tilespmem:v47+s2+$0x0], $0xffff  }
0xda: {  	v48 =	vadd.s32 $0x2300, v0;
	_ =	sdelay $0x2  }
0xdb: {  	s31 =	sor.u32 s29, s24  }
0xdc: {  	[tilespmem:s31+$0x0] =	vst v1  }
0xdd: {  	v1 =	vld.idx.msk [tilespmem:v48+s2+$0x0], $0xffff  }
0xde: {  	v0 =	vadd.s32 $0x2380, v0;
	_ =	sdelay $0x2  }
0xdf: {  	s31 =	sor.u32 s29, s25  }
0xe0: {  	[tilespmem:s31+$0x0] =	vst v1  }
0xe1: {  	v0 =	vld.idx.msk [tilespmem:v0+s2+$0x0], $0xffff;
	_ =	sdelay $0x3  }
0xe2: {  	s22 =	sor.u32 $0x30, s22;
	s29 =	sor.u32 s29, s26  }
0xe3: {  	s28 =	sor.u32 s22, s28;
	[tilespmem:s29+$0x0] =	vst v0  }
0xe4: {  	v0 =	vld [tilespmem:s28+$0x0];
	_ =	sdelay $0x4  }
0xe5: {  	v49 =	vshll.u32 v0, $0x3  }
0xe6: {  	v0 =	vand.u32 $0x7F, v0;
	v1 =	vand.u32 $0xFFFFFC00, v49  }
0xe7: {  	v0 =	vor.u32 v0, v1;
	_ =	sdelay $0x4  }
0xe8: {  	v1 =	vld.idx.msk [tilespmem:v0+s2+$0x0], $0xffff  }
0xe9: {  	v50 =	vor.u32 $0x80, v0;
	_ =	sdelay $0x2  }
0xea: {  	s16 =	sor.u32 s22, s16  }
0xeb: {  	[tilespmem:s16+$0x0] =	vst v1  }
0xec: {  	v1 =	vld.idx.msk [tilespmem:v50+s2+$0x0], $0xffff  }
0xed: {  	v51 =	vor.u32 $0x100, v0;
	_ =	sdelay $0x3  }
0xee: {  	[tilespmem:s16+$0x80] =	vst v1  }
0xef: {  	v1 =	vld.idx.msk [tilespmem:v51+s2+$0x0], $0xffff  }
0xf0: {  	v52 =	vor.u32 $0x180, v0;
	_ =	sdelay $0x3  }
0xf1: {  	[tilespmem:s16+$0x100] =	vst v1  }
0xf2: {  	v1 =	vld.idx.msk [tilespmem:v52+s2+$0x0], $0xffff  }
0xf3: {  	v53 =	vor.u32 $0x200, v0;
	_ =	sdelay $0x3  }
0xf4: {  	[tilespmem:s16+$0x180] =	vst v1  }
0xf5: {  	v1 =	vld.idx.msk [tilespmem:v53+s2+$0x0], $0xffff  }
0xf6: {  	v54 =	vor.u32 $0x280, v0;
	_ =	sdelay $0x1  }
0xf7: {  	s29 =	sadd.s32 $0x30, s17  }
0xf8: {  	s17 =	sor.u32 $0x200, s29  }
0xf9: {  	[tilespmem:s17+$0x4400] =	vst v1  }
0xfa: {  	v1 =	vld.idx.msk [tilespmem:v54+s2+$0x0], $0xffff  }
0xfb: {  	v55 =	vor.u32 $0x300, v0;
	_ =	sdelay $0x2  }
0xfc: {  	s30 =	sor.u32 $0x280, s29  }
0xfd: {  	[tilespmem:s30+$0x4400] =	vst v1  }
0xfe: {  	v1 =	vld.idx.msk [tilespmem:v55+s2+$0x0], $0xffff  }
0xff: {  	v56 =	vor.u32 $0x380, v0;
	_ =	sdelay $0x2  }
0x100: {  	s31 =	sor.u32 $0x300, s29  }
0x101: {  	[tilespmem:s31+$0x4400] =	vst v1  }
0x102: {  	v1 =	vld.idx.msk [tilespmem:v56+s2+$0x0], $0xffff  }
0x103: {  	v57 =	vadd.s32 $0x2000, v0;
	_ =	sdelay $0x2  }
0x104: {  	s16 =	sor.u32 $0x380, s29  }
0x105: {  	[tilespmem:s16+$0x4400] =	vst v1  }
0x106: {  	v1 =	vld.idx.msk [tilespmem:v57+s2+$0x0], $0xffff  }
0x107: {  	v58 =	vadd.s32 $0x2080, v0;
	_ =	sdelay $0x2  }
0x108: {  	s18 =	sor.u32 s22, s18  }
0x109: {  	[tilespmem:s18+$0x0] =	vst v1  }
0x10a: {  	v1 =	vld.idx.msk [tilespmem:v58+s2+$0x0], $0xffff  }
0x10b: {  	v59 =	vadd.s32 $0x2100, v0;
	_ =	sdelay $0x2  }
0x10c: {  	s19 =	sor.u32 s22, s19  }
0x10d: {  	[tilespmem:s19+$0x0] =	vst v1  }
0x10e: {  	v1 =	vld.idx.msk [tilespmem:v59+s2+$0x0], $0xffff  }
0x10f: {  	v60 =	vadd.s32 $0x2180, v0;
	_ =	sdelay $0x2  }
0x110: {  	s20 =	sor.u32 s22, s20  }
0x111: {  	[tilespmem:s20+$0x0] =	vst v1  }
0x112: {  	v1 =	vld.idx.msk [tilespmem:v60+s2+$0x0], $0xffff  }
0x113: {  	v61 =	vadd.s32 $0x2200, v0;
	_ =	sdelay $0x2  }
0x114: {  	s21 =	sor.u32 s22, s21  }
0x115: {  	[tilespmem:s21+$0x0] =	vst v1  }
0x116: {  	v1 =	vld.idx.msk [tilespmem:v61+s2+$0x0], $0xffff  }
0x117: {  	v62 =	vadd.s32 $0x2280, v0;
	_ =	sdelay $0x2  }
0x118: {  	s28 =	sor.u32 s22, s23  }
0x119: {  	[tilespmem:s28+$0x0] =	vst v1  }
0x11a: {  	v1 =	vld.idx.msk [tilespmem:v62+s2+$0x0], $0xffff  }
0x11b: {  	v63 =	vadd.s32 $0x2300, v0;
	_ =	sdelay $0x2  }
0x11c: {  	s29 =	sor.u32 s22, s24  }
0x11d: {  	[tilespmem:s29+$0x0] =	vst v1  }
0x11e: {  	v1 =	vld.idx.msk [tilespmem:v63+s2+$0x0], $0xffff  }
0x11f: {  	v0 =	vadd.s32 $0x2380, v0;
	_ =	sdelay $0x2  }
0x120: {  	s30 =	sor.u32 s22, s25  }
0x121: {  	s13 =	sadd.s32 $0x4, s13;
	[tilespmem:s30+$0x0] =	vst v1  }
0x122: {  	p1 =	slt.u32 s13, $0x3C;
	v0 =	vld.idx.msk [tilespmem:v0+s2+$0x0], $0xffff  }
.Ltmp0:
0x123: {  	_ = 	snop;
	(pc) =	sbr.rel @p1 .LBB2_2-.Ltmp0, $3  }
0x124: {  	_ =	sdelay $0x1  }
0x125: {  	s14 =	sadd.s32 $0x40, s14;
	s31 =	sor.u32 s22, s26  }
0x126: {  	s12 =	sadd.s32 $0x40, s12;
	p0 =	por !p0, !p0;
	s15 =	sadd.s32 $0x200, s15;
	[tilespmem:s31+$0x0] =	vst v0  }
0x127: {  	s11 =	sadd.s32 $0x1, s11  }
0x128: {  	p0 =	sne.s32 s11, s6  }
.Ltmp1:
0x129: {  	_ = 	snop;
	(pc) =	sbr.rel @p0 .LBB2_1-.Ltmp1, $4  }
0x12a: {  	[hbm4b:s5+s8] =	stream.strided.scatter [tilespmem:s10], [sflag:$0x1], $0x4000, s9, s8, $0x38;
	[tilespmem:$0x8400] =	vst v63  }
0x12b: {  	_ =	swait.ge [sflag:s7], $0x4000  }
0x12c: {  	[sflag:s7] =	ssyncset.done $0x0  }
0x12d: {  	[sflag:s7] =	ssyncadd.s32 $0xFFFFC000  }
0x12e: {  	_ =	sfence.sel $0x180000  }
0x12f: {  	[bflag:$0x0] =	sbarrier.arrive $0xFFFF  }
0x130: {  	p0 =	sne.s32 s1, $0x0;
	_ =	strace $0x9000004A  }
0x131: {  	s0 =	sadd.s32 @!p0 $0x100000, s0;
	[bflag:$0x2] =	sbarrier.arrive $0xFFFF  }
0x132: {  	[sflag:s0] =	ssyncadd.tile.s32 @!p0 $0x1;
	_ =	shalt  }
.Lfunc_end2:
_tile_overlayer_lowered:
.L_overlay_start_2:
0x133: {  	(tag) =	ssettag $0x2  }
0x134: {  	s0 =	rddreg [dreg:$0x0];
	s2 =	stileid.u32  }
0x135: {  	s1 =	rddreg [dreg:$0x1];
	p0 =	sne.s32 s2, $0x0  }
0x136: {  	s3 =	rddreg [dreg:$0x2];
	[bflag:$0x3] =	sbarrier.arrive $0xFFFF;
	s2 =	simm.s32 @!p0 $0x1C01  }
0x137: {  	[timem:s3], [sflag:s2] =	dma.local @!p0 [hbm:s0], s1  }
0x138: {  	s0 =	simm.s32 @!p0 $0x1  }
0x139: {  	_ =	swait.ge @!p0 [sflag:s0], s1  }
0x13a: {  	s1 =	ssub.s32 @!p0 $0x0, s1;
	[sflag:s0] =	ssyncset.done @!p0 $0x0  }
0x13b: {  	[sflag:s0] =	ssyncadd.s32 @!p0 s1  }
0x13c: {  	[bflag:$0x3] =	sbarrier.arrive $0xFFFF  }
0x13d: {  	_ =	shalt  }

// kernel: kernel.7.cloned.1.call-start
scs
__scs_entry_jumppad:
0x0: {  	(pc) =	sbr.rel $0x88, $3  }
0x1: {  	(tag) =	ssettag $0x0;
	lr =	simm.s32 $0x1  }
0x2: {  	[smem:$0x3F8B] =	sst lr;
	_ =	strace $0xD0000000  }
0x3: {  	_ = 	snop  }
0x4: {  	_ = 	snop  }
0x5: {  	_ = 	snop  }
0x6: {  	_ = 	snop  }
0x7: {  	_ = 	snop  }
__scs_overlays_trampoline_lowered:
0x8: {  	[smem:$0x3F9A] =	sst s0  }
0x9: {  	[smem:$0x3F9B] =	sst s1  }
0xa: {  	[smem:$0x3F9C] =	sst s2  }
0xb: {  	[smem:$0x3F9D] =	sst s3  }
0xc: {  	[smem:$0x3F9E] =	sst s4  }
0xd: {  	[smem:$0x3F9F] =	sst s5  }
0xe: {  	[smem:$0x3FA0] =	sst s6  }
0xf: {  	[smem:$0x3FA1] =	sst s7  }
0x10: {  	[smem:$0x3FA2] =	sst s8  }
0x11: {  	[smem:$0x3FA3] =	sst s9;
	s0 =	simm.s32 @!p0 $0x0  }
0x12: {  	s1 =	sld [smem:$0x3F89];
	s0 =	simm.s32 @p0 $0x1  }
0x13: {  	[smem:$0x3FA4] =	sst s0;
	s0 =	simm.s32 @!p1 $0x0  }
0x14: {  	s2 =	sld [smem:$0x3F88];
	s0 =	simm.s32 @p1 $0x1  }
0x15: {  	[smem:$0x3FA5] =	sst s0;
	s0 =	simm.s32 @!p2 $0x0  }
0x16: {  	s3 =	sld [smem:$0x3FDB];
	s0 =	simm.s32 @p2 $0x1  }
0x17: {  	s4 =	simm.s32 $0x1BF5;
	[smem:$0x3FA7] =	sst s0  }
0x18: {  	s0 =	sld [smem:$0x3F8A];
	_ =	swait.ge [sflag:s4], $0x0  }
0x19: {  	s7 =	sld [smem:$0x3F8B]  }
0x1a: {  	s8 =	sadd.s32 $0xFFFFE003, lr  }
0x1b: {  	s9 =	sadd.s32 $0xFFFFFEF7, lr;
	s5 =	simm.s32 $0xFFFFFFFF;
	p2 =	slt.u32 s8, $0xFFFFF086  }
0x1c: {  	p1 =	slt.u32 s9, $0xF7A;
	s5 =	simm.s32 @!p2 $0x0  }
0x1d: {  	s5 =	simm.s32 @p1 $0x1;
	p0 =	seq.s32 s7, s2  }
0x1e: {  	s7 =	smul.u32 @!p0 $0xF7A, s2;
	p2 =	seq.s32 @!p0 s5, $0x0  }
0x1f: {  	s9 =	smul.u32 $0xF7A, s1;
	s8 =	simm.s32 @!p0 $0x1BF5;
	p2 =	por !p2, p0  }
0x20: {  	[sflag:s8] =	ssyncset.s32 @!p0 $0xFFFFF086;
	s6 =	sadd.s32 @!p0 s3, s7;
	s7 =	simm.s32 @!p0 $0x108  }
0x21: {  	s3 =	sadd.s32 s3, s9;
	s6 =	sadd.s32 @!p0 $0x88, s6;
	s7 =	simm.s32 @p2 $0x1082  }
0x22: {  	[simem:s7], [sflag:s8] =	dma.local @!p0 [hbm:s6], $0xF7A  }
0x23: {  	s9 =	sor.u32 $0xD0000000, s2;
	s6 =	simm.s32 $0x108;
	_ =	swait.ge @!p0 [sflag:s8], $0x0  }
0x24: {  	s3 =	sadd.s32 $0x88, s3;
	s6 =	simm.s32 @!p1 $0x1082;
	[sflag:s4] =	ssyncset.s32 $0xFFFFF086  }
0x25: {  	[simem:s6], [sflag:s4] =	dma.local [hbm:s3], $0xF7A  }
0x26: {  	[smem:$0x3F8B] =	sst s1;
	(tag) =	ssettag s2;
	_ =	strace s9  }
0x27: {  	s1 =	sld [smem:$0x3F9B]  }
0x28: {  	s2 =	sld [smem:$0x3F9C]  }
0x29: {  	s4 =	sld [smem:$0x3F9E]  }
0x2a: {  	p0 =	seq.s32 s5, $0x0;
	s5 =	sld [smem:$0x3F9F]  }
0x2b: {  	s6 =	sld [smem:$0x3FA0]  }
0x2c: {  	s7 =	sld [smem:$0x3FA1]  }
0x2d: {  	s3 =	simm.s32 $0x108;
	s8 =	sld [smem:$0x3FA2]  }
0x2e: {  	s3 =	simm.s32 @!p0 $0x1082;
	s9 =	sld [smem:$0x3FA3]  }
0x2f: {  	lr =	sadd.s32 s0, s3;
	s0 =	sld [smem:$0x3F9A]  }
0x30: {  	s3 =	sld [smem:$0x3F9D]  }
0x31: {  	[smem:$0x3FA6] =	sst s10  }
0x32: {  	s10 =	sld [smem:$0x3FA4];
	_ =	sdelay $0x3  }
0x33: {  	p0 =	seq.s32 s10, $0x1;
	s10 =	sld [smem:$0x3FA6];
	_ =	sdelay $0x3  }
0x34: {  	[smem:$0x3FA6] =	sst s10  }
0x35: {  	s10 =	sld [smem:$0x3FA5];
	_ =	sdelay $0x3  }
0x36: {  	p1 =	seq.s32 s10, $0x1;
	s10 =	sld [smem:$0x3FA6];
	_ =	sdelay $0x3  }
0x37: {  	[smem:$0x3FA6] =	sst s10  }
0x38: {  	s10 =	sld [smem:$0x3FA7]  }
0x39: {  	_ = 	snop;
	(pc) =	sbr.ind lr, $3  }
0x3a: {  	_ = 	snop  }
0x3b: {  	_ = 	snop  }
0x3c: {  	p2 =	seq.s32 s10, $0x1;
	s10 =	sld [smem:$0x3FA6]  }
0x3d: {  	_ =	shalt  }
0x3e: {  	_ =	shalt  }
0x3f: {  	_ =	shalt  }
0x40: {  	_ =	shalt  }
0x41: {  	_ =	shalt  }
0x42: {  	_ =	shalt  }
0x43: {  	_ =	shalt  }
0x44: {  	_ =	shalt  }
0x45: {  	_ =	shalt  }
0x46: {  	_ =	shalt  }
0x47: {  	_ =	shalt  }
0x48: {  	_ =	shalt  }
0x49: {  	_ =	shalt  }
0x4a: {  	_ =	shalt  }
0x4b: {  	_ =	shalt  }
0x4c: {  	_ =	shalt  }
0x4d: {  	_ =	shalt  }
0x4e: {  	_ =	shalt  }
0x4f: {  	_ =	shalt  }
0x50: {  	_ =	shalt  }
0x51: {  	_ =	shalt  }
0x52: {  	_ =	shalt  }
0x53: {  	_ =	shalt  }
0x54: {  	_ =	shalt  }
0x55: {  	_ =	shalt  }
0x56: {  	_ =	shalt  }
0x57: {  	_ =	shalt  }
0x58: {  	_ =	shalt  }
0x59: {  	_ =	shalt  }
0x5a: {  	_ =	shalt  }
0x5b: {  	_ =	shalt  }
0x5c: {  	_ =	shalt  }
0x5d: {  	_ =	shalt  }
0x5e: {  	_ =	shalt  }
0x5f: {  	_ =	shalt  }
0x60: {  	_ =	shalt  }
0x61: {  	_ =	shalt  }
0x62: {  	_ =	shalt  }
0x63: {  	_ =	shalt  }
0x64: {  	_ =	shalt  }
0x65: {  	_ =	shalt  }
0x66: {  	_ =	shalt  }
0x67: {  	_ =	shalt  }
0x68: {  	_ =	shalt  }
0x69: {  	_ =	shalt  }
0x6a: {  	_ =	shalt  }
0x6b: {  	_ =	shalt  }
0x6c: {  	_ =	shalt  }
0x6d: {  	_ =	shalt  }
0x6e: {  	_ =	shalt  }
0x6f: {  	_ =	shalt  }
0x70: {  	_ =	shalt  }
0x71: {  	_ =	shalt  }
0x72: {  	_ =	shalt  }
0x73: {  	_ =	shalt  }
0x74: {  	_ =	shalt  }
0x75: {  	_ =	shalt  }
0x76: {  	_ =	shalt  }
0x77: {  	_ =	shalt  }
0x78: {  	_ =	shalt  }
0x79: {  	_ =	shalt  }
0x7a: {  	_ =	shalt  }
0x7b: {  	_ =	shalt  }
0x7c: {  	_ =	shalt  }
0x7d: {  	_ =	shalt  }
0x7e: {  	_ =	shalt  }
0x7f: {  	_ =	shalt  }
0x80: {  	_ =	shalt  }
0x81: {  	_ =	shalt  }
0x82: {  	_ =	shalt  }
0x83: {  	_ =	shalt  }
0x84: {  	_ =	shalt  }
0x85: {  	_ =	shalt  }
0x86: {  	_ =	shalt  }
0x87: {  	_ =	shalt  }
.Lfunc_end0:
.L_simem_size_0:
called_computation_lowered:
.L_overlay_start_0:
0x88: {  	s2 =	sld [smem:$0x3FD9]  }
0x89: {  	s3 =	sld [smem:$0x3FFE];
	_ =	sdelay $0x1  }
0x8a: {  	s1 =	srdreg.scid  }
0x8b: {  	s0 =	sand.u32 $0x1, s1  }
0x8c: {  	s15 =	sshll.u32 s0, $0xA;
	s2 =	sadd.s32 s3, s2  }
0x8d: {  	s2 =	sadd.s32 s2, s15  }
0x8e: {  	[smem:$0x3FB2] =	sst s2  }
0x8f: {  	_ = 	snop  }
0x90: {  	s2 =	sld [smem:$0x3FD0];
	_ =	sdelay $0x2  }
0x91: {  	s4 =	simm.s32 $0xB;
	s5 =	simm.s32 $0x10;
	s16 =	sld [smem:$0x3FB4]  }
0x92: {  	[smem:s5], [sflag:s4] =	dma.local [hbm:s2], $0x1  }
0x93: {  	_ =	swait.eq [sflag:s4], $0x1  }
0x94: {  	[sflag:s4] =	ssyncset.done $0x0  }
0x95: {  	s17 =	sld [smem:$0x10];
	[sflag:s4] =	ssyncadd.s32 $0xFFFFFFFF  }
0x96: {  	s18 =	sld [smem:$0x15];
	(tm) =	ssettm $0x1  }
0x97: {  	s19 =	sld [smem:$0x3FFB];
	_ =	sdelay $0x3  }
0x98: {  	_ =	strace s19  }
0x99: {  	s5 =	sld [smem:$0x3FFC];
	_ =	sdelay $0x3  }
0x9a: {  	_ =	strace s5  }
0x9b: {  	s5 =	sld [smem:$0x3FFD];
	_ =	sdelay $0x3  }
0x9c: {  	_ =	strace s5  }
0x9d: {  	_ =	strace $0x8FFFFFFF  }
0x9e: {  	s20 =	sld [smem:$0x3FDB];
	_ =	sdelay $0x1  }
0x9f: {  	s6 =	simm.s32 $_scs_section_size  }
0xa0: {  	s7 =	simm.s32 $_size__tile_overlayer_lowered;
	s8 =	simm.s32 $_tile_overlayer_lowered  }
0xa1: {  	s23 =	simm.s32 $0x1BFF;
	s22 =	sshll.u32 s8, $0x1;
	s5 =	sadd.s32 s6, s20  }
0xa2: {  	s9 =	simm.s32 $0x0;
	s21 =	sshll.u32 s7, $0x1;
	s7 =	sadd.s32 s22, s5  }
0xa3: {  	[timem:s9], [sflag:s23] =	dma.local [hbm:s7], s21  }
0xa4: {  	_ =	swait.ge [sflag:s23], s21  }
0xa5: {  	s6 =	ssub.s32 $0x0, s21;
	[sflag:s23] =	ssyncset.done $0x0  }
0xa6: {  	[sflag:s23] =	ssyncadd.s32 s6;
	_ =	sdelay $0x1  }
0xa7: {  	s24 =	simm.s32 $0x1B8B  }
0xa8: {  	_ =	swait.ge [sflag:s24], $0x1  }
0xa9: {  	[sflag:s24] =	ssyncset.done $0x0  }
0xaa: {  	s25 =	simm.s32 $0x1B8E;
	[sflag:s24] =	ssyncadd.s32 $0xFFFFFFFF  }
0xab: {  	s26 =	simm.s32 $execute0_lowered;
	[smem:$0x3FD2] =	sst s25  }
0xac: {  	s6 =	sshll.u32 s26, $0x1;
	_ =	strace $0x80000046;
	[dreg:$0x1] =	wrdreg $0xFFFFFFFF  }
0xad: {  	s28 =	simm.s32 $_size_execute0_lowered;
	s5 =	sadd.s32 s5, s6;
	[dreg:$0x0] =	wrdreg $0x0  }
0xae: {  	s6 =	sshll.u32 s28, $0x1;
	[dreg:$0x2] =	wrdreg s5  }
0xaf: {  	[dreg:$0x3] =	wrdreg s6  }
0xb0: {  	[dreg:$0x4] =	wrdreg $0xC0  }
0xb1: {  	_ =	task [dreg:s9], $0x5FFFF  }
0xb2: {  	[dreg:$0x1] =	wrdreg $0xFFFFFFFF  }
0xb3: {  	[dreg:$0x0] =	wrdreg $0x60  }
0xb4: {  	[dreg:$0x2] =	wrdreg s16  }
0xb5: {  	[dreg:$0x3] =	wrdreg s18  }
0xb6: {  	[dreg:$0x4] =	wrdreg s17  }
0xb7: {  	[dreg:$0x5] =	wrdreg $0x9  }
0xb8: {  	_ =	task.clear_ibuf [dreg:s9], $0x6FFFF;
	_ =	strace $0x90000046  }
0xb9: {  	s29 =	simm.s32 $0x9;
	_ =	strace $0x80000048  }
0xba: {  	_ =	swait.ge [sflag:s29], $0x1  }
0xbb: {  	[sflag:s29] =	ssyncadd.s32 $0xFFFFFFFF  }
0xbc: {  	_ =	strace $0x90000048  }
0xbd: {  	_ =	sfence  }
0xbe: {  	s30 =	sld [smem:$0x0];
	_ =	sdelay $0x2  }
0xbf: {  	s31 =	sshll.u32 s1, $0xD;
	s1 =	sshrl.u32 s1, $0x2  }
0xc0: {  	s3 =	sand.u32 $0x4000, s31;
	s1 =	sadd.s32 s1, s30  }
0xc1: {  	s0 =	sor.u32 s3, s0;
	s1 =	sshll.u32 s1, $0x11  }
0xc2: {  	s0 =	sor.u32 s1, s0  }
0xc3: {  	s0 =	sadd.s32 $0x8F2B, s0  }
0xc4: {  	[sflag:s0] =	ssyncadd.remote.s32 $0x1  }
0xc5: {  	_ =	sfence.sel $0xFFFF  }
0xc6: {  	[dreg:$0x0] =	wrdreg $0xFFFFFFFF;
	(pc) =	sbr.abs _section_cstart, $3  }
0xc7: {  	[dreg:$0x1] =	wrdreg $0xFFFFFFFF  }
0xc8: {  	_ =	task.clear_ibuf [dreg:s9], $0x2FFFF;
	_ =	strace $0x9FFFFFFF  }
0xc9: {  	(tm) =	ssettm $0x7FFFFFFF  }
tec
execute0_lowered:
.L_overlay_start_1:
0x0: {  	(tag) =	ssettag $0x1  }
0x1: {  	s3 =	rddreg [dreg:$0x0]  }
0x2: {  	s4 =	rddreg [dreg:$0x1]  }
0x3: {  	s5 =	rddreg [dreg:$0x2];
	s1 =	srdreg.scid  }
0x4: {  	s0 =	rddreg [dreg:$0x3];
	s2 =	simm.s32 $0x0;
	s11 =	simm.s32 $0x0  }
0x5: {  	s6 =	sand.u32 $0x1, s1;
	[smem:$0x7FF] =	sst s2;
	s1 =	stileid.u32  }
0x6: {  	s7 =	ssub.s32 $0x2, s6;
	_ =	strace $0x80000047;
	s9 =	sshll.u32 s1, $0x1  }
0x7: {  	s30 =	sshrl.u32 s1, $0x2;
	s8 =	sshrl.u32 s7, $0x1;
	s9 =	sand.u32 $0x6, s9  }
0x8: {  	s31 =	sshll.u32 s30, $0xE;
	s7 =	ssub.s32 s7, s8;
	s6 =	sor.u32 s6, s9  }
0x9: {  	s8 =	sshll.u32 s30, $0xB;
	s5 =	sadd.s32 s5, s31;
	s9 =	simm.s32 $0x10000  }
0xa: {  	s10 =	sshll.u32 s6, $0xA;
	s6 =	sshll.u32 s6, $0x7;
	s3 =	sadd.s32 s3, s8  }
0xb: {  	s8 =	simm.s32 $0x2000;
	s4 =	sadd.s32 s4, s6;
	s5 =	sadd.s32 s10, s5  }
0xc: {  	s6 =	smax.u32 s7, $0x1;
	s7 =	simm.s32 $0x1;
	s10 =	simm.s32 $0x4400  }
.LBB2_1:
0xd: {  	[tilespmem:s2], [sflag:$0x1] =	stream.linear.gather [hbm4b:s3+s2], $0x4000, $0x38;
	[tilespmem:$0x8400] =	vst v63  }
0xe: {  	_ =	swait.ge [sflag:s7], $0x4000  }
0xf: {  	[sflag:s7] =	ssyncset.done $0x0  }
0x10: {  	s12 =	simm.s32 $0x4000;
	[sflag:s7] =	ssyncadd.s32 $0xFFFFC000  }
0x11: {  	[tilespmem:s12], [sflag:$0x1] =	stream.linear.gather [hbm4b:s4+s2], $0x400, $0x38;
	[tilespmem:$0x8400] =	vst v63  }
0x12: {  	_ =	swait.ge [sflag:s7], $0x400  }
0x13: {  	s13 =	simm.s32 $0xFFFFFFFC;
	p0 =	por $0x0, $0x0;
	[sflag:s7] =	ssyncset.done $0x0  }
0x14: {  	s14 =	simm.s32 $0x0;
	s15 =	simm.s32 $0x0;
	[sflag:s7] =	ssyncadd.s32 $0xFFFFFC00  }
.LBB2_2:
0x15: {  	v0 =	vld [tilespmem:s12+$0x0];
	_ =	sdelay $0x4  }
0x16: {  	v1 =	vshll.u32 v0, $0x3  }
0x17: {  	v0 =	vand.u32 $0x7F, v0;
	v1 =	vand.u32 $0xFFFFFC00, v1  }
0x18: {  	v0 =	vor.u32 v0, v1;
	_ =	sdelay $0x4  }
0x19: {  	v1 =	vld.idx.msk [tilespmem:v0+s2+$0x0], $0xffff  }
0x1a: {  	v2 =	vor.u32 $0x80, v0  }
0x1b: {  	s26 =	sand.u32 $0x1C00, s15  }
0x1c: {  	s22 =	sand.u32 $0x40, s14;
	s16 =	sadd.s32 $0x4400, s26  }
0x1d: {  	s17 =	sor.u32 s22, s16  }
0x1e: {  	[tilespmem:s17+$0x0] =	vst v1  }
0x1f: {  	v1 =	vld.idx.msk [tilespmem:v2+s2+$0x0], $0xffff  }
0x20: {  	v6 =	vor.u32 $0x100, v0;
	_ =	sdelay $0x3  }
0x21: {  	[tilespmem:s17+$0x80] =	vst v1  }
0x22: {  	v1 =	vld.idx.msk [tilespmem:v6+s2+$0x0], $0xffff  }
0x23: {  	v7 =	vor.u32 $0x180, v0;
	_ =	sdelay $0x3  }
0x24: {  	[tilespmem:s17+$0x100] =	vst v1  }
0x25: {  	v1 =	vld.idx.msk [tilespmem:v7+s2+$0x0], $0xffff  }
0x26: {  	v8 =	vor.u32 $0x200, v0;
	_ =	sdelay $0x3  }
0x27: {  	[tilespmem:s17+$0x180] =	vst v1  }
0x28: {  	s17 =	simm.s32 $0x1;
	v1 =	vld.idx.msk [tilespmem:v8+s2+$0x0], $0xffff  }
0x29: {  	v9 =	vor.u32 $0x280, v0;
	s17 =	simm.s32 @!p0 $0x0  }
0x2a: {  	s17 =	sshll.u32 s17, $0x6  }
0x2b: {  	s17 =	sadd.s32 s17, s15  }
0x2c: {  	s18 =	sor.u32 $0x200, s17  }
0x2d: {  	[tilespmem:s18+$0x4400] =	vst v1  }
0x2e: {  	v1 =	vld.idx.msk [tilespmem:v9+s2+$0x0], $0xffff  }
0x2f: {  	v10 =	vor.u32 $0x300, v0;
	_ =	sdelay $0x2  }
0x30: {  	s28 =	sor.u32 $0x280, s17  }
0x31: {  	[tilespmem:s28+$0x4400] =	vst v1  }
0x32: {  	v1 =	vld.idx.msk [tilespmem:v10+s2+$0x0], $0xffff  }
0x33: {  	v11 =	vor.u32 $0x380, v0;
	_ =	sdelay $0x2  }
0x34: {  	s29 =	sor.u32 $0x300, s17  }
0x35: {  	[tilespmem:s29+$0x4400] =	vst v1  }
0x36: {  	v1 =	vld.idx.msk [tilespmem:v11+s2+$0x0], $0xffff  }
0x37: {  	v12 =	vadd.s32 $0x2000, v0;
	_ =	sdelay $0x1  }
0x38: {  	s30 =	sor.u32 s15, s14  }
0x39: {  	s18 =	sor.u32 $0x380, s30  }
0x3a: {  	[tilespmem:s18+$0x4400] =	vst v1  }
0x3b: {  	v1 =	vld.idx.msk [tilespmem:v12+s2+$0x0], $0xffff  }
0x3c: {  	v13 =	vadd.s32 $0x2080, v0;
	_ =	sdelay $0x1  }
0x3d: {  	s18 =	sadd.s32 $0x6400, s26  }
0x3e: {  	s19 =	sor.u32 s22, s18  }
0x3f: {  	[tilespmem:s19+$0x0] =	vst v1  }
0x40: {  	v1 =	vld.idx.msk [tilespmem:v13+s2+$0x0], $0xffff  }
0x41: {  	v14 =	vadd.s32 $0x2100, v0;
	_ =	sdelay $0x1  }
0x42: {  	s19 =	sadd.s32 $0x6480, s26  }
0x43: {  	s20 =	sor.u32 s22, s19  }
0x44: {  	[tilespmem:s20+$0x0] =	vst v1  }
0x45: {  	v1 =	vld.idx.msk [tilespmem:v14+s2+$0x0], $0xffff  }
0x46: {  	v15 =	vadd.s32 $0x2180, v0;
	_ =	sdelay $0x1  }
0x47: {  	s20 =	sadd.s32 $0x6500, s26  }
0x48: {  	s21 =	sor.u32 s22, s20  }
0x49: {  	[tilespmem:s21+$0x0] =	vst v1  }
0x4a: {  	v1 =	vld.idx.msk [tilespmem:v15+s2+$0x0], $0xffff  }
0x4b: {  	v16 =	vadd.s32 $0x2200, v0;
	_ =	sdelay $0x1  }
0x4c: {  	s21 =	sadd.s32 $0x6580, s26  }
0x4d: {  	s23 =	sor.u32 s22, s21  }
0x4e: {  	[tilespmem:s23+$0x0] =	vst v1  }
0x4f: {  	v1 =	vld.idx.msk [tilespmem:v16+s2+$0x0], $0xffff  }
0x50: {  	v17 =	vadd.s32 $0x2280, v0;
	_ =	sdelay $0x1  }
0x51: {  	s23 =	sadd.s32 $0x6600, s26  }
0x52: {  	s24 =	sor.u32 s22, s23  }
0x53: {  	[tilespmem:s24+$0x0] =	vst v1  }
0x54: {  	v1 =	vld.idx.msk [tilespmem:v17+s2+$0x0], $0xffff  }
0x55: {  	v18 =	vadd.s32 $0x2300, v0;
	_ =	sdelay $0x1  }
0x56: {  	s24 =	sadd.s32 $0x6680, s26  }
0x57: {  	s25 =	sor.u32 s22, s24  }
0x58: {  	[tilespmem:s25+$0x0] =	vst v1  }
0x59: {  	v1 =	vld.idx.msk [tilespmem:v18+s2+$0x0], $0xffff  }
0x5a: {  	v0 =	vadd.s32 $0x2380, v0;
	_ =	sdelay $0x1  }
0x5b: {  	s25 =	sadd.s32 $0x6700, s26  }
0x5c: {  	s28 =	sor.u32 s22, s25  }
0x5d: {  	[tilespmem:s28+$0x0] =	vst v1  }
0x5e: {  	v0 =	vld.idx.msk [tilespmem:v0+s2+$0x0], $0xffff;
	_ =	sdelay $0x2  }
0x5f: {  	s31 =	sand.u32 $0x380, s14;
	s26 =	sadd.s32 $0x6780, s26  }
0x60: {  	s29 =	sor.u32 $0x10, s22;
	s30 =	sor.u32 s22, s26;
	s28 =	sor.u32 $0x4000, s31  }
0x61: {  	s31 =	sor.u32 s29, s28;
	[tilespmem:s30+$0x0] =	vst v0  }
0x62: {  	v0 =	vld [tilespmem:s31+$0x0];
	_ =	sdelay $0x4  }
0x63: {  	v19 =	vshll.u32 v0, $0x3  }
0x64: {  	v0 =	vand.u32 $0x7F, v0;
	v1 =	vand.u32 $0xFFFFFC00, v19  }
0x65: {  	v0 =	vor.u32 v0, v1;
	_ =	sdelay $0x4  }
0x66: {  	v1 =	vld.idx.msk [tilespmem:v0+s2+$0x0], $0xffff  }
0x67: {  	v20 =	vor.u32 $0x80, v0;
	_ =	sdelay $0x2  }
0x68: {  	s31 =	sor.u32 s29, s16  }
0x69: {  	[tilespmem:s31+$0x0] =	vst v1  }
0x6a: {  	v1 =	vld.idx.msk [tilespmem:v20+s2+$0x0], $0xffff  }
0x6b: {  	v21 =	vor.u32 $0x100, v0;
	_ =	sdelay $0x3  }
0x6c: {  	[tilespmem:s31+$0x80] =	vst v1  }
0x6d: {  	v1 =	vld.idx.msk [tilespmem:v21+s2+$0x0], $0xffff  }
0x6e: {  	v22 =	vor.u32 $0x180, v0;
	_ =	sdelay $0x3  }
0x6f: {  	[tilespmem:s31+$0x100] =	vst v1  }
0x70: {  	v1 =	vld.idx.msk [tilespmem:v22+s2+$0x0], $0xffff  }
0x71: {  	v23 =	vor.u32 $0x200, v0;
	_ =	sdelay $0x3  }
0x72: {  	[tilespmem:s31+$0x180] =	vst v1  }
0x73: {  	v1 =	vld.idx.msk [tilespmem:v23+s2+$0x0], $0xffff  }
0x74: {  	v24 =	vor.u32 $0x280, v0;
	_ =	sdelay $0x1  }
0x75: {  	s30 =	sadd.s32 $0x10, s17  }
0x76: {  	s31 =	sor.u32 $0x200, s30  }
0x77: {  	[tilespmem:s31+$0x4400] =	vst v1  }
0x78: {  	v1 =	vld.idx.msk [tilespmem:v24+s2+$0x0], $0xffff  }
0x79: {  	v25 =	vor.u32 $0x300, v0;
	_ =	sdelay $0x2  }
0x7a: {  	s31 =	sor.u32 $0x280, s30  }
0x7b: {  	[tilespmem:s31+$0x4400] =	vst v1  }
0x7c: {  	v1 =	vld.idx.msk [tilespmem:v25+s2+$0x0], $0xffff  }
0x7d: {  	v26 =	vor.u32 $0x380, v0;
	_ =	sdelay $0x2  }
0x7e: {  	s31 =	sor.u32 $0x300, s30  }
0x7f: {  	[tilespmem:s31+$0x4400] =	vst v1  }
0x80: {  	v1 =	vld.idx.msk [tilespmem:v26+s2+$0x0], $0xffff  }
0x81: {  	v27 =	vadd.s32 $0x2000, v0;
	_ =	sdelay $0x2  }
0x82: {  	s30 =	sor.u32 $0x380, s30  }
0x83: {  	[tilespmem:s30+$0x4400] =	vst v1  }
0x84: {  	v1 =	vld.idx.msk [tilespmem:v27+s2+$0x0], $0xffff  }
0x85: {  	v28 =	vadd.s32 $0x2080, v0;
	_ =	sdelay $0x2  }
0x86: {  	s31 =	sor.u32 s29, s18  }
0x87: {  	[tilespmem:s31+$0x0] =	vst v1  }
0x88: {  	v1 =	vld.idx.msk [tilespmem:v28+s2+$0x0], $0xffff  }
0x89: {  	v29 =	vadd.s32 $0x2100, v0;
	_ =	sdelay $0x2  }
0x8a: {  	s31 =	sor.u32 s29, s19  }
0x8b: {  	[tilespmem:s31+$0x0] =	vst v1  }
0x8c: {  	v1 =	vld.idx.msk [tilespmem:v29+s2+$0x0], $0xffff  }
0x8d: {  	v30 =	vadd.s32 $0x2180, v0;
	_ =	sdelay $0x2  }
0x8e: {  	s31 =	sor.u32 s29, s20  }
0x8f: {  	[tilespmem:s31+$0x0] =	vst v1  }
0x90: {  	v1 =	vld.idx.msk [tilespmem:v30+s2+$0x0], $0xffff  }
0x91: {  	v31 =	vadd.s32 $0x2200, v0;
	_ =	sdelay $0x2  }
0x92: {  	s31 =	sor.u32 s29, s21  }
0x93: {  	[tilespmem:s31+$0x0] =	vst v1  }
0x94: {  	v1 =	vld.idx.msk [tilespmem:v31+s2+$0x0], $0xffff  }
0x95: {  	v32 =	vadd.s32 $0x2280, v0;
	_ =	sdelay $0x2  }
0x96: {  	s31 =	sor.u32 s29, s23  }
0x97: {  	[tilespmem:s31+$0x0] =	vst v1  }
0x98: {  	v1 =	vld.idx.msk [tilespmem:v32+s2+$0x0], $0xffff  }
0x99: {  	v33 =	vadd.s32 $0x2300, v0;
	_ =	sdelay $0x2  }
0x9a: {  	s31 =	sor.u32 s29, s24  }
0x9b: {  	[tilespmem:s31+$0x0] =	vst v1  }
0x9c: {  	v1 =	vld.idx.msk [tilespmem:v33+s2+$0x0], $0xffff  }
0x9d: {  	v0 =	vadd.s32 $0x2380, v0;
	_ =	sdelay $0x2  }
0x9e: {  	s31 =	sor.u32 s29, s25  }
0x9f: {  	[tilespmem:s31+$0x0] =	vst v1  }
0xa0: {  	v0 =	vld.idx.msk [tilespmem:v0+s2+$0x0], $0xffff;
	_ =	sdelay $0x3  }
0xa1: {  	s31 =	sor.u32 s29, s26;
	s29 =	sor.u32 $0x20, s22  }
0xa2: {  	[tilespmem:s31+$0x0] =	vst v0;
	s31 =	sor.u32 s29, s28  }
0xa3: {  	v0 =	vld [tilespmem:s31+$0x0];
	_ =	sdelay $0x4  }
0xa4: {  	v34 =	vshll.u32 v0, $0x3  }
0xa5: {  	v0 =	vand.u32 $0x7F, v0;
	v1 =	vand.u32 $0xFFFFFC00, v34  }
0xa6: {  	v0 =	vor.u32 v0, v1;
	_ =	sdelay $0x4  }
0xa7: {  	v1 =	vld.idx.msk [tilespmem:v0+s2+$0x0], $0xffff  }
0xa8: {  	v35 =	vor.u32 $0x80, v0;
	_ =	sdelay $0x2  }
0xa9: {  	s31 =	sor.u32 s29, s16  }
0xaa: {  	[tilespmem:s31+$0x0] =	vst v1  }
0xab: {  	v1 =	vld.idx.msk [tilespmem:v35+s2+$0x0], $0xffff  }
0xac: {  	v36 =	vor.u32 $0x100, v0;
	_ =	sdelay $0x3  }
0xad: {  	[tilespmem:s31+$0x80] =	vst v1  }
0xae: {  	v1 =	vld.idx.msk [tilespmem:v36+s2+$0x0], $0xffff  }
0xaf: {  	v37 =	vor.u32 $0x180, v0;
	_ =	sdelay $0x3  }
0xb0: {  	[tilespmem:s31+$0x100] =	vst v1  }
0xb1: {  	v1 =	vld.idx.msk [tilespmem:v37+s2+$0x0], $0xffff  }
0xb2: {  	v38 =	vor.u32 $0x200, v0;
	_ =	sdelay $0x3  }
0xb3: {  	[tilespmem:s31+$0x180] =	vst v1  }
0xb4: {  	v1 =	vld.idx.msk [tilespmem:v38+s2+$0x0], $0xffff  }
0xb5: {  	v39 =	vor.u32 $0x280, v0;
	_ =	sdelay $0x1  }
0xb6: {  	s30 =	sadd.s32 $0x20, s17  }
0xb7: {  	s31 =	sor.u32 $0x200, s30  }
0xb8: {  	[tilespmem:s31+$0x4400] =	vst v1  }
0xb9: {  	v1 =	vld.idx.msk [tilespmem:v39+s2+$0x0], $0xffff  }
0xba: {  	v40 =	vor.u32 $0x300, v0;
	_ =	sdelay $0x2  }
0xbb: {  	s31 =	sor.u32 $0x280, s30  }
0xbc: {  	[tilespmem:s31+$0x4400] =	vst v1  }
0xbd: {  	v1 =	vld.idx.msk [tilespmem:v40+s2+$0x0], $0xffff  }
0xbe: {  	v41 =	vor.u32 $0x380, v0;
	_ =	sdelay $0x2  }
0xbf: {  	s31 =	sor.u32 $0x300, s30  }
0xc0: {  	[tilespmem:s31+$0x4400] =	vst v1  }
0xc1: {  	v1 =	vld.idx.msk [tilespmem:v41+s2+$0x0], $0xffff  }
0xc2: {  	v42 =	vadd.s32 $0x2000, v0;
	_ =	sdelay $0x2  }
0xc3: {  	s30 =	sor.u32 $0x380, s30  }
0xc4: {  	[tilespmem:s30+$0x4400] =	vst v1  }
0xc5: {  	v1 =	vld.idx.msk [tilespmem:v42+s2+$0x0], $0xffff  }
0xc6: {  	v43 =	vadd.s32 $0x2080, v0;
	_ =	sdelay $0x2  }
0xc7: {  	s31 =	sor.u32 s29, s18  }
0xc8: {  	[tilespmem:s31+$0x0] =	vst v1  }
0xc9: {  	v1 =	vld.idx.msk [tilespmem:v43+s2+$0x0], $0xffff  }
0xca: {  	v44 =	vadd.s32 $0x2100, v0;
	_ =	sdelay $0x2  }
0xcb: {  	s31 =	sor.u32 s29, s19  }
0xcc: {  	[tilespmem:s31+$0x0] =	vst v1  }
0xcd: {  	v1 =	vld.idx.msk [tilespmem:v44+s2+$0x0], $0xffff  }
0xce: {  	v45 =	vadd.s32 $0x2180, v0;
	_ =	sdelay $0x2  }
0xcf: {  	s31 =	sor.u32 s29, s20  }
0xd0: {  	[tilespmem:s31+$0x0] =	vst v1  }
0xd1: {  	v1 =	vld.idx.msk [tilespmem:v45+s2+$0x0], $0xffff  }
0xd2: {  	v46 =	vadd.s32 $0x2200, v0;
	_ =	sdelay $0x2  }
0xd3: {  	s31 =	sor.u32 s29, s21  }
0xd4: {  	[tilespmem:s31+$0x0] =	vst v1  }
0xd5: {  	v1 =	vld.idx.msk [tilespmem:v46+s2+$0x0], $0xffff  }
0xd6: {  	v47 =	vadd.s32 $0x2280, v0;
	_ =	sdelay $0x2  }
0xd7: {  	s31 =	sor.u32 s29, s23  }
0xd8: {  	[tilespmem:s31+$0x0] =	vst v1  }
0xd9: {  	v1 =	vld.idx.msk [tilespmem:v47+s2+$0x0], $0xffff  }
0xda: {  	v48 =	vadd.s32 $0x2300, v0;
	_ =	sdelay $0x2  }
0xdb: {  	s31 =	sor.u32 s29, s24  }
0xdc: {  	[tilespmem:s31+$0x0] =	vst v1  }
0xdd: {  	v1 =	vld.idx.msk [tilespmem:v48+s2+$0x0], $0xffff  }
0xde: {  	v0 =	vadd.s32 $0x2380, v0;
	_ =	sdelay $0x2  }
0xdf: {  	s31 =	sor.u32 s29, s25  }
0xe0: {  	[tilespmem:s31+$0x0] =	vst v1  }
0xe1: {  	v0 =	vld.idx.msk [tilespmem:v0+s2+$0x0], $0xffff;
	_ =	sdelay $0x3  }
0xe2: {  	s22 =	sor.u32 $0x30, s22;
	s29 =	sor.u32 s29, s26  }
0xe3: {  	s28 =	sor.u32 s22, s28;
	[tilespmem:s29+$0x0] =	vst v0  }
0xe4: {  	v0 =	vld [tilespmem:s28+$0x0];
	_ =	sdelay $0x4  }
0xe5: {  	v49 =	vshll.u32 v0, $0x3  }
0xe6: {  	v0 =	vand.u32 $0x7F, v0;
	v1 =	vand.u32 $0xFFFFFC00, v49  }
0xe7: {  	v0 =	vor.u32 v0, v1;
	_ =	sdelay $0x4  }
0xe8: {  	v1 =	vld.idx.msk [tilespmem:v0+s2+$0x0], $0xffff  }
0xe9: {  	v50 =	vor.u32 $0x80, v0;
	_ =	sdelay $0x2  }
0xea: {  	s16 =	sor.u32 s22, s16  }
0xeb: {  	[tilespmem:s16+$0x0] =	vst v1  }
0xec: {  	v1 =	vld.idx.msk [tilespmem:v50+s2+$0x0], $0xffff  }
0xed: {  	v51 =	vor.u32 $0x100, v0;
	_ =	sdelay $0x3  }
0xee: {  	[tilespmem:s16+$0x80] =	vst v1  }
0xef: {  	v1 =	vld.idx.msk [tilespmem:v51+s2+$0x0], $0xffff  }
0xf0: {  	v52 =	vor.u32 $0x180, v0;
	_ =	sdelay $0x3  }
0xf1: {  	[tilespmem:s16+$0x100] =	vst v1  }
0xf2: {  	v1 =	vld.idx.msk [tilespmem:v52+s2+$0x0], $0xffff  }
0xf3: {  	v53 =	vor.u32 $0x200, v0;
	_ =	sdelay $0x3  }
0xf4: {  	[tilespmem:s16+$0x180] =	vst v1  }
0xf5: {  	v1 =	vld.idx.msk [tilespmem:v53+s2+$0x0], $0xffff  }
0xf6: {  	v54 =	vor.u32 $0x280, v0;
	_ =	sdelay $0x1  }
0xf7: {  	s29 =	sadd.s32 $0x30, s17  }
0xf8: {  	s17 =	sor.u32 $0x200, s29  }
0xf9: {  	[tilespmem:s17+$0x4400] =	vst v1  }
0xfa: {  	v1 =	vld.idx.msk [tilespmem:v54+s2+$0x0], $0xffff  }
0xfb: {  	v55 =	vor.u32 $0x300, v0;
	_ =	sdelay $0x2  }
0xfc: {  	s30 =	sor.u32 $0x280, s29  }
0xfd: {  	[tilespmem:s30+$0x4400] =	vst v1  }
0xfe: {  	v1 =	vld.idx.msk [tilespmem:v55+s2+$0x0], $0xffff  }
0xff: {  	v56 =	vor.u32 $0x380, v0;
	_ =	sdelay $0x2  }
0x100: {  	s31 =	sor.u32 $0x300, s29  }
0x101: {  	[tilespmem:s31+$0x4400] =	vst v1  }
0x102: {  	v1 =	vld.idx.msk [tilespmem:v56+s2+$0x0], $0xffff  }
0x103: {  	v57 =	vadd.s32 $0x2000, v0;
	_ =	sdelay $0x2  }
0x104: {  	s16 =	sor.u32 $0x380, s29  }
0x105: {  	[tilespmem:s16+$0x4400] =	vst v1  }
0x106: {  	v1 =	vld.idx.msk [tilespmem:v57+s2+$0x0], $0xffff  }
0x107: {  	v58 =	vadd.s32 $0x2080, v0;
	_ =	sdelay $0x2  }
0x108: {  	s18 =	sor.u32 s22, s18  }
0x109: {  	[tilespmem:s18+$0x0] =	vst v1  }
0x10a: {  	v1 =	vld.idx.msk [tilespmem:v58+s2+$0x0], $0xffff  }
0x10b: {  	v59 =	vadd.s32 $0x2100, v0;
	_ =	sdelay $0x2  }
0x10c: {  	s19 =	sor.u32 s22, s19  }
0x10d: {  	[tilespmem:s19+$0x0] =	vst v1  }
0x10e: {  	v1 =	vld.idx.msk [tilespmem:v59+s2+$0x0], $0xffff  }
0x10f: {  	v60 =	vadd.s32 $0x2180, v0;
	_ =	sdelay $0x2  }
0x110: {  	s20 =	sor.u32 s22, s20  }
0x111: {  	[tilespmem:s20+$0x0] =	vst v1  }
0x112: {  	v1 =	vld.idx.msk [tilespmem:v60+s2+$0x0], $0xffff  }
0x113: {  	v61 =	vadd.s32 $0x2200, v0;
	_ =	sdelay $0x2  }
0x114: {  	s21 =	sor.u32 s22, s21  }
0x115: {  	[tilespmem:s21+$0x0] =	vst v1  }
0x116: {  	v1 =	vld.idx.msk [tilespmem:v61+s2+$0x0], $0xffff  }
0x117: {  	v62 =	vadd.s32 $0x2280, v0;
	_ =	sdelay $0x2  }
0x118: {  	s28 =	sor.u32 s22, s23  }
0x119: {  	[tilespmem:s28+$0x0] =	vst v1  }
0x11a: {  	v1 =	vld.idx.msk [tilespmem:v62+s2+$0x0], $0xffff  }
0x11b: {  	v63 =	vadd.s32 $0x2300, v0;
	_ =	sdelay $0x2  }
0x11c: {  	s29 =	sor.u32 s22, s24  }
0x11d: {  	[tilespmem:s29+$0x0] =	vst v1  }
0x11e: {  	v1 =	vld.idx.msk [tilespmem:v63+s2+$0x0], $0xffff  }
0x11f: {  	v0 =	vadd.s32 $0x2380, v0;
	_ =	sdelay $0x2  }
0x120: {  	s30 =	sor.u32 s22, s25  }
0x121: {  	s13 =	sadd.s32 $0x4, s13;
	[tilespmem:s30+$0x0] =	vst v1  }
0x122: {  	p1 =	slt.u32 s13, $0x3C;
	v0 =	vld.idx.msk [tilespmem:v0+s2+$0x0], $0xffff  }
.Ltmp0:
0x123: {  	_ = 	snop;
	(pc) =	sbr.rel @p1 .LBB2_2-.Ltmp0, $3  }
0x124: {  	_ =	sdelay $0x1  }
0x125: {  	s14 =	sadd.s32 $0x40, s14;
	s31 =	sor.u32 s22, s26  }
0x126: {  	s12 =	sadd.s32 $0x40, s12;
	p0 =	por !p0, !p0;
	s15 =	sadd.s32 $0x200, s15;
	[tilespmem:s31+$0x0] =	vst v0  }
0x127: {  	s11 =	sadd.s32 $0x1, s11  }
0x128: {  	p0 =	sne.s32 s11, s6  }
.Ltmp1:
0x129: {  	_ = 	snop;
	(pc) =	sbr.rel @p0 .LBB2_1-.Ltmp1, $4  }
0x12a: {  	[hbm4b:s5+s8] =	stream.strided.scatter [tilespmem:s10], [sflag:$0x1], $0x4000, s9, s8, $0x38;
	[tilespmem:$0x8400] =	vst v63  }
0x12b: {  	_ =	swait.ge [sflag:s7], $0x4000  }
0x12c: {  	[sflag:s7] =	ssyncset.done $0x0  }
0x12d: {  	[sflag:s7] =	ssyncadd.s32 $0xFFFFC000  }
0x12e: {  	_ =	sfence.sel $0x180000  }
0x12f: {  	[bflag:$0x0] =	sbarrier.arrive $0xFFFF  }
0x130: {  	p0 =	sne.s32 s1, $0x0;
	_ =	strace $0x90000047  }
0x131: {  	s0 =	sadd.s32 @!p0 $0x100000, s0;
	[bflag:$0x2] =	sbarrier.arrive $0xFFFF  }
0x132: {  	[sflag:s0] =	ssyncadd.tile.s32 @!p0 $0x1;
	_ =	shalt  }
.Lfunc_end2:
_tile_overlayer_lowered:
.L_overlay_start_2:
0x133: {  	(tag) =	ssettag $0x2  }
0x134: {  	s0 =	rddreg [dreg:$0x0];
	s2 =	stileid.u32  }
0x135: {  	s1 =	rddreg [dreg:$0x1];
	p0 =	sne.s32 s2, $0x0  }
0x136: {  	s3 =	rddreg [dreg:$0x2];
	[bflag:$0x3] =	sbarrier.arrive $0xFFFF;
	s2 =	simm.s32 @!p0 $0x1C01  }
0x137: {  	[timem:s3], [sflag:s2] =	dma.local @!p0 [hbm:s0], s1  }
0x138: {  	s0 =	simm.s32 @!p0 $0x1  }
0x139: {  	_ =	swait.ge @!p0 [sflag:s0], s1  }
0x13a: {  	s1 =	ssub.s32 @!p0 $0x0, s1;
	[sflag:s0] =	ssyncset.done @!p0 $0x0  }
0x13b: {  	[sflag:s0] =	ssyncadd.s32 @!p0 s1  }
0x13c: {  	[bflag:$0x3] =	sbarrier.arrive $0xFFFF  }
0x13d: {  	_ =	shalt  }

</sc_bundles>
